<compile_context>
chip_gen: v7x
topology: tpu7x:2x2x1
jax: 0.10.2.dev20260603
libtpu: 0.0.44.dev20260713+nightly
codegen_flags: <defaults>
</compile_context>

<pallas_src>
import functools

import jax
import jax.numpy as jnp
from jax import lax
from jax.experimental import pallas as pl
from jax.experimental.pallas import tpu as pltpu
from jax.experimental.pallas import tpu_sc as plsc

_D = 64
_MAXQ = 40
_NC = 2
_NS = 16
_L = 16
_NW = _NC * _NS

_CHUNK = 320
_NBUF = 4


@functools.cache
def _make_lookup(n_idx: int):
    b_per_w = n_idx // _NW
    n_chunks = b_per_w // _CHUNK
    assert n_chunks % _NBUF == 0 and n_chunks >= 2 * _NBUF
    mesh = plsc.VectorSubcoreMesh(core_axis_name="c", subcore_axis_name="s")

    @functools.partial(
        pl.kernel,
        out_type=jax.ShapeDtypeStruct((n_idx, _D), jnp.float32),
        mesh=mesh,
        scratch_types=[
            pltpu.VMEM((_NBUF, _CHUNK), jnp.int32),
            pltpu.VMEM((_NBUF, _CHUNK, _D), jnp.float32),
            pltpu.VMEM_SHARED((_MAXQ + 2, _D), jnp.float32),
            pltpu.SemaphoreType.DMA,
            pltpu.SemaphoreType.DMA,
            pltpu.SemaphoreType.DMA,
            pltpu.SemaphoreType.DMA,
            pltpu.SemaphoreType.DMA,
            pltpu.SemaphoreType.DMA,
        ],
        compiler_params=pltpu.CompilerParams(use_tc_tiling_on_sc=False),
    )
    def lookup(idx_hbm, table_hbm, out_hbm, idx_v, rows_v, tab_v,
               isem, gsem, os0, os1, os2, os3):
        osems = (os0, os1, os2, os3)
        wid = lax.axis_index("s") * _NC + lax.axis_index("c")
        base = wid * b_per_w

        @pl.when(lax.axis_index("s") == 0)
        def _():
            pltpu.sync_copy(table_hbm, tab_v)

        plsc.subcore_barrier()

        def idx_copy(ci, slot):
            return pltpu.make_async_copy(
                idx_hbm.at[pl.ds(base + ci * _CHUNK, _CHUNK)], idx_v.at[slot], isem
            )

        def clip(slot):
            for i in range(_CHUNK // _L):
                sl = pl.ds(i * _L, _L)
                idx_v[slot, sl] = jnp.clip(idx_v[slot, sl], 0, _MAXQ)

        def gather(slot):
            return pltpu.make_async_copy(
                tab_v.at[idx_v.at[slot]], rows_v.at[slot], gsem
            )

        def out_copy(ci, slot):
            return pltpu.make_async_copy(
                rows_v.at[slot], out_hbm.at[pl.ds(base + ci * _CHUNK, _CHUNK)],
                osems[slot],
            )

        idx_copy(0, 0).start()
        idx_copy(1, 1).start()
        idx_copy(0, 0).wait()
        clip(0)
        gather(0).start()

        def quad_body(g, carry):
            for b in range(_NBUF):
                ci = g * _NBUF + b
                b1 = (b + 1) % _NBUF

                @pl.when(ci + 1 < n_chunks)
                def _():
                    idx_copy(ci + 1, b1).wait()

                    @pl.when(ci + 2 < n_chunks)
                    def _():
                        idx_copy(ci + 2, (b + 2) % _NBUF).start()

                    clip(b1)

                    @pl.when(ci + 1 >= _NBUF)
                    def _():
                        out_copy(ci + 1 - _NBUF, b1).wait()

                    gather(b1).start()

                gather(b).wait()
                out_copy(ci, b).start()
            return carry

        lax.fori_loop(0, n_chunks // _NBUF, quad_body, 0)
        for b in range(_NBUF):
            out_copy(n_chunks - _NBUF + b, b).wait()

    return lookup


def kernel(inputs, table):
    b, s = inputs.shape
    idx = inputs.reshape(-1).astype(jnp.int32)
    out = _make_lookup(idx.shape[0])(idx, table)
    return out.reshape(b, s, _D)

# --- scband reference (transcript-rebuilt; emitter-appended) ---
"""Pipeline reference for scband-base-quality-embedding-layer-81088982548705 (READ-ONLY COPY).

The authoritative reference and input builder live on the scoring server;
editing this copy changes nothing except your own understanding.
"""

import jax, jax.numpy as jnp
import numpy as np

EMBEDDING_DIM = 64
MAX_QUALITY = 40
NUM_EMBEDDINGS = MAX_QUALITY + 2  # index_of_highest_quality + 1 = 42
PADDING_IDX = NUM_EMBEDDINGS - 1   # padding_idx=-1 wraps to last row (41)


def setup_inputs(seed: int = 0) -> dict:
    key = jax.random.key(seed)
    k1, k2 = jax.random.split(key)
    inputs = jax.random.randint(k1, (16384, 200), 0, 41, dtype=jnp.int64)
    # nn.Embedding default init: N(0,1); padding_idx row zeroed at init
    table = jax.random.normal(k2, (NUM_EMBEDDINGS, EMBEDDING_DIM), dtype=jnp.float32)
    table = table.at[PADDING_IDX].set(0.0)
    return {"inputs": inputs, "table": table}


def reference(inputs, table):
    idx = jnp.clip(inputs, 0, MAX_QUALITY)
    embeddings = jnp.take(table, idx, axis=0)
    return embeddings

if __name__ == "__main__":
    import jax
    _d = setup_inputs()
    print(jax.jit(kernel)(*tuple(_d.values())))

</pallas_src>

<mosaic_0001>
#map = affine_map<(d0, d1) -> (0)>
#map1 = affine_map<(d0, d1) -> (0, 0)>
module attributes {stable_mosaic.version = 14 : i64} {
  func.func @lookup(%arg0: i32, %arg1: i32, %arg2: memref<3276800xi32, #tpu.memory_space<hbm>>, %arg3: memref<42x64xf32, #tpu.memory_space<hbm>>, %arg4: memref<3276800x64xf32, #tpu.memory_space<hbm>>, %arg5: memref<4x320xi32, #tpu.memory_space<vmem>>, %arg6: memref<4x320x64xf32, #tpu.memory_space<vmem>>, %arg7: memref<42x64xf32, #tpu.memory_space<vmem_shared>>, %arg8: memref<!tpu.dma_semaphore, #tpu.memory_space<semaphore_mem>>, %arg9: memref<!tpu.dma_semaphore, #tpu.memory_space<semaphore_mem>>, %arg10: memref<!tpu.dma_semaphore, #tpu.memory_space<semaphore_mem>>, %arg11: memref<!tpu.dma_semaphore, #tpu.memory_space<semaphore_mem>>, %arg12: memref<!tpu.dma_semaphore, #tpu.memory_space<semaphore_mem>>, %arg13: memref<!tpu.dma_semaphore, #tpu.memory_space<semaphore_mem>>) attributes {dimension_semantics = [#tpu.dimension_semantics<core_parallel>, #tpu.dimension_semantics<subcore_parallel>], iteration_bounds = array<i64: 2, 16>, scalar_prefetch = 0 : i64, scratch_operands = 9 : i64, tpu.core_type = #tpu.core_type<sc_vector_subcore>, window_params = [{transform_indices = #map}, {transform_indices = #map1}, {transform_indices = #map1}]} {
    %mul3A = arith.constant 2 : i32
    %mul3A_0 = arith.muli %arg1, %mul3A : i32
    %add3A = arith.addi %mul3A_0, %arg0 : i32
    %mul3A_1 = arith.constant 102400 : i32
    %mul3A_2 = arith.muli %add3A, %mul3A_1 : i32
    %eq3A = arith.constant 0 : i32
    %eq3A_3 = arith.cmpi eq, %arg1, %eq3A : i32
    %convert_element_type3A = arith.extui %eq3A_3 : i1 to i32
    %cond3A = arith.constant 0 : i32
    %cond3A_4 = arith.cmpi ne, %convert_element_type3A, %cond3A : i32
    scf.if %cond3A_4 {
      "tpu.region"() ({
        %run_scoped3A = tpu.sem_alloc : memref<!tpu.dma_semaphore, #tpu.memory_space<semaphore_mem>>
        tpu.enqueue_dma source(%arg3 : memref<42x64xf32, #tpu.memory_space<hbm>>) target(%arg7 : memref<42x64xf32, #tpu.memory_space<vmem_shared>>) target_semaphore(%run_scoped3A : memref<!tpu.dma_semaphore, #tpu.memory_space<semaphore_mem>>)
        tpu.wait_dma2 semaphore(%run_scoped3A : memref<!tpu.dma_semaphore, #tpu.memory_space<semaphore_mem>>) src(%arg3 : memref<42x64xf32, #tpu.memory_space<hbm>>) dst(%arg7 : memref<42x64xf32, #tpu.memory_space<vmem_shared>>)
        tpu.yield
      }) : () -> ()
    } else {
    }
    %barrier3A = arith.constant 0 : index
    tpu.barrier barrier_id(%barrier3A)
    %add3A_5 = arith.constant 0 : i32
    %add3A_6 = arith.addi %mul3A_2, %add3A_5 : i32
    %dma_start3A = arith.constant 0 : i32
    %dma_start3A_7 = arith.constant 0 : i32
    %dma_start3A_8 = tpu.memref_slice %arg5[%dma_start3A, %dma_start3A_7] : memref<4x320xi32, #tpu.memory_space<vmem>> -> memref<1x320xi32, #tpu.memory_space<vmem>>
    %dma_start3A_9 = tpu.memref_squeeze %dma_start3A_8 : memref<1x320xi32, #tpu.memory_space<vmem>> -> memref<320xi32, #tpu.memory_space<vmem>>
    %dma_start3A_10 = tpu.memref_slice %arg2[%add3A_6] : memref<3276800xi32, #tpu.memory_space<hbm>> -> memref<320xi32, #tpu.memory_space<hbm>>
    %dma_start3A_11 = arith.constant 0 : i32
    %dma_start3A_12 = tpu.memref_slice %arg5[%dma_start3A, %dma_start3A_11] : memref<4x320xi32, #tpu.memory_space<vmem>> -> memref<1x320xi32, #tpu.memory_space<vmem>>
    %dma_start3A_13 = tpu.memref_squeeze %dma_start3A_12 : memref<1x320xi32, #tpu.memory_space<vmem>> -> memref<320xi32, #tpu.memory_space<vmem>>
    %dma_start3A_14 = tpu.memref_slice %arg2[%add3A_6] : memref<3276800xi32, #tpu.memory_space<hbm>> -> memref<320xi32, #tpu.memory_space<hbm>>
    tpu.enqueue_dma source(%dma_start3A_14 : memref<320xi32, #tpu.memory_space<hbm>>) target(%dma_start3A_13 : memref<320xi32, #tpu.memory_space<vmem>>) target_semaphore(%arg8 : memref<!tpu.dma_semaphore, #tpu.memory_space<semaphore_mem>>)
    %add3A_15 = arith.constant 320 : i32
    %add3A_16 = arith.addi %mul3A_2, %add3A_15 : i32
    %dma_start3A_17 = arith.constant 1 : i32
    %dma_start3A_18 = arith.constant 0 : i32
    %dma_start3A_19 = tpu.memref_slice %arg5[%dma_start3A_17, %dma_start3A_18] : memref<4x320xi32, #tpu.memory_space<vmem>> -> memref<1x320xi32, #tpu.memory_space<vmem>>
    %dma_start3A_20 = tpu.memref_squeeze %dma_start3A_19 : memref<1x320xi32, #tpu.memory_space<vmem>> -> memref<320xi32, #tpu.memory_space<vmem>>
    %dma_start3A_21 = tpu.memref_slice %arg2[%add3A_16] : memref<3276800xi32, #tpu.memory_space<hbm>> -> memref<320xi32, #tpu.memory_space<hbm>>
    %dma_start3A_22 = arith.constant 0 : i32
    %dma_start3A_23 = tpu.memref_slice %arg5[%dma_start3A_17, %dma_start3A_22] : memref<4x320xi32, #tpu.memory_space<vmem>> -> memref<1x320xi32, #tpu.memory_space<vmem>>
    %dma_start3A_24 = tpu.memref_squeeze %dma_start3A_23 : memref<1x320xi32, #tpu.memory_space<vmem>> -> memref<320xi32, #tpu.memory_space<vmem>>
    %dma_start3A_25 = tpu.memref_slice %arg2[%add3A_16] : memref<3276800xi32, #tpu.memory_space<hbm>> -> memref<320xi32, #tpu.memory_space<hbm>>
    tpu.enqueue_dma source(%dma_start3A_25 : memref<320xi32, #tpu.memory_space<hbm>>) target(%dma_start3A_24 : memref<320xi32, #tpu.memory_space<vmem>>) target_semaphore(%arg8 : memref<!tpu.dma_semaphore, #tpu.memory_space<semaphore_mem>>)
    %add3A_26 = arith.constant 0 : i32
    %add3A_27 = arith.addi %mul3A_2, %add3A_26 : i32
    %dma_wait3A = arith.constant 0 : i32
    %dma_wait3A_28 = arith.constant 0 : i32
    %dma_wait3A_29 = tpu.memref_slice %arg5[%dma_wait3A, %dma_wait3A_28] : memref<4x320xi32, #tpu.memory_space<vmem>> -> memref<1x320xi32, #tpu.memory_space<vmem>>
    %dma_wait3A_30 = tpu.memref_squeeze %dma_wait3A_29 : memref<1x320xi32, #tpu.memory_space<vmem>> -> memref<320xi32, #tpu.memory_space<vmem>>
    %dma_wait3A_31 = tpu.memref_slice %arg2[%add3A_27] : memref<3276800xi32, #tpu.memory_space<hbm>> -> memref<320xi32, #tpu.memory_space<hbm>>
    %dma_wait3A_32 = arith.constant 0 : i32
    %dma_wait3A_33 = tpu.memref_slice %arg5[%dma_wait3A, %dma_wait3A_32] : memref<4x320xi32, #tpu.memory_space<vmem>> -> memref<1x320xi32, #tpu.memory_space<vmem>>
    %dma_wait3A_34 = tpu.memref_squeeze %dma_wait3A_33 : memref<1x320xi32, #tpu.memory_space<vmem>> -> memref<320xi32, #tpu.memory_space<vmem>>
    %dma_wait3A_35 = tpu.memref_slice %arg2[%add3A_27] : memref<3276800xi32, #tpu.memory_space<hbm>> -> memref<320xi32, #tpu.memory_space<hbm>>
    tpu.wait_dma2 semaphore(%arg8 : memref<!tpu.dma_semaphore, #tpu.memory_space<semaphore_mem>>) src(%dma_wait3A_35 : memref<320xi32, #tpu.memory_space<hbm>>) dst(%dma_wait3A_34 : memref<320xi32, #tpu.memory_space<vmem>>)
    %get3A = arith.constant 0 : i32
    %get3A_36 = arith.index_cast %get3A : i32 to index
    %get3A_37 = arith.constant 0 : index
    %get3A_38 = tpu.vector_load %arg5[%get3A_36, %get3A_37] {strides = array<i32>} : memref<4x320xi32, #tpu.memory_space<vmem>>, vector<1x16xi32>,
    %get3A_39 = vector.shape_cast %get3A_38 : vector<1x16xi32> to vector<16xi32>
    %jit3A = arith.constant 0 : i32
    %jit3A_40 = arith.constant 40 : i32
    %max3A = vector.broadcast %jit3A : i32 to vector<16xi32>
    %max3A_41 = arith.maxsi %max3A, %get3A_39 : vector<16xi32>
    %min3A = vector.broadcast %jit3A_40 : i32 to vector<16xi32>
    %min3A_42 = arith.minsi %min3A, %max3A_41 : vector<16xi32>
    %swap3A = arith.constant 0 : i32
    %swap3A_43 = arith.index_cast %swap3A : i32 to index
    %swap3A_44 = arith.constant 0 : index
    %swap3A_45 = tpu.vector_load %arg5[%swap3A_43, %swap3A_44] {strides = array<i32>} : memref<4x320xi32, #tpu.memory_space<vmem>>, vector<1x16xi32>,
    %swap3A_46 = vector.shape_cast %swap3A_45 : vector<1x16xi32> to vector<16xi32>
    %swap3A_47 = vector.shape_cast %min3A_42 : vector<16xi32> to vector<1x16xi32>
    tpu.vector_store %arg5[%swap3A_43, %swap3A_44], %swap3A_47 {strides = array<i32>} : memref<4x320xi32, #tpu.memory_space<vmem>>, vector<1x16xi32>,
    %get3A_48 = arith.constant 0 : i32
    %get3A_49 = arith.index_cast %get3A_48 : i32 to index
    %get3A_50 = arith.constant 16 : index
    %get3A_51 = tpu.vector_load %arg5[%get3A_49, %get3A_50] {strides = array<i32>} : memref<4x320xi32, #tpu.memory_space<vmem>>, vector<1x16xi32>,
    %get3A_52 = vector.shape_cast %get3A_51 : vector<1x16xi32> to vector<16xi32>
    %jit3A_53 = arith.constant 0 : i32
    %jit3A_54 = arith.constant 40 : i32
    %max3A_55 = vector.broadcast %jit3A_53 : i32 to vector<16xi32>
    %max3A_56 = arith.maxsi %max3A_55, %get3A_52 : vector<16xi32>
    %min3A_57 = vector.broadcast %jit3A_54 : i32 to vector<16xi32>
    %min3A_58 = arith.minsi %min3A_57, %max3A_56 : vector<16xi32>
    %swap3A_59 = arith.constant 0 : i32
    %swap3A_60 = arith.index_cast %swap3A_59 : i32 to index
    %swap3A_61 = arith.constant 16 : index
    %swap3A_62 = tpu.vector_load %arg5[%swap3A_60, %swap3A_61] {strides = array<i32>} : memref<4x320xi32, #tpu.memory_space<vmem>>, vector<1x16xi32>,
    %swap3A_63 = vector.shape_cast %swap3A_62 : vector<1x16xi32> to vector<16xi32>
    %swap3A_64 = vector.shape_cast %min3A_58 : vector<16xi32> to vector<1x16xi32>
    tpu.vector_store %arg5[%swap3A_60, %swap3A_61], %swap3A_64 {strides = array<i32>} : memref<4x320xi32, #tpu.memory_space<vmem>>, vector<1x16xi32>,
    %get3A_65 = arith.constant 0 : i32
    %get3A_66 = arith.index_cast %get3A_65 : i32 to index
    %get3A_67 = arith.constant 32 : index
    %get3A_68 = tpu.vector_load %arg5[%get3A_66, %get3A_67] {strides = array<i32>} : memref<4x320xi32, #tpu.memory_space<vmem>>, vector<1x16xi32>,
    %get3A_69 = vector.shape_cast %get3A_68 : vector<1x16xi32> to vector<16xi32>
    %jit3A_70 = arith.constant 0 : i32
    %jit3A_71 = arith.constant 40 : i32
    %max3A_72 = vector.broadcast %jit3A_70 : i32 to vector<16xi32>
    %max3A_73 = arith.maxsi %max3A_72, %get3A_69 : vector<16xi32>
    %min3A_74 = vector.broadcast %jit3A_71 : i32 to vector<16xi32>
    %min3A_75 = arith.minsi %min3A_74, %max3A_73 : vector<16xi32>
    %swap3A_76 = arith.constant 0 : i32
    %swap3A_77 = arith.index_cast %swap3A_76 : i32 to index
    %swap3A_78 = arith.constant 32 : index
    %swap3A_79 = tpu.vector_load %arg5[%swap3A_77, %swap3A_78] {strides = array<i32>} : memref<4x320xi32, #tpu.memory_space<vmem>>, vector<1x16xi32>,
    %swap3A_80 = vector.shape_cast %swap3A_79 : vector<1x16xi32> to vector<16xi32>
    %swap3A_81 = vector.shape_cast %min3A_75 : vector<16xi32> to vector<1x16xi32>
    tpu.vector_store %arg5[%swap3A_77, %swap3A_78], %swap3A_81 {strides = array<i32>} : memref<4x320xi32, #tpu.memory_space<vmem>>, vector<1x16xi32>,
    %get3A_82 = arith.constant 0 : i32
    %get3A_83 = arith.index_cast %get3A_82 : i32 to index
    %get3A_84 = arith.constant 48 : index
    %get3A_85 = tpu.vector_load %arg5[%get3A_83, %get3A_84] {strides = array<i32>} : memref<4x320xi32, #tpu.memory_space<vmem>>, vector<1x16xi32>,
    %get3A_86 = vector.shape_cast %get3A_85 : vector<1x16xi32> to vector<16xi32>
    %jit3A_87 = arith.constant 0 : i32
    %jit3A_88 = arith.constant 40 : i32
    %max3A_89 = vector.broadcast %jit3A_87 : i32 to vector<16xi32>
    %max3A_90 = arith.maxsi %max3A_89, %get3A_86 : vector<16xi32>
    %min3A_91 = vector.broadcast %jit3A_88 : i32 to vector<16xi32>
    %min3A_92 = arith.minsi %min3A_91, %max3A_90 : vector<16xi32>
    %swap3A_93 = arith.constant 0 : i32
    %swap3A_94 = arith.index_cast %swap3A_93 : i32 to index
    %swap3A_95 = arith.constant 48 : index
    %swap3A_96 = tpu.vector_load %arg5[%swap3A_94, %swap3A_95] {strides = array<i32>} : memref<4x320xi32, #tpu.memory_space<vmem>>, vector<1x16xi32>,
    %swap3A_97 = vector.shape_cast %swap3A_96 : vector<1x16xi32> to vector<16xi32>
    %swap3A_98 = vector.shape_cast %min3A_92 : vector<16xi32> to vector<1x16xi32>
    tpu.vector_store %arg5[%swap3A_94, %swap3A_95], %swap3A_98 {strides = array<i32>} : memref<4x320xi32, #tpu.memory_space<vmem>>, vector<1x16xi32>,
    %get3A_99 = arith.constant 0 : i32
    %get3A_100 = arith.index_cast %get3A_99 : i32 to index
    %get3A_101 = arith.constant 64 : index
    %get3A_102 = tpu.vector_load %arg5[%get3A_100, %get3A_101] {strides = array<i32>} : memref<4x320xi32, #tpu.memory_space<vmem>>, vector<1x16xi32>,
    %get3A_103 = vector.shape_cast %get3A_102 : vector<1x16xi32> to vector<16xi32>
    %jit3A_104 = arith.constant 0 : i32
    %jit3A_105 = arith.constant 40 : i32
    %max3A_106 = vector.broadcast %jit3A_104 : i32 to vector<16xi32>
    %max3A_107 = arith.maxsi %max3A_106, %get3A_103 : vector<16xi32>
    %min3A_108 = vector.broadcast %jit3A_105 : i32 to vector<16xi32>
    %min3A_109 = arith.minsi %min3A_108, %max3A_107 : vector<16xi32>
    %swap3A_110 = arith.constant 0 : i32
    %swap3A_111 = arith.index_cast %swap3A_110 : i32 to index
    %swap3A_112 = arith.constant 64 : index
    %swap3A_113 = tpu.vector_load %arg5[%swap3A_111, %swap3A_112] {strides = array<i32>} : memref<4x320xi32, #tpu.memory_space<vmem>>, vector<1x16xi32>,
    %swap3A_114 = vector.shape_cast %swap3A_113 : vector<1x16xi32> to vector<16xi32>
    %swap3A_115 = vector.shape_cast %min3A_109 : vector<16xi32> to vector<1x16xi32>
    tpu.vector_store %arg5[%swap3A_111, %swap3A_112], %swap3A_115 {strides = array<i32>} : memref<4x320xi32, #tpu.memory_space<vmem>>, vector<1x16xi32>,
    %get3A_116 = arith.constant 0 : i32
    %get3A_117 = arith.index_cast %get3A_116 : i32 to index
    %get3A_118 = arith.constant 80 : index
    %get3A_119 = tpu.vector_load %arg5[%get3A_117, %get3A_118] {strides = array<i32>} : memref<4x320xi32, #tpu.memory_space<vmem>>, vector<1x16xi32>,
    %get3A_120 = vector.shape_cast %get3A_119 : vector<1x16xi32> to vector<16xi32>
    %jit3A_121 = arith.constant 0 : i32
    %jit3A_122 = arith.constant 40 : i32
    %max3A_123 = vector.broadcast %jit3A_121 : i32 to vector<16xi32>
    %max3A_124 = arith.maxsi %max3A_123, %get3A_120 : vector<16xi32>
    %min3A_125 = vector.broadcast %jit3A_122 : i32 to vector<16xi32>
    %min3A_126 = arith.minsi %min3A_125, %max3A_124 : vector<16xi32>
    %swap3A_127 = arith.constant 0 : i32
    %swap3A_128 = arith.index_cast %swap3A_127 : i32 to index
    %swap3A_129 = arith.constant 80 : index
    %swap3A_130 = tpu.vector_load %arg5[%swap3A_128, %swap3A_129] {strides = array<i32>} : memref<4x320xi32, #tpu.memory_space<vmem>>, vector<1x16xi32>,
    %swap3A_131 = vector.shape_cast %swap3A_130 : vector<1x16xi32> to vector<16xi32>
    %swap3A_132 = vector.shape_cast %min3A_126 : vector<16xi32> to vector<1x16xi32>
    tpu.vector_store %arg5[%swap3A_128, %swap3A_129], %swap3A_132 {strides = array<i32>} : memref<4x320xi32, #tpu.memory_space<vmem>>, vector<1x16xi32>,
    %get3A_133 = arith.constant 0 : i32
    %get3A_134 = arith.index_cast %get3A_133 : i32 to index
    %get3A_135 = arith.constant 96 : index
    %get3A_136 = tpu.vector_load %arg5[%get3A_134, %get3A_135] {strides = array<i32>} : memref<4x320xi32, #tpu.memory_space<vmem>>, vector<1x16xi32>,
    %get3A_137 = vector.shape_cast %get3A_136 : vector<1x16xi32> to vector<16xi32>
    %jit3A_138 = arith.constant 0 : i32
    %jit3A_139 = arith.constant 40 : i32
    %max3A_140 = vector.broadcast %jit3A_138 : i32 to vector<16xi32>
    %max3A_141 = arith.maxsi %max3A_140, %get3A_137 : vector<16xi32>
    %min3A_142 = vector.broadcast %jit3A_139 : i32 to vector<16xi32>
    %min3A_143 = arith.minsi %min3A_142, %max3A_141 : vector<16xi32>
    %swap3A_144 = arith.constant 0 : i32
    %swap3A_145 = arith.index_cast %swap3A_144 : i32 to index
    %swap3A_146 = arith.constant 96 : index
    %swap3A_147 = tpu.vector_load %arg5[%swap3A_145, %swap3A_146] {strides = array<i32>} : memref<4x320xi32, #tpu.memory_space<vmem>>, vector<1x16xi32>,
    %swap3A_148 = vector.shape_cast %swap3A_147 : vector<1x16xi32> to vector<16xi32>
    %swap3A_149 = vector.shape_cast %min3A_143 : vector<16xi32> to vector<1x16xi32>
    tpu.vector_store %arg5[%swap3A_145, %swap3A_146], %swap3A_149 {strides = array<i32>} : memref<4x320xi32, #tpu.memory_space<vmem>>, vector<1x16xi32>,
    %get3A_150 = arith.constant 0 : i32
    %get3A_151 = arith.index_cast %get3A_150 : i32 to index
    %get3A_152 = arith.constant 112 : index
    %get3A_153 = tpu.vector_load %arg5[%get3A_151, %get3A_152] {strides = array<i32>} : memref<4x320xi32, #tpu.memory_space<vmem>>, vector<1x16xi32>,
    %get3A_154 = vector.shape_cast %get3A_153 : vector<1x16xi32> to vector<16xi32>
    %jit3A_155 = arith.constant 0 : i32
    %jit3A_156 = arith.constant 40 : i32
    %max3A_157 = vector.broadcast %jit3A_155 : i32 to vector<16xi32>
    %max3A_158 = arith.maxsi %max3A_157, %get3A_154 : vector<16xi32>
    %min3A_159 = vector.broadcast %jit3A_156 : i32 to vector<16xi32>
    %min3A_160 = arith.minsi %min3A_159, %max3A_158 : vector<16xi32>
    %swap3A_161 = arith.constant 0 : i32
    %swap3A_162 = arith.index_cast %swap3A_161 : i32 to index
    %swap3A_163 = arith.constant 112 : index
    %swap3A_164 = tpu.vector_load %arg5[%swap3A_162, %swap3A_163] {strides = array<i32>} : memref<4x320xi32, #tpu.memory_space<vmem>>, vector<1x16xi32>,
    %swap3A_165 = vector.shape_cast %swap3A_164 : vector<1x16xi32> to vector<16xi32>
    %swap3A_166 = vector.shape_cast %min3A_160 : vector<16xi32> to vector<1x16xi32>
    tpu.vector_store %arg5[%swap3A_162, %swap3A_163], %swap3A_166 {strides = array<i32>} : memref<4x320xi32, #tpu.memory_space<vmem>>, vector<1x16xi32>,
    %get3A_167 = arith.constant 0 : i32
    %get3A_168 = arith.index_cast %get3A_167 : i32 to index
    %get3A_169 = arith.constant 128 : index
    %get3A_170 = tpu.vector_load %arg5[%get3A_168, %get3A_169] {strides = array<i32>} : memref<4x320xi32, #tpu.memory_space<vmem>>, vector<1x16xi32>,
    %get3A_171 = vector.shape_cast %get3A_170 : vector<1x16xi32> to vector<16xi32>
    %jit3A_172 = arith.constant 0 : i32
    %jit3A_173 = arith.constant 40 : i32
    %max3A_174 = vector.broadcast %jit3A_172 : i32 to vector<16xi32>
    %max3A_175 = arith.maxsi %max3A_174, %get3A_171 : vector<16xi32>
    %min3A_176 = vector.broadcast %jit3A_173 : i32 to vector<16xi32>
    %min3A_177 = arith.minsi %min3A_176, %max3A_175 : vector<16xi32>
    %swap3A_178 = arith.constant 0 : i32
    %swap3A_179 = arith.index_cast %swap3A_178 : i32 to index
    %swap3A_180 = arith.constant 128 : index
    %swap3A_181 = tpu.vector_load %arg5[%swap3A_179, %swap3A_180] {strides = array<i32>} : memref<4x320xi32, #tpu.memory_space<vmem>>, vector<1x16xi32>,
    %swap3A_182 = vector.shape_cast %swap3A_181 : vector<1x16xi32> to vector<16xi32>
    %swap3A_183 = vector.shape_cast %min3A_177 : vector<16xi32> to vector<1x16xi32>
    tpu.vector_store %arg5[%swap3A_179, %swap3A_180], %swap3A_183 {strides = array<i32>} : memref<4x320xi32, #tpu.memory_space<vmem>>, vector<1x16xi32>,
    %get3A_184 = arith.constant 0 : i32
    %get3A_185 = arith.index_cast %get3A_184 : i32 to index
    %get3A_186 = arith.constant 144 : index
    %get3A_187 = tpu.vector_load %arg5[%get3A_185, %get3A_186] {strides = array<i32>} : memref<4x320xi32, #tpu.memory_space<vmem>>, vector<1x16xi32>,
    %get3A_188 = vector.shape_cast %get3A_187 : vector<1x16xi32> to vector<16xi32>
    %jit3A_189 = arith.constant 0 : i32
    %jit3A_190 = arith.constant 40 : i32
    %max3A_191 = vector.broadcast %jit3A_189 : i32 to vector<16xi32>
    %max3A_192 = arith.maxsi %max3A_191, %get3A_188 : vector<16xi32>
    %min3A_193 = vector.broadcast %jit3A_190 : i32 to vector<16xi32>
    %min3A_194 = arith.minsi %min3A_193, %max3A_192 : vector<16xi32>
    %swap3A_195 = arith.constant 0 : i32
    %swap3A_196 = arith.index_cast %swap3A_195 : i32 to index
    %swap3A_197 = arith.constant 144 : index
    %swap3A_198 = tpu.vector_load %arg5[%swap3A_196, %swap3A_197] {strides = array<i32>} : memref<4x320xi32, #tpu.memory_space<vmem>>, vector<1x16xi32>,
    %swap3A_199 = vector.shape_cast %swap3A_198 : vector<1x16xi32> to vector<16xi32>
    %swap3A_200 = vector.shape_cast %min3A_194 : vector<16xi32> to vector<1x16xi32>
    tpu.vector_store %arg5[%swap3A_196, %swap3A_197], %swap3A_200 {strides = array<i32>} : memref<4x320xi32, #tpu.memory_space<vmem>>, vector<1x16xi32>,
    %get3A_201 = arith.constant 0 : i32
    %get3A_202 = arith.index_cast %get3A_201 : i32 to index
    %get3A_203 = arith.constant 160 : index
    %get3A_204 = tpu.vector_load %arg5[%get3A_202, %get3A_203] {strides = array<i32>} : memref<4x320xi32, #tpu.memory_space<vmem>>, vector<1x16xi32>,
    %get3A_205 = vector.shape_cast %get3A_204 : vector<1x16xi32> to vector<16xi32>
    %jit3A_206 = arith.constant 0 : i32
    %jit3A_207 = arith.constant 40 : i32
    %max3A_208 = vector.broadcast %jit3A_206 : i32 to vector<16xi32>
    %max3A_209 = arith.maxsi %max3A_208, %get3A_205 : vector<16xi32>
    %min3A_210 = vector.broadcast %jit3A_207 : i32 to vector<16xi32>
    %min3A_211 = arith.minsi %min3A_210, %max3A_209 : vector<16xi32>
    %swap3A_212 = arith.constant 0 : i32
    %swap3A_213 = arith.index_cast %swap3A_212 : i32 to index
    %swap3A_214 = arith.constant 160 : index
    %swap3A_215 = tpu.vector_load %arg5[%swap3A_213, %swap3A_214] {strides = array<i32>} : memref<4x320xi32, #tpu.memory_space<vmem>>, vector<1x16xi32>,
    %swap3A_216 = vector.shape_cast %swap3A_215 : vector<1x16xi32> to vector<16xi32>
    %swap3A_217 = vector.shape_cast %min3A_211 : vector<16xi32> to vector<1x16xi32>
    tpu.vector_store %arg5[%swap3A_213, %swap3A_214], %swap3A_217 {strides = array<i32>} : memref<4x320xi32, #tpu.memory_space<vmem>>, vector<1x16xi32>,
    %get3A_218 = arith.constant 0 : i32
    %get3A_219 = arith.index_cast %get3A_218 : i32 to index
    %get3A_220 = arith.constant 176 : index
    %get3A_221 = tpu.vector_load %arg5[%get3A_219, %get3A_220] {strides = array<i32>} : memref<4x320xi32, #tpu.memory_space<vmem>>, vector<1x16xi32>,
    %get3A_222 = vector.shape_cast %get3A_221 : vector<1x16xi32> to vector<16xi32>
    %jit3A_223 = arith.constant 0 : i32
    %jit3A_224 = arith.constant 40 : i32
    %max3A_225 = vector.broadcast %jit3A_223 : i32 to vector<16xi32>
    %max3A_226 = arith.maxsi %max3A_225, %get3A_222 : vector<16xi32>
    %min3A_227 = vector.broadcast %jit3A_224 : i32 to vector<16xi32>
    %min3A_228 = arith.minsi %min3A_227, %max3A_226 : vector<16xi32>
    %swap3A_229 = arith.constant 0 : i32
    %swap3A_230 = arith.index_cast %swap3A_229 : i32 to index
    %swap3A_231 = arith.constant 176 : index
    %swap3A_232 = tpu.vector_load %arg5[%swap3A_230, %swap3A_231] {strides = array<i32>} : memref<4x320xi32, #tpu.memory_space<vmem>>, vector<1x16xi32>,
    %swap3A_233 = vector.shape_cast %swap3A_232 : vector<1x16xi32> to vector<16xi32>
    %swap3A_234 = vector.shape_cast %min3A_228 : vector<16xi32> to vector<1x16xi32>
    tpu.vector_store %arg5[%swap3A_230, %swap3A_231], %swap3A_234 {strides = array<i32>} : memref<4x320xi32, #tpu.memory_space<vmem>>, vector<1x16xi32>,
    %get3A_235 = arith.constant 0 : i32
    %get3A_236 = arith.index_cast %get3A_235 : i32 to index
    %get3A_237 = arith.constant 192 : index
    %get3A_238 = tpu.vector_load %arg5[%get3A_236, %get3A_237] {strides = array<i32>} : memref<4x320xi32, #tpu.memory_space<vmem>>, vector<1x16xi32>,
    %get3A_239 = vector.shape_cast %get3A_238 : vector<1x16xi32> to vector<16xi32>
    %jit3A_240 = arith.constant 0 : i32
    %jit3A_241 = arith.constant 40 : i32
    %max3A_242 = vector.broadcast %jit3A_240 : i32 to vector<16xi32>
    %max3A_243 = arith.maxsi %max3A_242, %get3A_239 : vector<16xi32>
    %min3A_244 = vector.broadcast %jit3A_241 : i32 to vector<16xi32>
    %min3A_245 = arith.minsi %min3A_244, %max3A_243 : vector<16xi32>
    %swap3A_246 = arith.constant 0 : i32
    %swap3A_247 = arith.index_cast %swap3A_246 : i32 to index
    %swap3A_248 = arith.constant 192 : index
    %swap3A_249 = tpu.vector_load %arg5[%swap3A_247, %swap3A_248] {strides = array<i32>} : memref<4x320xi32, #tpu.memory_space<vmem>>, vector<1x16xi32>,
    %swap3A_250 = vector.shape_cast %swap3A_249 : vector<1x16xi32> to vector<16xi32>
    %swap3A_251 = vector.shape_cast %min3A_245 : vector<16xi32> to vector<1x16xi32>
    tpu.vector_store %arg5[%swap3A_247, %swap3A_248], %swap3A_251 {strides = array<i32>} : memref<4x320xi32, #tpu.memory_space<vmem>>, vector<1x16xi32>,
    %get3A_252 = arith.constant 0 : i32
    %get3A_253 = arith.index_cast %get3A_252 : i32 to index
    %get3A_254 = arith.constant 208 : index
    %get3A_255 = tpu.vector_load %arg5[%get3A_253, %get3A_254] {strides = array<i32>} : memref<4x320xi32, #tpu.memory_space<vmem>>, vector<1x16xi32>,
    %get3A_256 = vector.shape_cast %get3A_255 : vector<1x16xi32> to vector<16xi32>
    %jit3A_257 = arith.constant 0 : i32
    %jit3A_258 = arith.constant 40 : i32
    %max3A_259 = vector.broadcast %jit3A_257 : i32 to vector<16xi32>
    %max3A_260 = arith.maxsi %max3A_259, %get3A_256 : vector<16xi32>
    %min3A_261 = vector.broadcast %jit3A_258 : i32 to vector<16xi32>
    %min3A_262 = arith.minsi %min3A_261, %max3A_260 : vector<16xi32>
    %swap3A_263 = arith.constant 0 : i32
    %swap3A_264 = arith.index_cast %swap3A_263 : i32 to index
    %swap3A_265 = arith.constant 208 : index
    %swap3A_266 = tpu.vector_load %arg5[%swap3A_264, %swap3A_265] {strides = array<i32>} : memref<4x320xi32, #tpu.memory_space<vmem>>, vector<1x16xi32>,
    %swap3A_267 = vector.shape_cast %swap3A_266 : vector<1x16xi32> to vector<16xi32>
    %swap3A_268 = vector.shape_cast %min3A_262 : vector<16xi32> to vector<1x16xi32>
    tpu.vector_store %arg5[%swap3A_264, %swap3A_265], %swap3A_268 {strides = array<i32>} : memref<4x320xi32, #tpu.memory_space<vmem>>, vector<1x16xi32>,
    %get3A_269 = arith.constant 0 : i32
    %get3A_270 = arith.index_cast %get3A_269 : i32 to index
    %get3A_271 = arith.constant 224 : index
    %get3A_272 = tpu.vector_load %arg5[%get3A_270, %get3A_271] {strides = array<i32>} : memref<4x320xi32, #tpu.memory_space<vmem>>, vector<1x16xi32>,
    %get3A_273 = vector.shape_cast %get3A_272 : vector<1x16xi32> to vector<16xi32>
    %jit3A_274 = arith.constant 0 : i32
    %jit3A_275 = arith.constant 40 : i32
    %max3A_276 = vector.broadcast %jit3A_274 : i32 to vector<16xi32>
    %max3A_277 = arith.maxsi %max3A_276, %get3A_273 : vector<16xi32>
    %min3A_278 = vector.broadcast %jit3A_275 : i32 to vector<16xi32>
    %min3A_279 = arith.minsi %min3A_278, %max3A_277 : vector<16xi32>
    %swap3A_280 = arith.constant 0 : i32
    %swap3A_281 = arith.index_cast %swap3A_280 : i32 to index
    %swap3A_282 = arith.constant 224 : index
    %swap3A_283 = tpu.vector_load %arg5[%swap3A_281, %swap3A_282] {strides = array<i32>} : memref<4x320xi32, #tpu.memory_space<vmem>>, vector<1x16xi32>,
    %swap3A_284 = vector.shape_cast %swap3A_283 : vector<1x16xi32> to vector<16xi32>
    %swap3A_285 = vector.shape_cast %min3A_279 : vector<16xi32> to vector<1x16xi32>
    tpu.vector_store %arg5[%swap3A_281, %swap3A_282], %swap3A_285 {strides = array<i32>} : memref<4x320xi32, #tpu.memory_space<vmem>>, vector<1x16xi32>,
    %get3A_286 = arith.constant 0 : i32
    %get3A_287 = arith.index_cast %get3A_286 : i32 to index
    %get3A_288 = arith.constant 240 : index
    %get3A_289 = tpu.vector_load %arg5[%get3A_287, %get3A_288] {strides = array<i32>} : memref<4x320xi32, #tpu.memory_space<vmem>>, vector<1x16xi32>,
    %get3A_290 = vector.shape_cast %get3A_289 : vector<1x16xi32> to vector<16xi32>
    %jit3A_291 = arith.constant 0 : i32
    %jit3A_292 = arith.constant 40 : i32
    %max3A_293 = vector.broadcast %jit3A_291 : i32 to vector<16xi32>
    %max3A_294 = arith.maxsi %max3A_293, %get3A_290 : vector<16xi32>
    %min3A_295 = vector.broadcast %jit3A_292 : i32 to vector<16xi32>
    %min3A_296 = arith.minsi %min3A_295, %max3A_294 : vector<16xi32>
    %swap3A_297 = arith.constant 0 : i32
    %swap3A_298 = arith.index_cast %swap3A_297 : i32 to index
    %swap3A_299 = arith.constant 240 : index
    %swap3A_300 = tpu.vector_load %arg5[%swap3A_298, %swap3A_299] {strides = array<i32>} : memref<4x320xi32, #tpu.memory_space<vmem>>, vector<1x16xi32>,
    %swap3A_301 = vector.shape_cast %swap3A_300 : vector<1x16xi32> to vector<16xi32>
    %swap3A_302 = vector.shape_cast %min3A_296 : vector<16xi32> to vector<1x16xi32>
    tpu.vector_store %arg5[%swap3A_298, %swap3A_299], %swap3A_302 {strides = array<i32>} : memref<4x320xi32, #tpu.memory_space<vmem>>, vector<1x16xi32>,
    %get3A_303 = arith.constant 0 : i32
    %get3A_304 = arith.index_cast %get3A_303 : i32 to index
    %get3A_305 = arith.constant 256 : index
    %get3A_306 = tpu.vector_load %arg5[%get3A_304, %get3A_305] {strides = array<i32>} : memref<4x320xi32, #tpu.memory_space<vmem>>, vector<1x16xi32>,
    %get3A_307 = vector.shape_cast %get3A_306 : vector<1x16xi32> to vector<16xi32>
    %jit3A_308 = arith.constant 0 : i32
    %jit3A_309 = arith.constant 40 : i32
    %max3A_310 = vector.broadcast %jit3A_308 : i32 to vector<16xi32>
    %max3A_311 = arith.maxsi %max3A_310, %get3A_307 : vector<16xi32>
    %min3A_312 = vector.broadcast %jit3A_309 : i32 to vector<16xi32>
    %min3A_313 = arith.minsi %min3A_312, %max3A_311 : vector<16xi32>
    %swap3A_314 = arith.constant 0 : i32
    %swap3A_315 = arith.index_cast %swap3A_314 : i32 to index
    %swap3A_316 = arith.constant 256 : index
    %swap3A_317 = tpu.vector_load %arg5[%swap3A_315, %swap3A_316] {strides = array<i32>} : memref<4x320xi32, #tpu.memory_space<vmem>>, vector<1x16xi32>,
    %swap3A_318 = vector.shape_cast %swap3A_317 : vector<1x16xi32> to vector<16xi32>
    %swap3A_319 = vector.shape_cast %min3A_313 : vector<16xi32> to vector<1x16xi32>
    tpu.vector_store %arg5[%swap3A_315, %swap3A_316], %swap3A_319 {strides = array<i32>} : memref<4x320xi32, #tpu.memory_space<vmem>>, vector<1x16xi32>,
    %get3A_320 = arith.constant 0 : i32
    %get3A_321 = arith.index_cast %get3A_320 : i32 to index
    %get3A_322 = arith.constant 272 : index
    %get3A_323 = tpu.vector_load %arg5[%get3A_321, %get3A_322] {strides = array<i32>} : memref<4x320xi32, #tpu.memory_space<vmem>>, vector<1x16xi32>,
    %get3A_324 = vector.shape_cast %get3A_323 : vector<1x16xi32> to vector<16xi32>
    %jit3A_325 = arith.constant 0 : i32
    %jit3A_326 = arith.constant 40 : i32
    %max3A_327 = vector.broadcast %jit3A_325 : i32 to vector<16xi32>
    %max3A_328 = arith.maxsi %max3A_327, %get3A_324 : vector<16xi32>
    %min3A_329 = vector.broadcast %jit3A_326 : i32 to vector<16xi32>
    %min3A_330 = arith.minsi %min3A_329, %max3A_328 : vector<16xi32>
    %swap3A_331 = arith.constant 0 : i32
    %swap3A_332 = arith.index_cast %swap3A_331 : i32 to index
    %swap3A_333 = arith.constant 272 : index
    %swap3A_334 = tpu.vector_load %arg5[%swap3A_332, %swap3A_333] {strides = array<i32>} : memref<4x320xi32, #tpu.memory_space<vmem>>, vector<1x16xi32>,
    %swap3A_335 = vector.shape_cast %swap3A_334 : vector<1x16xi32> to vector<16xi32>
    %swap3A_336 = vector.shape_cast %min3A_330 : vector<16xi32> to vector<1x16xi32>
    tpu.vector_store %arg5[%swap3A_332, %swap3A_333], %swap3A_336 {strides = array<i32>} : memref<4x320xi32, #tpu.memory_space<vmem>>, vector<1x16xi32>,
    %get3A_337 = arith.constant 0 : i32
    %get3A_338 = arith.index_cast %get3A_337 : i32 to index
    %get3A_339 = arith.constant 288 : index
    %get3A_340 = tpu.vector_load %arg5[%get3A_338, %get3A_339] {strides = array<i32>} : memref<4x320xi32, #tpu.memory_space<vmem>>, vector<1x16xi32>,
    %get3A_341 = vector.shape_cast %get3A_340 : vector<1x16xi32> to vector<16xi32>
    %jit3A_342 = arith.constant 0 : i32
    %jit3A_343 = arith.constant 40 : i32
    %max3A_344 = vector.broadcast %jit3A_342 : i32 to vector<16xi32>
    %max3A_345 = arith.maxsi %max3A_344, %get3A_341 : vector<16xi32>
    %min3A_346 = vector.broadcast %jit3A_343 : i32 to vector<16xi32>
    %min3A_347 = arith.minsi %min3A_346, %max3A_345 : vector<16xi32>
    %swap3A_348 = arith.constant 0 : i32
    %swap3A_349 = arith.index_cast %swap3A_348 : i32 to index
    %swap3A_350 = arith.constant 288 : index
    %swap3A_351 = tpu.vector_load %arg5[%swap3A_349, %swap3A_350] {strides = array<i32>} : memref<4x320xi32, #tpu.memory_space<vmem>>, vector<1x16xi32>,
    %swap3A_352 = vector.shape_cast %swap3A_351 : vector<1x16xi32> to vector<16xi32>
    %swap3A_353 = vector.shape_cast %min3A_347 : vector<16xi32> to vector<1x16xi32>
    tpu.vector_store %arg5[%swap3A_349, %swap3A_350], %swap3A_353 {strides = array<i32>} : memref<4x320xi32, #tpu.memory_space<vmem>>, vector<1x16xi32>,
    %get3A_354 = arith.constant 0 : i32
    %get3A_355 = arith.index_cast %get3A_354 : i32 to index
    %get3A_356 = arith.constant 304 : index
    %get3A_357 = tpu.vector_load %arg5[%get3A_355, %get3A_356] {strides = array<i32>} : memref<4x320xi32, #tpu.memory_space<vmem>>, vector<1x16xi32>,
    %get3A_358 = vector.shape_cast %get3A_357 : vector<1x16xi32> to vector<16xi32>
    %jit3A_359 = arith.constant 0 : i32
    %jit3A_360 = arith.constant 40 : i32
    %max3A_361 = vector.broadcast %jit3A_359 : i32 to vector<16xi32>
    %max3A_362 = arith.maxsi %max3A_361, %get3A_358 : vector<16xi32>
    %min3A_363 = vector.broadcast %jit3A_360 : i32 to vector<16xi32>
    %min3A_364 = arith.minsi %min3A_363, %max3A_362 : vector<16xi32>
    %swap3A_365 = arith.constant 0 : i32
    %swap3A_366 = arith.index_cast %swap3A_365 : i32 to index
    %swap3A_367 = arith.constant 304 : index
    %swap3A_368 = tpu.vector_load %arg5[%swap3A_366, %swap3A_367] {strides = array<i32>} : memref<4x320xi32, #tpu.memory_space<vmem>>, vector<1x16xi32>,
    %swap3A_369 = vector.shape_cast %swap3A_368 : vector<1x16xi32> to vector<16xi32>
    %swap3A_370 = vector.shape_cast %min3A_364 : vector<16xi32> to vector<1x16xi32>
    tpu.vector_store %arg5[%swap3A_366, %swap3A_367], %swap3A_370 {strides = array<i32>} : memref<4x320xi32, #tpu.memory_space<vmem>>, vector<1x16xi32>,
    %dma_start3A_371 = arith.constant 0 : i32
    %dma_start3A_372 = arith.constant 0 : i32
    %dma_start3A_373 = arith.constant 0 : i32
    %dma_start3A_374 = arith.constant 0 : i32
    %dma_start3A_375 = tpu.memref_slice %arg6[%dma_start3A_372, %dma_start3A_373, %dma_start3A_374] : memref<4x320x64xf32, #tpu.memory_space<vmem>> -> memref<1x320x64xf32, #tpu.memory_space<vmem>>
    %dma_start3A_376 = tpu.memref_squeeze %dma_start3A_375 : memref<1x320x64xf32, #tpu.memory_space<vmem>> -> memref<320x64xf32, #tpu.memory_space<vmem>>
    %dma_start3A_377 = arith.constant 0 : i32
    %dma_start3A_378 = tpu.memref_slice %arg5[%dma_start3A_371, %dma_start3A_377] : memref<4x320xi32, #tpu.memory_space<vmem>> -> memref<1x320xi32, #tpu.memory_space<vmem>>
    %dma_start3A_379 = tpu.memref_squeeze %dma_start3A_378 : memref<1x320xi32, #tpu.memory_space<vmem>> -> memref<320xi32, #tpu.memory_space<vmem>>
    %dma_start3A_380 = arith.constant 0 : i32
    %dma_start3A_381 = arith.constant 0 : i32
    %dma_start3A_382 = tpu.memref_slice %arg7[%dma_start3A_380, %dma_start3A_381] : memref<42x64xf32, #tpu.memory_space<vmem_shared>> -> memref<42x64xf32, #tpu.memory_space<vmem_shared>>
    tpu.enqueue_indirect_dma source(%dma_start3A_382 : memref<42x64xf32, #tpu.memory_space<vmem_shared>>) target(%dma_start3A_376 : memref<320x64xf32, #tpu.memory_space<vmem>>) offsets(%dma_start3A_379 : memref<320xi32, #tpu.memory_space<vmem>>) semaphore(%arg9 : memref<!tpu.dma_semaphore, #tpu.memory_space<semaphore_mem>>)
    %scan3A = arith.constant 0 : i32
    %scan3A_383 = arith.constant 0 : i32
    %scan3A_384 = arith.constant 80 : i32
    %scan3A_385 = arith.addi %scan3A_383, %scan3A_384 : i32
    %scan3A_386 = arith.constant 1 : i32
    scf.for %scan3A_448 = %scan3A_383 to %scan3A_385 step %scan3A_386  : i32 {
      %mul3A_449 = arith.constant 4 : i32
      %mul3A_450 = arith.muli %scan3A_448, %mul3A_449 : i32
      %add3A_451 = arith.constant 0 : i32
      %add3A_452 = arith.addi %mul3A_450, %add3A_451 : i32
      %add3A_453 = arith.constant 1 : i32
      %add3A_454 = arith.addi %add3A_452, %add3A_453 : i32
      %lt3A = arith.constant 320 : i32
      %lt3A_455 = arith.cmpi slt, %add3A_454, %lt3A : i32
      %convert_element_type3A_456 = arith.extui %lt3A_455 : i1 to i32
      %cond3A_457 = arith.constant 0 : i32
      %cond3A_458 = arith.cmpi ne, %convert_element_type3A_456, %cond3A_457 : i32
      scf.if %cond3A_458 {
        %add3A_604 = arith.constant 1 : i32
        %add3A_605 = arith.addi %add3A_452, %add3A_604 : i32
        %mul3A_606 = arith.constant 320 : i32
        %mul3A_607 = arith.muli %add3A_605, %mul3A_606 : i32
        %add3A_608 = arith.addi %mul3A_2, %mul3A_607 : i32
        %dma_wait3A_609 = arith.constant 1 : i32
        %dma_wait3A_610 = arith.constant 0 : i32
        %dma_wait3A_611 = tpu.memref_slice %arg5[%dma_wait3A_609, %dma_wait3A_610] : memref<4x320xi32, #tpu.memory_space<vmem>> -> memref<1x320xi32, #tpu.memory_space<vmem>>
        %dma_wait3A_612 = tpu.memref_squeeze %dma_wait3A_611 : memref<1x320xi32, #tpu.memory_space<vmem>> -> memref<320xi32, #tpu.memory_space<vmem>>
        %dma_wait3A_613 = tpu.memref_slice %arg2[%add3A_608] : memref<3276800xi32, #tpu.memory_space<hbm>> -> memref<320xi32, #tpu.memory_space<hbm>>
        %dma_wait3A_614 = arith.constant 0 : i32
        %dma_wait3A_615 = tpu.memref_slice %arg5[%dma_wait3A_609, %dma_wait3A_614] : memref<4x320xi32, #tpu.memory_space<vmem>> -> memref<1x320xi32, #tpu.memory_space<vmem>>
        %dma_wait3A_616 = tpu.memref_squeeze %dma_wait3A_615 : memref<1x320xi32, #tpu.memory_space<vmem>> -> memref<320xi32, #tpu.memory_space<vmem>>
        %dma_wait3A_617 = tpu.memref_slice %arg2[%add3A_608] : memref<3276800xi32, #tpu.memory_space<hbm>> -> memref<320xi32, #tpu.memory_space<hbm>>
        tpu.wait_dma2 semaphore(%arg8 : memref<!tpu.dma_semaphore, #tpu.memory_space<semaphore_mem>>) src(%dma_wait3A_617 : memref<320xi32, #tpu.memory_space<hbm>>) dst(%dma_wait3A_616 : memref<320xi32, #tpu.memory_space<vmem>>)
        %add3A_618 = arith.constant 2 : i32
        %add3A_619 = arith.addi %add3A_452, %add3A_618 : i32
        %lt3A_620 = arith.constant 320 : i32
        %lt3A_621 = arith.cmpi slt, %add3A_619, %lt3A_620 : i32
        %convert_element_type3A_622 = arith.extui %lt3A_621 : i1 to i32
        %cond3A_623 = arith.constant 0 : i32
        %cond3A_624 = arith.cmpi ne, %convert_element_type3A_622, %cond3A_623 : i32
        scf.if %cond3A_624 {
          %add3A_983 = arith.constant 2 : i32
          %add3A_984 = arith.addi %add3A_452, %add3A_983 : i32
          %mul3A_985 = arith.constant 320 : i32
          %mul3A_986 = arith.muli %add3A_984, %mul3A_985 : i32
          %add3A_987 = arith.addi %mul3A_2, %mul3A_986 : i32
          %dma_start3A_988 = arith.constant 2 : i32
          %dma_start3A_989 = arith.constant 0 : i32
          %dma_start3A_990 = tpu.memref_slice %arg5[%dma_start3A_988, %dma_start3A_989] : memref<4x320xi32, #tpu.memory_space<vmem>> -> memref<1x320xi32, #tpu.memory_space<vmem>>
          %dma_start3A_991 = tpu.memref_squeeze %dma_start3A_990 : memref<1x320xi32, #tpu.memory_space<vmem>> -> memref<320xi32, #tpu.memory_space<vmem>>
          %dma_start3A_992 = tpu.memref_slice %arg2[%add3A_987] : memref<3276800xi32, #tpu.memory_space<hbm>> -> memref<320xi32, #tpu.memory_space<hbm>>
          %dma_start3A_993 = arith.constant 0 : i32
          %dma_start3A_994 = tpu.memref_slice %arg5[%dma_start3A_988, %dma_start3A_993] : memref<4x320xi32, #tpu.memory_space<vmem>> -> memref<1x320xi32, #tpu.memory_space<vmem>>
          %dma_start3A_995 = tpu.memref_squeeze %dma_start3A_994 : memref<1x320xi32, #tpu.memory_space<vmem>> -> memref<320xi32, #tpu.memory_space<vmem>>
          %dma_start3A_996 = tpu.memref_slice %arg2[%add3A_987] : memref<3276800xi32, #tpu.memory_space<hbm>> -> memref<320xi32, #tpu.memory_space<hbm>>
          tpu.enqueue_dma source(%dma_start3A_996 : memref<320xi32, #tpu.memory_space<hbm>>) target(%dma_start3A_995 : memref<320xi32, #tpu.memory_space<vmem>>) target_semaphore(%arg8 : memref<!tpu.dma_semaphore, #tpu.memory_space<semaphore_mem>>)
        } else {
        }
        %get3A_625 = arith.constant 1 : i32
        %get3A_626 = arith.index_cast %get3A_625 : i32 to index
        %get3A_627 = arith.constant 0 : index
        %get3A_628 = tpu.vector_load %arg5[%get3A_626, %get3A_627] {strides = array<i32>} : memref<4x320xi32, #tpu.memory_space<vmem>>, vector<1x16xi32>,
        %get3A_629 = vector.shape_cast %get3A_628 : vector<1x16xi32> to vector<16xi32>
        %jit3A_630 = arith.constant 0 : i32
        %jit3A_631 = arith.constant 40 : i32
        %max3A_632 = vector.broadcast %jit3A_630 : i32 to vector<16xi32>
        %max3A_633 = arith.maxsi %max3A_632, %get3A_629 : vector<16xi32>
        %min3A_634 = vector.broadcast %jit3A_631 : i32 to vector<16xi32>
        %min3A_635 = arith.minsi %min3A_634, %max3A_633 : vector<16xi32>
        %swap3A_636 = arith.constant 1 : i32
        %swap3A_637 = arith.index_cast %swap3A_636 : i32 to index
        %swap3A_638 = arith.constant 0 : index
        %swap3A_639 = tpu.vector_load %arg5[%swap3A_637, %swap3A_638] {strides = array<i32>} : memref<4x320xi32, #tpu.memory_space<vmem>>, vector<1x16xi32>,
        %swap3A_640 = vector.shape_cast %swap3A_639 : vector<1x16xi32> to vector<16xi32>
        %swap3A_641 = vector.shape_cast %min3A_635 : vector<16xi32> to vector<1x16xi32>
        tpu.vector_store %arg5[%swap3A_637, %swap3A_638], %swap3A_641 {strides = array<i32>} : memref<4x320xi32, #tpu.memory_space<vmem>>, vector<1x16xi32>,
        %get3A_642 = arith.constant 1 : i32
        %get3A_643 = arith.index_cast %get3A_642 : i32 to index
        %get3A_644 = arith.constant 16 : index
        %get3A_645 = tpu.vector_load %arg5[%get3A_643, %get3A_644] {strides = array<i32>} : memref<4x320xi32, #tpu.memory_space<vmem>>, vector<1x16xi32>,
        %get3A_646 = vector.shape_cast %get3A_645 : vector<1x16xi32> to vector<16xi32>
        %jit3A_647 = arith.constant 0 : i32
        %jit3A_648 = arith.constant 40 : i32
        %max3A_649 = vector.broadcast %jit3A_647 : i32 to vector<16xi32>
        %max3A_650 = arith.maxsi %max3A_649, %get3A_646 : vector<16xi32>
        %min3A_651 = vector.broadcast %jit3A_648 : i32 to vector<16xi32>
        %min3A_652 = arith.minsi %min3A_651, %max3A_650 : vector<16xi32>
        %swap3A_653 = arith.constant 1 : i32
        %swap3A_654 = arith.index_cast %swap3A_653 : i32 to index
        %swap3A_655 = arith.constant 16 : index
        %swap3A_656 = tpu.vector_load %arg5[%swap3A_654, %swap3A_655] {strides = array<i32>} : memref<4x320xi32, #tpu.memory_space<vmem>>, vector<1x16xi32>,
        %swap3A_657 = vector.shape_cast %swap3A_656 : vector<1x16xi32> to vector<16xi32>
        %swap3A_658 = vector.shape_cast %min3A_652 : vector<16xi32> to vector<1x16xi32>
        tpu.vector_store %arg5[%swap3A_654, %swap3A_655], %swap3A_658 {strides = array<i32>} : memref<4x320xi32, #tpu.memory_space<vmem>>, vector<1x16xi32>,
        %get3A_659 = arith.constant 1 : i32
        %get3A_660 = arith.index_cast %get3A_659 : i32 to index
        %get3A_661 = arith.constant 32 : index
        %get3A_662 = tpu.vector_load %arg5[%get3A_660, %get3A_661] {strides = array<i32>} : memref<4x320xi32, #tpu.memory_space<vmem>>, vector<1x16xi32>,
        %get3A_663 = vector.shape_cast %get3A_662 : vector<1x16xi32> to vector<16xi32>
        %jit3A_664 = arith.constant 0 : i32
        %jit3A_665 = arith.constant 40 : i32
        %max3A_666 = vector.broadcast %jit3A_664 : i32 to vector<16xi32>
        %max3A_667 = arith.maxsi %max3A_666, %get3A_663 : vector<16xi32>
        %min3A_668 = vector.broadcast %jit3A_665 : i32 to vector<16xi32>
        %min3A_669 = arith.minsi %min3A_668, %max3A_667 : vector<16xi32>
        %swap3A_670 = arith.constant 1 : i32
        %swap3A_671 = arith.index_cast %swap3A_670 : i32 to index
        %swap3A_672 = arith.constant 32 : index
        %swap3A_673 = tpu.vector_load %arg5[%swap3A_671, %swap3A_672] {strides = array<i32>} : memref<4x320xi32, #tpu.memory_space<vmem>>, vector<1x16xi32>,
        %swap3A_674 = vector.shape_cast %swap3A_673 : vector<1x16xi32> to vector<16xi32>
        %swap3A_675 = vector.shape_cast %min3A_669 : vector<16xi32> to vector<1x16xi32>
        tpu.vector_store %arg5[%swap3A_671, %swap3A_672], %swap3A_675 {strides = array<i32>} : memref<4x320xi32, #tpu.memory_space<vmem>>, vector<1x16xi32>,
        %get3A_676 = arith.constant 1 : i32
        %get3A_677 = arith.index_cast %get3A_676 : i32 to index
        %get3A_678 = arith.constant 48 : index
        %get3A_679 = tpu.vector_load %arg5[%get3A_677, %get3A_678] {strides = array<i32>} : memref<4x320xi32, #tpu.memory_space<vmem>>, vector<1x16xi32>,
        %get3A_680 = vector.shape_cast %get3A_679 : vector<1x16xi32> to vector<16xi32>
        %jit3A_681 = arith.constant 0 : i32
        %jit3A_682 = arith.constant 40 : i32
        %max3A_683 = vector.broadcast %jit3A_681 : i32 to vector<16xi32>
        %max3A_684 = arith.maxsi %max3A_683, %get3A_680 : vector<16xi32>
        %min3A_685 = vector.broadcast %jit3A_682 : i32 to vector<16xi32>
        %min3A_686 = arith.minsi %min3A_685, %max3A_684 : vector<16xi32>
        %swap3A_687 = arith.constant 1 : i32
        %swap3A_688 = arith.index_cast %swap3A_687 : i32 to index
        %swap3A_689 = arith.constant 48 : index
        %swap3A_690 = tpu.vector_load %arg5[%swap3A_688, %swap3A_689] {strides = array<i32>} : memref<4x320xi32, #tpu.memory_space<vmem>>, vector<1x16xi32>,
        %swap3A_691 = vector.shape_cast %swap3A_690 : vector<1x16xi32> to vector<16xi32>
        %swap3A_692 = vector.shape_cast %min3A_686 : vector<16xi32> to vector<1x16xi32>
        tpu.vector_store %arg5[%swap3A_688, %swap3A_689], %swap3A_692 {strides = array<i32>} : memref<4x320xi32, #tpu.memory_space<vmem>>, vector<1x16xi32>,
        %get3A_693 = arith.constant 1 : i32
        %get3A_694 = arith.index_cast %get3A_693 : i32 to index
        %get3A_695 = arith.constant 64 : index
        %get3A_696 = tpu.vector_load %arg5[%get3A_694, %get3A_695] {strides = array<i32>} : memref<4x320xi32, #tpu.memory_space<vmem>>, vector<1x16xi32>,
        %get3A_697 = vector.shape_cast %get3A_696 : vector<1x16xi32> to vector<16xi32>
        %jit3A_698 = arith.constant 0 : i32
        %jit3A_699 = arith.constant 40 : i32
        %max3A_700 = vector.broadcast %jit3A_698 : i32 to vector<16xi32>
        %max3A_701 = arith.maxsi %max3A_700, %get3A_697 : vector<16xi32>
        %min3A_702 = vector.broadcast %jit3A_699 : i32 to vector<16xi32>
        %min3A_703 = arith.minsi %min3A_702, %max3A_701 : vector<16xi32>
        %swap3A_704 = arith.constant 1 : i32
        %swap3A_705 = arith.index_cast %swap3A_704 : i32 to index
        %swap3A_706 = arith.constant 64 : index
        %swap3A_707 = tpu.vector_load %arg5[%swap3A_705, %swap3A_706] {strides = array<i32>} : memref<4x320xi32, #tpu.memory_space<vmem>>, vector<1x16xi32>,
        %swap3A_708 = vector.shape_cast %swap3A_707 : vector<1x16xi32> to vector<16xi32>
        %swap3A_709 = vector.shape_cast %min3A_703 : vector<16xi32> to vector<1x16xi32>
        tpu.vector_store %arg5[%swap3A_705, %swap3A_706], %swap3A_709 {strides = array<i32>} : memref<4x320xi32, #tpu.memory_space<vmem>>, vector<1x16xi32>,
        %get3A_710 = arith.constant 1 : i32
        %get3A_711 = arith.index_cast %get3A_710 : i32 to index
        %get3A_712 = arith.constant 80 : index
        %get3A_713 = tpu.vector_load %arg5[%get3A_711, %get3A_712] {strides = array<i32>} : memref<4x320xi32, #tpu.memory_space<vmem>>, vector<1x16xi32>,
        %get3A_714 = vector.shape_cast %get3A_713 : vector<1x16xi32> to vector<16xi32>
        %jit3A_715 = arith.constant 0 : i32
        %jit3A_716 = arith.constant 40 : i32
        %max3A_717 = vector.broadcast %jit3A_715 : i32 to vector<16xi32>
        %max3A_718 = arith.maxsi %max3A_717, %get3A_714 : vector<16xi32>
        %min3A_719 = vector.broadcast %jit3A_716 : i32 to vector<16xi32>
        %min3A_720 = arith.minsi %min3A_719, %max3A_718 : vector<16xi32>
        %swap3A_721 = arith.constant 1 : i32
        %swap3A_722 = arith.index_cast %swap3A_721 : i32 to index
        %swap3A_723 = arith.constant 80 : index
        %swap3A_724 = tpu.vector_load %arg5[%swap3A_722, %swap3A_723] {strides = array<i32>} : memref<4x320xi32, #tpu.memory_space<vmem>>, vector<1x16xi32>,
        %swap3A_725 = vector.shape_cast %swap3A_724 : vector<1x16xi32> to vector<16xi32>
        %swap3A_726 = vector.shape_cast %min3A_720 : vector<16xi32> to vector<1x16xi32>
        tpu.vector_store %arg5[%swap3A_722, %swap3A_723], %swap3A_726 {strides = array<i32>} : memref<4x320xi32, #tpu.memory_space<vmem>>, vector<1x16xi32>,
        %get3A_727 = arith.constant 1 : i32
        %get3A_728 = arith.index_cast %get3A_727 : i32 to index
        %get3A_729 = arith.constant 96 : index
        %get3A_730 = tpu.vector_load %arg5[%get3A_728, %get3A_729] {strides = array<i32>} : memref<4x320xi32, #tpu.memory_space<vmem>>, vector<1x16xi32>,
        %get3A_731 = vector.shape_cast %get3A_730 : vector<1x16xi32> to vector<16xi32>
        %jit3A_732 = arith.constant 0 : i32
        %jit3A_733 = arith.constant 40 : i32
        %max3A_734 = vector.broadcast %jit3A_732 : i32 to vector<16xi32>
        %max3A_735 = arith.maxsi %max3A_734, %get3A_731 : vector<16xi32>
        %min3A_736 = vector.broadcast %jit3A_733 : i32 to vector<16xi32>
        %min3A_737 = arith.minsi %min3A_736, %max3A_735 : vector<16xi32>
        %swap3A_738 = arith.constant 1 : i32
        %swap3A_739 = arith.index_cast %swap3A_738 : i32 to index
        %swap3A_740 = arith.constant 96 : index
        %swap3A_741 = tpu.vector_load %arg5[%swap3A_739, %swap3A_740] {strides = array<i32>} : memref<4x320xi32, #tpu.memory_space<vmem>>, vector<1x16xi32>,
        %swap3A_742 = vector.shape_cast %swap3A_741 : vector<1x16xi32> to vector<16xi32>
        %swap3A_743 = vector.shape_cast %min3A_737 : vector<16xi32> to vector<1x16xi32>
        tpu.vector_store %arg5[%swap3A_739, %swap3A_740], %swap3A_743 {strides = array<i32>} : memref<4x320xi32, #tpu.memory_space<vmem>>, vector<1x16xi32>,
        %get3A_744 = arith.constant 1 : i32
        %get3A_745 = arith.index_cast %get3A_744 : i32 to index
        %get3A_746 = arith.constant 112 : index
        %get3A_747 = tpu.vector_load %arg5[%get3A_745, %get3A_746] {strides = array<i32>} : memref<4x320xi32, #tpu.memory_space<vmem>>, vector<1x16xi32>,
        %get3A_748 = vector.shape_cast %get3A_747 : vector<1x16xi32> to vector<16xi32>
        %jit3A_749 = arith.constant 0 : i32
        %jit3A_750 = arith.constant 40 : i32
        %max3A_751 = vector.broadcast %jit3A_749 : i32 to vector<16xi32>
        %max3A_752 = arith.maxsi %max3A_751, %get3A_748 : vector<16xi32>
        %min3A_753 = vector.broadcast %jit3A_750 : i32 to vector<16xi32>
        %min3A_754 = arith.minsi %min3A_753, %max3A_752 : vector<16xi32>
        %swap3A_755 = arith.constant 1 : i32
        %swap3A_756 = arith.index_cast %swap3A_755 : i32 to index
        %swap3A_757 = arith.constant 112 : index
        %swap3A_758 = tpu.vector_load %arg5[%swap3A_756, %swap3A_757] {strides = array<i32>} : memref<4x320xi32, #tpu.memory_space<vmem>>, vector<1x16xi32>,
        %swap3A_759 = vector.shape_cast %swap3A_758 : vector<1x16xi32> to vector<16xi32>
        %swap3A_760 = vector.shape_cast %min3A_754 : vector<16xi32> to vector<1x16xi32>
        tpu.vector_store %arg5[%swap3A_756, %swap3A_757], %swap3A_760 {strides = array<i32>} : memref<4x320xi32, #tpu.memory_space<vmem>>, vector<1x16xi32>,
        %get3A_761 = arith.constant 1 : i32
        %get3A_762 = arith.index_cast %get3A_761 : i32 to index
        %get3A_763 = arith.constant 128 : index
        %get3A_764 = tpu.vector_load %arg5[%get3A_762, %get3A_763] {strides = array<i32>} : memref<4x320xi32, #tpu.memory_space<vmem>>, vector<1x16xi32>,
        %get3A_765 = vector.shape_cast %get3A_764 : vector<1x16xi32> to vector<16xi32>
        %jit3A_766 = arith.constant 0 : i32
        %jit3A_767 = arith.constant 40 : i32
        %max3A_768 = vector.broadcast %jit3A_766 : i32 to vector<16xi32>
        %max3A_769 = arith.maxsi %max3A_768, %get3A_765 : vector<16xi32>
        %min3A_770 = vector.broadcast %jit3A_767 : i32 to vector<16xi32>
        %min3A_771 = arith.minsi %min3A_770, %max3A_769 : vector<16xi32>
        %swap3A_772 = arith.constant 1 : i32
        %swap3A_773 = arith.index_cast %swap3A_772 : i32 to index
        %swap3A_774 = arith.constant 128 : index
        %swap3A_775 = tpu.vector_load %arg5[%swap3A_773, %swap3A_774] {strides = array<i32>} : memref<4x320xi32, #tpu.memory_space<vmem>>, vector<1x16xi32>,
        %swap3A_776 = vector.shape_cast %swap3A_775 : vector<1x16xi32> to vector<16xi32>
        %swap3A_777 = vector.shape_cast %min3A_771 : vector<16xi32> to vector<1x16xi32>
        tpu.vector_store %arg5[%swap3A_773, %swap3A_774], %swap3A_777 {strides = array<i32>} : memref<4x320xi32, #tpu.memory_space<vmem>>, vector<1x16xi32>,
        %get3A_778 = arith.constant 1 : i32
        %get3A_779 = arith.index_cast %get3A_778 : i32 to index
        %get3A_780 = arith.constant 144 : index
        %get3A_781 = tpu.vector_load %arg5[%get3A_779, %get3A_780] {strides = array<i32>} : memref<4x320xi32, #tpu.memory_space<vmem>>, vector<1x16xi32>,
        %get3A_782 = vector.shape_cast %get3A_781 : vector<1x16xi32> to vector<16xi32>
        %jit3A_783 = arith.constant 0 : i32
        %jit3A_784 = arith.constant 40 : i32
        %max3A_785 = vector.broadcast %jit3A_783 : i32 to vector<16xi32>
        %max3A_786 = arith.maxsi %max3A_785, %get3A_782 : vector<16xi32>
        %min3A_787 = vector.broadcast %jit3A_784 : i32 to vector<16xi32>
        %min3A_788 = arith.minsi %min3A_787, %max3A_786 : vector<16xi32>
        %swap3A_789 = arith.constant 1 : i32
        %swap3A_790 = arith.index_cast %swap3A_789 : i32 to index
        %swap3A_791 = arith.constant 144 : index
        %swap3A_792 = tpu.vector_load %arg5[%swap3A_790, %swap3A_791] {strides = array<i32>} : memref<4x320xi32, #tpu.memory_space<vmem>>, vector<1x16xi32>,
        %swap3A_793 = vector.shape_cast %swap3A_792 : vector<1x16xi32> to vector<16xi32>
        %swap3A_794 = vector.shape_cast %min3A_788 : vector<16xi32> to vector<1x16xi32>
        tpu.vector_store %arg5[%swap3A_790, %swap3A_791], %swap3A_794 {strides = array<i32>} : memref<4x320xi32, #tpu.memory_space<vmem>>, vector<1x16xi32>,
        %get3A_795 = arith.constant 1 : i32
        %get3A_796 = arith.index_cast %get3A_795 : i32 to index
        %get3A_797 = arith.constant 160 : index
        %get3A_798 = tpu.vector_load %arg5[%get3A_796, %get3A_797] {strides = array<i32>} : memref<4x320xi32, #tpu.memory_space<vmem>>, vector<1x16xi32>,
        %get3A_799 = vector.shape_cast %get3A_798 : vector<1x16xi32> to vector<16xi32>
        %jit3A_800 = arith.constant 0 : i32
        %jit3A_801 = arith.constant 40 : i32
        %max3A_802 = vector.broadcast %jit3A_800 : i32 to vector<16xi32>
        %max3A_803 = arith.maxsi %max3A_802, %get3A_799 : vector<16xi32>
        %min3A_804 = vector.broadcast %jit3A_801 : i32 to vector<16xi32>
        %min3A_805 = arith.minsi %min3A_804, %max3A_803 : vector<16xi32>
        %swap3A_806 = arith.constant 1 : i32
        %swap3A_807 = arith.index_cast %swap3A_806 : i32 to index
        %swap3A_808 = arith.constant 160 : index
        %swap3A_809 = tpu.vector_load %arg5[%swap3A_807, %swap3A_808] {strides = array<i32>} : memref<4x320xi32, #tpu.memory_space<vmem>>, vector<1x16xi32>,
        %swap3A_810 = vector.shape_cast %swap3A_809 : vector<1x16xi32> to vector<16xi32>
        %swap3A_811 = vector.shape_cast %min3A_805 : vector<16xi32> to vector<1x16xi32>
        tpu.vector_store %arg5[%swap3A_807, %swap3A_808], %swap3A_811 {strides = array<i32>} : memref<4x320xi32, #tpu.memory_space<vmem>>, vector<1x16xi32>,
        %get3A_812 = arith.constant 1 : i32
        %get3A_813 = arith.index_cast %get3A_812 : i32 to index
        %get3A_814 = arith.constant 176 : index
        %get3A_815 = tpu.vector_load %arg5[%get3A_813, %get3A_814] {strides = array<i32>} : memref<4x320xi32, #tpu.memory_space<vmem>>, vector<1x16xi32>,
        %get3A_816 = vector.shape_cast %get3A_815 : vector<1x16xi32> to vector<16xi32>
        %jit3A_817 = arith.constant 0 : i32
        %jit3A_818 = arith.constant 40 : i32
        %max3A_819 = vector.broadcast %jit3A_817 : i32 to vector<16xi32>
        %max3A_820 = arith.maxsi %max3A_819, %get3A_816 : vector<16xi32>
        %min3A_821 = vector.broadcast %jit3A_818 : i32 to vector<16xi32>
        %min3A_822 = arith.minsi %min3A_821, %max3A_820 : vector<16xi32>
        %swap3A_823 = arith.constant 1 : i32
        %swap3A_824 = arith.index_cast %swap3A_823 : i32 to index
        %swap3A_825 = arith.constant 176 : index
        %swap3A_826 = tpu.vector_load %arg5[%swap3A_824, %swap3A_825] {strides = array<i32>} : memref<4x320xi32, #tpu.memory_space<vmem>>, vector<1x16xi32>,
        %swap3A_827 = vector.shape_cast %swap3A_826 : vector<1x16xi32> to vector<16xi32>
        %swap3A_828 = vector.shape_cast %min3A_822 : vector<16xi32> to vector<1x16xi32>
        tpu.vector_store %arg5[%swap3A_824, %swap3A_825], %swap3A_828 {strides = array<i32>} : memref<4x320xi32, #tpu.memory_space<vmem>>, vector<1x16xi32>,
        %get3A_829 = arith.constant 1 : i32
        %get3A_830 = arith.index_cast %get3A_829 : i32 to index
        %get3A_831 = arith.constant 192 : index
        %get3A_832 = tpu.vector_load %arg5[%get3A_830, %get3A_831] {strides = array<i32>} : memref<4x320xi32, #tpu.memory_space<vmem>>, vector<1x16xi32>,
        %get3A_833 = vector.shape_cast %get3A_832 : vector<1x16xi32> to vector<16xi32>
        %jit3A_834 = arith.constant 0 : i32
        %jit3A_835 = arith.constant 40 : i32
        %max3A_836 = vector.broadcast %jit3A_834 : i32 to vector<16xi32>
        %max3A_837 = arith.maxsi %max3A_836, %get3A_833 : vector<16xi32>
        %min3A_838 = vector.broadcast %jit3A_835 : i32 to vector<16xi32>
        %min3A_839 = arith.minsi %min3A_838, %max3A_837 : vector<16xi32>
        %swap3A_840 = arith.constant 1 : i32
        %swap3A_841 = arith.index_cast %swap3A_840 : i32 to index
        %swap3A_842 = arith.constant 192 : index
        %swap3A_843 = tpu.vector_load %arg5[%swap3A_841, %swap3A_842] {strides = array<i32>} : memref<4x320xi32, #tpu.memory_space<vmem>>, vector<1x16xi32>,
        %swap3A_844 = vector.shape_cast %swap3A_843 : vector<1x16xi32> to vector<16xi32>
        %swap3A_845 = vector.shape_cast %min3A_839 : vector<16xi32> to vector<1x16xi32>
        tpu.vector_store %arg5[%swap3A_841, %swap3A_842], %swap3A_845 {strides = array<i32>} : memref<4x320xi32, #tpu.memory_space<vmem>>, vector<1x16xi32>,
        %get3A_846 = arith.constant 1 : i32
        %get3A_847 = arith.index_cast %get3A_846 : i32 to index
        %get3A_848 = arith.constant 208 : index
        %get3A_849 = tpu.vector_load %arg5[%get3A_847, %get3A_848] {strides = array<i32>} : memref<4x320xi32, #tpu.memory_space<vmem>>, vector<1x16xi32>,
        %get3A_850 = vector.shape_cast %get3A_849 : vector<1x16xi32> to vector<16xi32>
        %jit3A_851 = arith.constant 0 : i32
        %jit3A_852 = arith.constant 40 : i32
        %max3A_853 = vector.broadcast %jit3A_851 : i32 to vector<16xi32>
        %max3A_854 = arith.maxsi %max3A_853, %get3A_850 : vector<16xi32>
        %min3A_855 = vector.broadcast %jit3A_852 : i32 to vector<16xi32>
        %min3A_856 = arith.minsi %min3A_855, %max3A_854 : vector<16xi32>
        %swap3A_857 = arith.constant 1 : i32
        %swap3A_858 = arith.index_cast %swap3A_857 : i32 to index
        %swap3A_859 = arith.constant 208 : index
        %swap3A_860 = tpu.vector_load %arg5[%swap3A_858, %swap3A_859] {strides = array<i32>} : memref<4x320xi32, #tpu.memory_space<vmem>>, vector<1x16xi32>,
        %swap3A_861 = vector.shape_cast %swap3A_860 : vector<1x16xi32> to vector<16xi32>
        %swap3A_862 = vector.shape_cast %min3A_856 : vector<16xi32> to vector<1x16xi32>
        tpu.vector_store %arg5[%swap3A_858, %swap3A_859], %swap3A_862 {strides = array<i32>} : memref<4x320xi32, #tpu.memory_space<vmem>>, vector<1x16xi32>,
        %get3A_863 = arith.constant 1 : i32
        %get3A_864 = arith.index_cast %get3A_863 : i32 to index
        %get3A_865 = arith.constant 224 : index
        %get3A_866 = tpu.vector_load %arg5[%get3A_864, %get3A_865] {strides = array<i32>} : memref<4x320xi32, #tpu.memory_space<vmem>>, vector<1x16xi32>,
        %get3A_867 = vector.shape_cast %get3A_866 : vector<1x16xi32> to vector<16xi32>
        %jit3A_868 = arith.constant 0 : i32
        %jit3A_869 = arith.constant 40 : i32
        %max3A_870 = vector.broadcast %jit3A_868 : i32 to vector<16xi32>
        %max3A_871 = arith.maxsi %max3A_870, %get3A_867 : vector<16xi32>
        %min3A_872 = vector.broadcast %jit3A_869 : i32 to vector<16xi32>
        %min3A_873 = arith.minsi %min3A_872, %max3A_871 : vector<16xi32>
        %swap3A_874 = arith.constant 1 : i32
        %swap3A_875 = arith.index_cast %swap3A_874 : i32 to index
        %swap3A_876 = arith.constant 224 : index
        %swap3A_877 = tpu.vector_load %arg5[%swap3A_875, %swap3A_876] {strides = array<i32>} : memref<4x320xi32, #tpu.memory_space<vmem>>, vector<1x16xi32>,
        %swap3A_878 = vector.shape_cast %swap3A_877 : vector<1x16xi32> to vector<16xi32>
        %swap3A_879 = vector.shape_cast %min3A_873 : vector<16xi32> to vector<1x16xi32>
        tpu.vector_store %arg5[%swap3A_875, %swap3A_876], %swap3A_879 {strides = array<i32>} : memref<4x320xi32, #tpu.memory_space<vmem>>, vector<1x16xi32>,
        %get3A_880 = arith.constant 1 : i32
        %get3A_881 = arith.index_cast %get3A_880 : i32 to index
        %get3A_882 = arith.constant 240 : index
        %get3A_883 = tpu.vector_load %arg5[%get3A_881, %get3A_882] {strides = array<i32>} : memref<4x320xi32, #tpu.memory_space<vmem>>, vector<1x16xi32>,
        %get3A_884 = vector.shape_cast %get3A_883 : vector<1x16xi32> to vector<16xi32>
        %jit3A_885 = arith.constant 0 : i32
        %jit3A_886 = arith.constant 40 : i32
        %max3A_887 = vector.broadcast %jit3A_885 : i32 to vector<16xi32>
        %max3A_888 = arith.maxsi %max3A_887, %get3A_884 : vector<16xi32>
        %min3A_889 = vector.broadcast %jit3A_886 : i32 to vector<16xi32>
        %min3A_890 = arith.minsi %min3A_889, %max3A_888 : vector<16xi32>
        %swap3A_891 = arith.constant 1 : i32
        %swap3A_892 = arith.index_cast %swap3A_891 : i32 to index
        %swap3A_893 = arith.constant 240 : index
        %swap3A_894 = tpu.vector_load %arg5[%swap3A_892, %swap3A_893] {strides = array<i32>} : memref<4x320xi32, #tpu.memory_space<vmem>>, vector<1x16xi32>,
        %swap3A_895 = vector.shape_cast %swap3A_894 : vector<1x16xi32> to vector<16xi32>
        %swap3A_896 = vector.shape_cast %min3A_890 : vector<16xi32> to vector<1x16xi32>
        tpu.vector_store %arg5[%swap3A_892, %swap3A_893], %swap3A_896 {strides = array<i32>} : memref<4x320xi32, #tpu.memory_space<vmem>>, vector<1x16xi32>,
        %get3A_897 = arith.constant 1 : i32
        %get3A_898 = arith.index_cast %get3A_897 : i32 to index
        %get3A_899 = arith.constant 256 : index
        %get3A_900 = tpu.vector_load %arg5[%get3A_898, %get3A_899] {strides = array<i32>} : memref<4x320xi32, #tpu.memory_space<vmem>>, vector<1x16xi32>,
        %get3A_901 = vector.shape_cast %get3A_900 : vector<1x16xi32> to vector<16xi32>
        %jit3A_902 = arith.constant 0 : i32
        %jit3A_903 = arith.constant 40 : i32
        %max3A_904 = vector.broadcast %jit3A_902 : i32 to vector<16xi32>
        %max3A_905 = arith.maxsi %max3A_904, %get3A_901 : vector<16xi32>
        %min3A_906 = vector.broadcast %jit3A_903 : i32 to vector<16xi32>
        %min3A_907 = arith.minsi %min3A_906, %max3A_905 : vector<16xi32>
        %swap3A_908 = arith.constant 1 : i32
        %swap3A_909 = arith.index_cast %swap3A_908 : i32 to index
        %swap3A_910 = arith.constant 256 : index
        %swap3A_911 = tpu.vector_load %arg5[%swap3A_909, %swap3A_910] {strides = array<i32>} : memref<4x320xi32, #tpu.memory_space<vmem>>, vector<1x16xi32>,
        %swap3A_912 = vector.shape_cast %swap3A_911 : vector<1x16xi32> to vector<16xi32>
        %swap3A_913 = vector.shape_cast %min3A_907 : vector<16xi32> to vector<1x16xi32>
        tpu.vector_store %arg5[%swap3A_909, %swap3A_910], %swap3A_913 {strides = array<i32>} : memref<4x320xi32, #tpu.memory_space<vmem>>, vector<1x16xi32>,
        %get3A_914 = arith.constant 1 : i32
        %get3A_915 = arith.index_cast %get3A_914 : i32 to index
        %get3A_916 = arith.constant 272 : index
        %get3A_917 = tpu.vector_load %arg5[%get3A_915, %get3A_916] {strides = array<i32>} : memref<4x320xi32, #tpu.memory_space<vmem>>, vector<1x16xi32>,
        %get3A_918 = vector.shape_cast %get3A_917 : vector<1x16xi32> to vector<16xi32>
        %jit3A_919 = arith.constant 0 : i32
        %jit3A_920 = arith.constant 40 : i32
        %max3A_921 = vector.broadcast %jit3A_919 : i32 to vector<16xi32>
        %max3A_922 = arith.maxsi %max3A_921, %get3A_918 : vector<16xi32>
        %min3A_923 = vector.broadcast %jit3A_920 : i32 to vector<16xi32>
        %min3A_924 = arith.minsi %min3A_923, %max3A_922 : vector<16xi32>
        %swap3A_925 = arith.constant 1 : i32
        %swap3A_926 = arith.index_cast %swap3A_925 : i32 to index
        %swap3A_927 = arith.constant 272 : index
        %swap3A_928 = tpu.vector_load %arg5[%swap3A_926, %swap3A_927] {strides = array<i32>} : memref<4x320xi32, #tpu.memory_space<vmem>>, vector<1x16xi32>,
        %swap3A_929 = vector.shape_cast %swap3A_928 : vector<1x16xi32> to vector<16xi32>
        %swap3A_930 = vector.shape_cast %min3A_924 : vector<16xi32> to vector<1x16xi32>
        tpu.vector_store %arg5[%swap3A_926, %swap3A_927], %swap3A_930 {strides = array<i32>} : memref<4x320xi32, #tpu.memory_space<vmem>>, vector<1x16xi32>,
        %get3A_931 = arith.constant 1 : i32
        %get3A_932 = arith.index_cast %get3A_931 : i32 to index
        %get3A_933 = arith.constant 288 : index
        %get3A_934 = tpu.vector_load %arg5[%get3A_932, %get3A_933] {strides = array<i32>} : memref<4x320xi32, #tpu.memory_space<vmem>>, vector<1x16xi32>,
        %get3A_935 = vector.shape_cast %get3A_934 : vector<1x16xi32> to vector<16xi32>
        %jit3A_936 = arith.constant 0 : i32
        %jit3A_937 = arith.constant 40 : i32
        %max3A_938 = vector.broadcast %jit3A_936 : i32 to vector<16xi32>
        %max3A_939 = arith.maxsi %max3A_938, %get3A_935 : vector<16xi32>
        %min3A_940 = vector.broadcast %jit3A_937 : i32 to vector<16xi32>
        %min3A_941 = arith.minsi %min3A_940, %max3A_939 : vector<16xi32>
        %swap3A_942 = arith.constant 1 : i32
        %swap3A_943 = arith.index_cast %swap3A_942 : i32 to index
        %swap3A_944 = arith.constant 288 : index
        %swap3A_945 = tpu.vector_load %arg5[%swap3A_943, %swap3A_944] {strides = array<i32>} : memref<4x320xi32, #tpu.memory_space<vmem>>, vector<1x16xi32>,
        %swap3A_946 = vector.shape_cast %swap3A_945 : vector<1x16xi32> to vector<16xi32>
        %swap3A_947 = vector.shape_cast %min3A_941 : vector<16xi32> to vector<1x16xi32>
        tpu.vector_store %arg5[%swap3A_943, %swap3A_944], %swap3A_947 {strides = array<i32>} : memref<4x320xi32, #tpu.memory_space<vmem>>, vector<1x16xi32>,
        %get3A_948 = arith.constant 1 : i32
        %get3A_949 = arith.index_cast %get3A_948 : i32 to index
        %get3A_950 = arith.constant 304 : index
        %get3A_951 = tpu.vector_load %arg5[%get3A_949, %get3A_950] {strides = array<i32>} : memref<4x320xi32, #tpu.memory_space<vmem>>, vector<1x16xi32>,
        %get3A_952 = vector.shape_cast %get3A_951 : vector<1x16xi32> to vector<16xi32>
        %jit3A_953 = arith.constant 0 : i32
        %jit3A_954 = arith.constant 40 : i32
        %max3A_955 = vector.broadcast %jit3A_953 : i32 to vector<16xi32>
        %max3A_956 = arith.maxsi %max3A_955, %get3A_952 : vector<16xi32>
        %min3A_957 = vector.broadcast %jit3A_954 : i32 to vector<16xi32>
        %min3A_958 = arith.minsi %min3A_957, %max3A_956 : vector<16xi32>
        %swap3A_959 = arith.constant 1 : i32
        %swap3A_960 = arith.index_cast %swap3A_959 : i32 to index
        %swap3A_961 = arith.constant 304 : index
        %swap3A_962 = tpu.vector_load %arg5[%swap3A_960, %swap3A_961] {strides = array<i32>} : memref<4x320xi32, #tpu.memory_space<vmem>>, vector<1x16xi32>,
        %swap3A_963 = vector.shape_cast %swap3A_962 : vector<1x16xi32> to vector<16xi32>
        %swap3A_964 = vector.shape_cast %min3A_958 : vector<16xi32> to vector<1x16xi32>
        tpu.vector_store %arg5[%swap3A_960, %swap3A_961], %swap3A_964 {strides = array<i32>} : memref<4x320xi32, #tpu.memory_space<vmem>>, vector<1x16xi32>,
        %add3A_965 = arith.constant 1 : i32
        %add3A_966 = arith.addi %add3A_452, %add3A_965 : i32
        %ge3A = arith.constant 4 : i32
        %ge3A_967 = arith.cmpi sge, %add3A_966, %ge3A : i32
        %convert_element_type3A_968 = arith.extui %ge3A_967 : i1 to i32
        %cond3A_969 = arith.constant 0 : i32
        %cond3A_970 = arith.cmpi ne, %convert_element_type3A_968, %cond3A_969 : i32
        scf.if %cond3A_970 {
          %add3A_983 = arith.constant 1 : i32
          %add3A_984 = arith.addi %add3A_452, %add3A_983 : i32
          %sub3A = arith.constant 4 : i32
          %sub3A_985 = arith.subi %add3A_984, %sub3A : i32
          %mul3A_986 = arith.constant 320 : i32
          %mul3A_987 = arith.muli %sub3A_985, %mul3A_986 : i32
          %add3A_988 = arith.addi %mul3A_2, %mul3A_987 : i32
          %dma_wait3A_989 = arith.constant 1 : i32
          %dma_wait3A_990 = arith.constant 0 : i32
          %dma_wait3A_991 = arith.constant 0 : i32
          %dma_wait3A_992 = tpu.memref_slice %arg6[%dma_wait3A_989, %dma_wait3A_990, %dma_wait3A_991] : memref<4x320x64xf32, #tpu.memory_space<vmem>> -> memref<1x320x64xf32, #tpu.memory_space<vmem>>
          %dma_wait3A_993 = tpu.memref_squeeze %dma_wait3A_992 : memref<1x320x64xf32, #tpu.memory_space<vmem>> -> memref<320x64xf32, #tpu.memory_space<vmem>>
          %dma_wait3A_994 = arith.constant 0 : i32
          %dma_wait3A_995 = tpu.memref_slice %arg4[%add3A_988, %dma_wait3A_994] : memref<3276800x64xf32, #tpu.memory_space<hbm>> -> memref<320x64xf32, #tpu.memory_space<hbm>>
          %dma_wait3A_996 = arith.constant 0 : i32
          %dma_wait3A_997 = tpu.memref_slice %arg4[%add3A_988, %dma_wait3A_996] : memref<3276800x64xf32, #tpu.memory_space<hbm>> -> memref<320x64xf32, #tpu.memory_space<hbm>>
          %dma_wait3A_998 = arith.constant 0 : i32
          %dma_wait3A_999 = arith.constant 0 : i32
          %dma_wait3A_1000 = tpu.memref_slice %arg6[%dma_wait3A_989, %dma_wait3A_998, %dma_wait3A_999] : memref<4x320x64xf32, #tpu.memory_space<vmem>> -> memref<1x320x64xf32, #tpu.memory_space<vmem>>
          %dma_wait3A_1001 = tpu.memref_squeeze %dma_wait3A_1000 : memref<1x320x64xf32, #tpu.memory_space<vmem>> -> memref<320x64xf32, #tpu.memory_space<vmem>>
          tpu.wait_dma2 semaphore(%arg11 : memref<!tpu.dma_semaphore, #tpu.memory_space<semaphore_mem>>) src(%dma_wait3A_1001 : memref<320x64xf32, #tpu.memory_space<vmem>>) dst(%dma_wait3A_997 : memref<320x64xf32, #tpu.memory_space<hbm>>)
        } else {
        }
        %dma_start3A_971 = arith.constant 1 : i32
        %dma_start3A_972 = arith.constant 1 : i32
        %dma_start3A_973 = arith.constant 0 : i32
        %dma_start3A_974 = arith.constant 0 : i32
        %dma_start3A_975 = tpu.memref_slice %arg6[%dma_start3A_972, %dma_start3A_973, %dma_start3A_974] : memref<4x320x64xf32, #tpu.memory_space<vmem>> -> memref<1x320x64xf32, #tpu.memory_space<vmem>>
        %dma_start3A_976 = tpu.memref_squeeze %dma_start3A_975 : memref<1x320x64xf32, #tpu.memory_space<vmem>> -> memref<320x64xf32, #tpu.memory_space<vmem>>
        %dma_start3A_977 = arith.constant 0 : i32
        %dma_start3A_978 = tpu.memref_slice %arg5[%dma_start3A_971, %dma_start3A_977] : memref<4x320xi32, #tpu.memory_space<vmem>> -> memref<1x320xi32, #tpu.memory_space<vmem>>
        %dma_start3A_979 = tpu.memref_squeeze %dma_start3A_978 : memref<1x320xi32, #tpu.memory_space<vmem>> -> memref<320xi32, #tpu.memory_space<vmem>>
        %dma_start3A_980 = arith.constant 0 : i32
        %dma_start3A_981 = arith.constant 0 : i32
        %dma_start3A_982 = tpu.memref_slice %arg7[%dma_start3A_980, %dma_start3A_981] : memref<42x64xf32, #tpu.memory_space<vmem_shared>> -> memref<42x64xf32, #tpu.memory_space<vmem_shared>>
        tpu.enqueue_indirect_dma source(%dma_start3A_982 : memref<42x64xf32, #tpu.memory_space<vmem_shared>>) target(%dma_start3A_976 : memref<320x64xf32, #tpu.memory_space<vmem>>) offsets(%dma_start3A_979 : memref<320xi32, #tpu.memory_space<vmem>>) semaphore(%arg9 : memref<!tpu.dma_semaphore, #tpu.memory_space<semaphore_mem>>)
      } else {
      }
      %dma_wait3A_459 = arith.constant 0 : i32
      %dma_wait3A_460 = arith.constant 0 : i32
      %dma_wait3A_461 = arith.constant 0 : i32
      %dma_wait3A_462 = arith.constant 0 : i32
      %dma_wait3A_463 = tpu.memref_slice %arg6[%dma_wait3A_460, %dma_wait3A_461, %dma_wait3A_462] : memref<4x320x64xf32, #tpu.memory_space<vmem>> -> memref<1x320x64xf32, #tpu.memory_space<vmem>>
      %dma_wait3A_464 = tpu.memref_squeeze %dma_wait3A_463 : memref<1x320x64xf32, #tpu.memory_space<vmem>> -> memref<320x64xf32, #tpu.memory_space<vmem>>
      %dma_wait3A_465 = arith.constant 0 : i32
      %dma_wait3A_466 = tpu.memref_slice %arg5[%dma_wait3A_459, %dma_wait3A_465] : memref<4x320xi32, #tpu.memory_space<vmem>> -> memref<1x320xi32, #tpu.memory_space<vmem>>
      %dma_wait3A_467 = tpu.memref_squeeze %dma_wait3A_466 : memref<1x320xi32, #tpu.memory_space<vmem>> -> memref<320xi32, #tpu.memory_space<vmem>>
      %dma_wait3A_468 = arith.constant 0 : i32
      %dma_wait3A_469 = arith.constant 0 : i32
      %dma_wait3A_470 = tpu.memref_slice %arg7[%dma_wait3A_468, %dma_wait3A_469] : memref<42x64xf32, #tpu.memory_space<vmem_shared>> -> memref<42x64xf32, #tpu.memory_space<vmem_shared>>
      tpu.wait_indirect_dma semaphore(%arg9 : memref<!tpu.dma_semaphore, #tpu.memory_space<semaphore_mem>>) src(%dma_wait3A_470 : memref<42x64xf32, #tpu.memory_space<vmem_shared>>) dst(%dma_wait3A_464 : memref<320x64xf32, #tpu.memory_space<vmem>>)
      %mul3A_471 = arith.constant 320 : i32
      %mul3A_472 = arith.muli %add3A_452, %mul3A_471 : i32
      %add3A_473 = arith.addi %mul3A_2, %mul3A_472 : i32
      %dma_start3A_474 = arith.constant 0 : i32
      %dma_start3A_475 = arith.constant 0 : i32
      %dma_start3A_476 = arith.constant 0 : i32
      %dma_start3A_477 = tpu.memref_slice %arg6[%dma_start3A_474, %dma_start3A_475, %dma_start3A_476] : memref<4x320x64xf32, #tpu.memory_space<vmem>> -> memref<1x320x64xf32, #tpu.memory_space<vmem>>
      %dma_start3A_478 = tpu.memref_squeeze %dma_start3A_477 : memref<1x320x64xf32, #tpu.memory_space<vmem>> -> memref<320x64xf32, #tpu.memory_space<vmem>>
      %dma_start3A_479 = arith.constant 0 : i32
      %dma_start3A_480 = tpu.memref_slice %arg4[%add3A_473, %dma_start3A_479] : memref<3276800x64xf32, #tpu.memory_space<hbm>> -> memref<320x64xf32, #tpu.memory_space<hbm>>
      %dma_start3A_481 = arith.constant 0 : i32
      %dma_start3A_482 = tpu.memref_slice %arg4[%add3A_473, %dma_start3A_481] : memref<3276800x64xf32, #tpu.memory_space<hbm>> -> memref<320x64xf32, #tpu.memory_space<hbm>>
      %dma_start3A_483 = arith.constant 0 : i32
      %dma_start3A_484 = arith.constant 0 : i32
      %dma_start3A_485 = tpu.memref_slice %arg6[%dma_start3A_474, %dma_start3A_483, %dma_start3A_484] : memref<4x320x64xf32, #tpu.memory_space<vmem>> -> memref<1x320x64xf32, #tpu.memory_space<vmem>>
      %dma_start3A_486 = tpu.memref_squeeze %dma_start3A_485 : memref<1x320x64xf32, #tpu.memory_space<vmem>> -> memref<320x64xf32, #tpu.memory_space<vmem>>
      tpu.enqueue_dma source(%dma_start3A_486 : memref<320x64xf32, #tpu.memory_space<vmem>>) target(%dma_start3A_482 : memref<320x64xf32, #tpu.memory_space<hbm>>) target_semaphore(%arg10 : memref<!tpu.dma_semaphore, #tpu.memory_space<semaphore_mem>>)
      %mul3A_487 = arith.constant 4 : i32
      %mul3A_488 = arith.muli %scan3A_448, %mul3A_487 : i32
      %add3A_489 = arith.constant 1 : i32
      %add3A_490 = arith.addi %mul3A_488, %add3A_489 : i32
      %add3A_491 = arith.constant 1 : i32
      %add3A_492 = arith.addi %add3A_490, %add3A_491 : i32
      %lt3A_493 = arith.constant 320 : i32
      %lt3A_494 = arith.cmpi slt, %add3A_492, %lt3A_493 : i32
      %convert_element_type3A_495 = arith.extui %lt3A_494 : i1 to i32
      %cond3A_496 = arith.constant 0 : i32
      %cond3A_497 = arith.cmpi ne, %convert_element_type3A_495, %cond3A_496 : i32
      scf.if %cond3A_497 {
        %add3A_604 = arith.constant 1 : i32
        %add3A_605 = arith.addi %add3A_490, %add3A_604 : i32
        %mul3A_606 = arith.constant 320 : i32
        %mul3A_607 = arith.muli %add3A_605, %mul3A_606 : i32
        %add3A_608 = arith.addi %mul3A_2, %mul3A_607 : i32
        %dma_wait3A_609 = arith.constant 2 : i32
        %dma_wait3A_610 = arith.constant 0 : i32
        %dma_wait3A_611 = tpu.memref_slice %arg5[%dma_wait3A_609, %dma_wait3A_610] : memref<4x320xi32, #tpu.memory_space<vmem>> -> memref<1x320xi32, #tpu.memory_space<vmem>>
        %dma_wait3A_612 = tpu.memref_squeeze %dma_wait3A_611 : memref<1x320xi32, #tpu.memory_space<vmem>> -> memref<320xi32, #tpu.memory_space<vmem>>
        %dma_wait3A_613 = tpu.memref_slice %arg2[%add3A_608] : memref<3276800xi32, #tpu.memory_space<hbm>> -> memref<320xi32, #tpu.memory_space<hbm>>
        %dma_wait3A_614 = arith.constant 0 : i32
        %dma_wait3A_615 = tpu.memref_slice %arg5[%dma_wait3A_609, %dma_wait3A_614] : memref<4x320xi32, #tpu.memory_space<vmem>> -> memref<1x320xi32, #tpu.memory_space<vmem>>
        %dma_wait3A_616 = tpu.memref_squeeze %dma_wait3A_615 : memref<1x320xi32, #tpu.memory_space<vmem>> -> memref<320xi32, #tpu.memory_space<vmem>>
        %dma_wait3A_617 = tpu.memref_slice %arg2[%add3A_608] : memref<3276800xi32, #tpu.memory_space<hbm>> -> memref<320xi32, #tpu.memory_space<hbm>>
        tpu.wait_dma2 semaphore(%arg8 : memref<!tpu.dma_semaphore, #tpu.memory_space<semaphore_mem>>) src(%dma_wait3A_617 : memref<320xi32, #tpu.memory_space<hbm>>) dst(%dma_wait3A_616 : memref<320xi32, #tpu.memory_space<vmem>>)
        %add3A_618 = arith.constant 2 : i32
        %add3A_619 = arith.addi %add3A_490, %add3A_618 : i32
        %lt3A_620 = arith.constant 320 : i32
        %lt3A_621 = arith.cmpi slt, %add3A_619, %lt3A_620 : i32
        %convert_element_type3A_622 = arith.extui %lt3A_621 : i1 to i32
        %cond3A_623 = arith.constant 0 : i32
        %cond3A_624 = arith.cmpi ne, %convert_element_type3A_622, %cond3A_623 : i32
        scf.if %cond3A_624 {
          %add3A_983 = arith.constant 2 : i32
          %add3A_984 = arith.addi %add3A_490, %add3A_983 : i32
          %mul3A_985 = arith.constant 320 : i32
          %mul3A_986 = arith.muli %add3A_984, %mul3A_985 : i32
          %add3A_987 = arith.addi %mul3A_2, %mul3A_986 : i32
          %dma_start3A_988 = arith.constant 3 : i32
          %dma_start3A_989 = arith.constant 0 : i32
          %dma_start3A_990 = tpu.memref_slice %arg5[%dma_start3A_988, %dma_start3A_989] : memref<4x320xi32, #tpu.memory_space<vmem>> -> memref<1x320xi32, #tpu.memory_space<vmem>>
          %dma_start3A_991 = tpu.memref_squeeze %dma_start3A_990 : memref<1x320xi32, #tpu.memory_space<vmem>> -> memref<320xi32, #tpu.memory_space<vmem>>
          %dma_start3A_992 = tpu.memref_slice %arg2[%add3A_987] : memref<3276800xi32, #tpu.memory_space<hbm>> -> memref<320xi32, #tpu.memory_space<hbm>>
          %dma_start3A_993 = arith.constant 0 : i32
          %dma_start3A_994 = tpu.memref_slice %arg5[%dma_start3A_988, %dma_start3A_993] : memref<4x320xi32, #tpu.memory_space<vmem>> -> memref<1x320xi32, #tpu.memory_space<vmem>>
          %dma_start3A_995 = tpu.memref_squeeze %dma_start3A_994 : memref<1x320xi32, #tpu.memory_space<vmem>> -> memref<320xi32, #tpu.memory_space<vmem>>
          %dma_start3A_996 = tpu.memref_slice %arg2[%add3A_987] : memref<3276800xi32, #tpu.memory_space<hbm>> -> memref<320xi32, #tpu.memory_space<hbm>>
          tpu.enqueue_dma source(%dma_start3A_996 : memref<320xi32, #tpu.memory_space<hbm>>) target(%dma_start3A_995 : memref<320xi32, #tpu.memory_space<vmem>>) target_semaphore(%arg8 : memref<!tpu.dma_semaphore, #tpu.memory_space<semaphore_mem>>)
        } else {
        }
        %get3A_625 = arith.constant 2 : i32
        %get3A_626 = arith.index_cast %get3A_625 : i32 to index
        %get3A_627 = arith.constant 0 : index
        %get3A_628 = tpu.vector_load %arg5[%get3A_626, %get3A_627] {strides = array<i32>} : memref<4x320xi32, #tpu.memory_space<vmem>>, vector<1x16xi32>,
        %get3A_629 = vector.shape_cast %get3A_628 : vector<1x16xi32> to vector<16xi32>
        %jit3A_630 = arith.constant 0 : i32
        %jit3A_631 = arith.constant 40 : i32
        %max3A_632 = vector.broadcast %jit3A_630 : i32 to vector<16xi32>
        %max3A_633 = arith.maxsi %max3A_632, %get3A_629 : vector<16xi32>
        %min3A_634 = vector.broadcast %jit3A_631 : i32 to vector<16xi32>
        %min3A_635 = arith.minsi %min3A_634, %max3A_633 : vector<16xi32>
        %swap3A_636 = arith.constant 2 : i32
        %swap3A_637 = arith.index_cast %swap3A_636 : i32 to index
        %swap3A_638 = arith.constant 0 : index
        %swap3A_639 = tpu.vector_load %arg5[%swap3A_637, %swap3A_638] {strides = array<i32>} : memref<4x320xi32, #tpu.memory_space<vmem>>, vector<1x16xi32>,
        %swap3A_640 = vector.shape_cast %swap3A_639 : vector<1x16xi32> to vector<16xi32>
        %swap3A_641 = vector.shape_cast %min3A_635 : vector<16xi32> to vector<1x16xi32>
        tpu.vector_store %arg5[%swap3A_637, %swap3A_638], %swap3A_641 {strides = array<i32>} : memref<4x320xi32, #tpu.memory_space<vmem>>, vector<1x16xi32>,
        %get3A_642 = arith.constant 2 : i32
        %get3A_643 = arith.index_cast %get3A_642 : i32 to index
        %get3A_644 = arith.constant 16 : index
        %get3A_645 = tpu.vector_load %arg5[%get3A_643, %get3A_644] {strides = array<i32>} : memref<4x320xi32, #tpu.memory_space<vmem>>, vector<1x16xi32>,
        %get3A_646 = vector.shape_cast %get3A_645 : vector<1x16xi32> to vector<16xi32>
        %jit3A_647 = arith.constant 0 : i32
        %jit3A_648 = arith.constant 40 : i32
        %max3A_649 = vector.broadcast %jit3A_647 : i32 to vector<16xi32>
        %max3A_650 = arith.maxsi %max3A_649, %get3A_646 : vector<16xi32>
        %min3A_651 = vector.broadcast %jit3A_648 : i32 to vector<16xi32>
        %min3A_652 = arith.minsi %min3A_651, %max3A_650 : vector<16xi32>
        %swap3A_653 = arith.constant 2 : i32
        %swap3A_654 = arith.index_cast %swap3A_653 : i32 to index
        %swap3A_655 = arith.constant 16 : index
        %swap3A_656 = tpu.vector_load %arg5[%swap3A_654, %swap3A_655] {strides = array<i32>} : memref<4x320xi32, #tpu.memory_space<vmem>>, vector<1x16xi32>,
        %swap3A_657 = vector.shape_cast %swap3A_656 : vector<1x16xi32> to vector<16xi32>
        %swap3A_658 = vector.shape_cast %min3A_652 : vector<16xi32> to vector<1x16xi32>
        tpu.vector_store %arg5[%swap3A_654, %swap3A_655], %swap3A_658 {strides = array<i32>} : memref<4x320xi32, #tpu.memory_space<vmem>>, vector<1x16xi32>,
        %get3A_659 = arith.constant 2 : i32
        %get3A_660 = arith.index_cast %get3A_659 : i32 to index
        %get3A_661 = arith.constant 32 : index
        %get3A_662 = tpu.vector_load %arg5[%get3A_660, %get3A_661] {strides = array<i32>} : memref<4x320xi32, #tpu.memory_space<vmem>>, vector<1x16xi32>,
        %get3A_663 = vector.shape_cast %get3A_662 : vector<1x16xi32> to vector<16xi32>
        %jit3A_664 = arith.constant 0 : i32
        %jit3A_665 = arith.constant 40 : i32
        %max3A_666 = vector.broadcast %jit3A_664 : i32 to vector<16xi32>
        %max3A_667 = arith.maxsi %max3A_666, %get3A_663 : vector<16xi32>
        %min3A_668 = vector.broadcast %jit3A_665 : i32 to vector<16xi32>
        %min3A_669 = arith.minsi %min3A_668, %max3A_667 : vector<16xi32>
        %swap3A_670 = arith.constant 2 : i32
        %swap3A_671 = arith.index_cast %swap3A_670 : i32 to index
        %swap3A_672 = arith.constant 32 : index
        %swap3A_673 = tpu.vector_load %arg5[%swap3A_671, %swap3A_672] {strides = array<i32>} : memref<4x320xi32, #tpu.memory_space<vmem>>, vector<1x16xi32>,
        %swap3A_674 = vector.shape_cast %swap3A_673 : vector<1x16xi32> to vector<16xi32>
        %swap3A_675 = vector.shape_cast %min3A_669 : vector<16xi32> to vector<1x16xi32>
        tpu.vector_store %arg5[%swap3A_671, %swap3A_672], %swap3A_675 {strides = array<i32>} : memref<4x320xi32, #tpu.memory_space<vmem>>, vector<1x16xi32>,
        %get3A_676 = arith.constant 2 : i32
        %get3A_677 = arith.index_cast %get3A_676 : i32 to index
        %get3A_678 = arith.constant 48 : index
        %get3A_679 = tpu.vector_load %arg5[%get3A_677, %get3A_678] {strides = array<i32>} : memref<4x320xi32, #tpu.memory_space<vmem>>, vector<1x16xi32>,
        %get3A_680 = vector.shape_cast %get3A_679 : vector<1x16xi32> to vector<16xi32>
        %jit3A_681 = arith.constant 0 : i32
        %jit3A_682 = arith.constant 40 : i32
        %max3A_683 = vector.broadcast %jit3A_681 : i32 to vector<16xi32>
        %max3A_684 = arith.maxsi %max3A_683, %get3A_680 : vector<16xi32>
        %min3A_685 = vector.broadcast %jit3A_682 : i32 to vector<16xi32>
        %min3A_686 = arith.minsi %min3A_685, %max3A_684 : vector<16xi32>
        %swap3A_687 = arith.constant 2 : i32
        %swap3A_688 = arith.index_cast %swap3A_687 : i32 to index
        %swap3A_689 = arith.constant 48 : index
        %swap3A_690 = tpu.vector_load %arg5[%swap3A_688, %swap3A_689] {strides = array<i32>} : memref<4x320xi32, #tpu.memory_space<vmem>>, vector<1x16xi32>,
        %swap3A_691 = vector.shape_cast %swap3A_690 : vector<1x16xi32> to vector<16xi32>
        %swap3A_692 = vector.shape_cast %min3A_686 : vector<16xi32> to vector<1x16xi32>
        tpu.vector_store %arg5[%swap3A_688, %swap3A_689], %swap3A_692 {strides = array<i32>} : memref<4x320xi32, #tpu.memory_space<vmem>>, vector<1x16xi32>,
        %get3A_693 = arith.constant 2 : i32
        %get3A_694 = arith.index_cast %get3A_693 : i32 to index
        %get3A_695 = arith.constant 64 : index
        %get3A_696 = tpu.vector_load %arg5[%get3A_694, %get3A_695] {strides = array<i32>} : memref<4x320xi32, #tpu.memory_space<vmem>>, vector<1x16xi32>,
        %get3A_697 = vector.shape_cast %get3A_696 : vector<1x16xi32> to vector<16xi32>
        %jit3A_698 = arith.constant 0 : i32
        %jit3A_699 = arith.constant 40 : i32
        %max3A_700 = vector.broadcast %jit3A_698 : i32 to vector<16xi32>
        %max3A_701 = arith.maxsi %max3A_700, %get3A_697 : vector<16xi32>
        %min3A_702 = vector.broadcast %jit3A_699 : i32 to vector<16xi32>
        %min3A_703 = arith.minsi %min3A_702, %max3A_701 : vector<16xi32>
        %swap3A_704 = arith.constant 2 : i32
        %swap3A_705 = arith.index_cast %swap3A_704 : i32 to index
        %swap3A_706 = arith.constant 64 : index
        %swap3A_707 = tpu.vector_load %arg5[%swap3A_705, %swap3A_706] {strides = array<i32>} : memref<4x320xi32, #tpu.memory_space<vmem>>, vector<1x16xi32>,
        %swap3A_708 = vector.shape_cast %swap3A_707 : vector<1x16xi32> to vector<16xi32>
        %swap3A_709 = vector.shape_cast %min3A_703 : vector<16xi32> to vector<1x16xi32>
        tpu.vector_store %arg5[%swap3A_705, %swap3A_706], %swap3A_709 {strides = array<i32>} : memref<4x320xi32, #tpu.memory_space<vmem>>, vector<1x16xi32>,
        %get3A_710 = arith.constant 2 : i32
        %get3A_711 = arith.index_cast %get3A_710 : i32 to index
        %get3A_712 = arith.constant 80 : index
        %get3A_713 = tpu.vector_load %arg5[%get3A_711, %get3A_712] {strides = array<i32>} : memref<4x320xi32, #tpu.memory_space<vmem>>, vector<1x16xi32>,
        %get3A_714 = vector.shape_cast %get3A_713 : vector<1x16xi32> to vector<16xi32>
        %jit3A_715 = arith.constant 0 : i32
        %jit3A_716 = arith.constant 40 : i32
        %max3A_717 = vector.broadcast %jit3A_715 : i32 to vector<16xi32>
        %max3A_718 = arith.maxsi %max3A_717, %get3A_714 : vector<16xi32>
        %min3A_719 = vector.broadcast %jit3A_716 : i32 to vector<16xi32>
        %min3A_720 = arith.minsi %min3A_719, %max3A_718 : vector<16xi32>
        %swap3A_721 = arith.constant 2 : i32
        %swap3A_722 = arith.index_cast %swap3A_721 : i32 to index
        %swap3A_723 = arith.constant 80 : index
        %swap3A_724 = tpu.vector_load %arg5[%swap3A_722, %swap3A_723] {strides = array<i32>} : memref<4x320xi32, #tpu.memory_space<vmem>>, vector<1x16xi32>,
        %swap3A_725 = vector.shape_cast %swap3A_724 : vector<1x16xi32> to vector<16xi32>
        %swap3A_726 = vector.shape_cast %min3A_720 : vector<16xi32> to vector<1x16xi32>
        tpu.vector_store %arg5[%swap3A_722, %swap3A_723], %swap3A_726 {strides = array<i32>} : memref<4x320xi32, #tpu.memory_space<vmem>>, vector<1x16xi32>,
        %get3A_727 = arith.constant 2 : i32
        %get3A_728 = arith.index_cast %get3A_727 : i32 to index
        %get3A_729 = arith.constant 96 : index
        %get3A_730 = tpu.vector_load %arg5[%get3A_728, %get3A_729] {strides = array<i32>} : memref<4x320xi32, #tpu.memory_space<vmem>>, vector<1x16xi32>,
        %get3A_731 = vector.shape_cast %get3A_730 : vector<1x16xi32> to vector<16xi32>
        %jit3A_732 = arith.constant 0 : i32
        %jit3A_733 = arith.constant 40 : i32
        %max3A_734 = vector.broadcast %jit3A_732 : i32 to vector<16xi32>
        %max3A_735 = arith.maxsi %max3A_734, %get3A_731 : vector<16xi32>
        %min3A_736 = vector.broadcast %jit3A_733 : i32 to vector<16xi32>
        %min3A_737 = arith.minsi %min3A_736, %max3A_735 : vector<16xi32>
        %swap3A_738 = arith.constant 2 : i32
        %swap3A_739 = arith.index_cast %swap3A_738 : i32 to index
        %swap3A_740 = arith.constant 96 : index
        %swap3A_741 = tpu.vector_load %arg5[%swap3A_739, %swap3A_740] {strides = array<i32>} : memref<4x320xi32, #tpu.memory_space<vmem>>, vector<1x16xi32>,
        %swap3A_742 = vector.shape_cast %swap3A_741 : vector<1x16xi32> to vector<16xi32>
        %swap3A_743 = vector.shape_cast %min3A_737 : vector<16xi32> to vector<1x16xi32>
        tpu.vector_store %arg5[%swap3A_739, %swap3A_740], %swap3A_743 {strides = array<i32>} : memref<4x320xi32, #tpu.memory_space<vmem>>, vector<1x16xi32>,
        %get3A_744 = arith.constant 2 : i32
        %get3A_745 = arith.index_cast %get3A_744 : i32 to index
        %get3A_746 = arith.constant 112 : index
        %get3A_747 = tpu.vector_load %arg5[%get3A_745, %get3A_746] {strides = array<i32>} : memref<4x320xi32, #tpu.memory_space<vmem>>, vector<1x16xi32>,
        %get3A_748 = vector.shape_cast %get3A_747 : vector<1x16xi32> to vector<16xi32>
        %jit3A_749 = arith.constant 0 : i32
        %jit3A_750 = arith.constant 40 : i32
        %max3A_751 = vector.broadcast %jit3A_749 : i32 to vector<16xi32>
        %max3A_752 = arith.maxsi %max3A_751, %get3A_748 : vector<16xi32>
        %min3A_753 = vector.broadcast %jit3A_750 : i32 to vector<16xi32>
        %min3A_754 = arith.minsi %min3A_753, %max3A_752 : vector<16xi32>
        %swap3A_755 = arith.constant 2 : i32
        %swap3A_756 = arith.index_cast %swap3A_755 : i32 to index
        %swap3A_757 = arith.constant 112 : index
        %swap3A_758 = tpu.vector_load %arg5[%swap3A_756, %swap3A_757] {strides = array<i32>} : memref<4x320xi32, #tpu.memory_space<vmem>>, vector<1x16xi32>,
        %swap3A_759 = vector.shape_cast %swap3A_758 : vector<1x16xi32> to vector<16xi32>
        %swap3A_760 = vector.shape_cast %min3A_754 : vector<16xi32> to vector<1x16xi32>
        tpu.vector_store %arg5[%swap3A_756, %swap3A_757], %swap3A_760 {strides = array<i32>} : memref<4x320xi32, #tpu.memory_space<vmem>>, vector<1x16xi32>,
        %get3A_761 = arith.constant 2 : i32
        %get3A_762 = arith.index_cast %get3A_761 : i32 to index
        %get3A_763 = arith.constant 128 : index
        %get3A_764 = tpu.vector_load %arg5[%get3A_762, %get3A_763] {strides = array<i32>} : memref<4x320xi32, #tpu.memory_space<vmem>>, vector<1x16xi32>,
        %get3A_765 = vector.shape_cast %get3A_764 : vector<1x16xi32> to vector<16xi32>
        %jit3A_766 = arith.constant 0 : i32
        %jit3A_767 = arith.constant 40 : i32
        %max3A_768 = vector.broadcast %jit3A_766 : i32 to vector<16xi32>
        %max3A_769 = arith.maxsi %max3A_768, %get3A_765 : vector<16xi32>
        %min3A_770 = vector.broadcast %jit3A_767 : i32 to vector<16xi32>
        %min3A_771 = arith.minsi %min3A_770, %max3A_769 : vector<16xi32>
        %swap3A_772 = arith.constant 2 : i32
        %swap3A_773 = arith.index_cast %swap3A_772 : i32 to index
        %swap3A_774 = arith.constant 128 : index
        %swap3A_775 = tpu.vector_load %arg5[%swap3A_773, %swap3A_774] {strides = array<i32>} : memref<4x320xi32, #tpu.memory_space<vmem>>, vector<1x16xi32>,
        %swap3A_776 = vector.shape_cast %swap3A_775 : vector<1x16xi32> to vector<16xi32>
        %swap3A_777 = vector.shape_cast %min3A_771 : vector<16xi32> to vector<1x16xi32>
        tpu.vector_store %arg5[%swap3A_773, %swap3A_774], %swap3A_777 {strides = array<i32>} : memref<4x320xi32, #tpu.memory_space<vmem>>, vector<1x16xi32>,
        %get3A_778 = arith.constant 2 : i32
        %get3A_779 = arith.index_cast %get3A_778 : i32 to index
        %get3A_780 = arith.constant 144 : index
        %get3A_781 = tpu.vector_load %arg5[%get3A_779, %get3A_780] {strides = array<i32>} : memref<4x320xi32, #tpu.memory_space<vmem>>, vector<1x16xi32>,
        %get3A_782 = vector.shape_cast %get3A_781 : vector<1x16xi32> to vector<16xi32>
        %jit3A_783 = arith.constant 0 : i32
        %jit3A_784 = arith.constant 40 : i32
        %max3A_785 = vector.broadcast %jit3A_783 : i32 to vector<16xi32>
        %max3A_786 = arith.maxsi %max3A_785, %get3A_782 : vector<16xi32>
        %min3A_787 = vector.broadcast %jit3A_784 : i32 to vector<16xi32>
        %min3A_788 = arith.minsi %min3A_787, %max3A_786 : vector<16xi32>
        %swap3A_789 = arith.constant 2 : i32
        %swap3A_790 = arith.index_cast %swap3A_789 : i32 to index
        %swap3A_791 = arith.constant 144 : index
        %swap3A_792 = tpu.vector_load %arg5[%swap3A_790, %swap3A_791] {strides = array<i32>} : memref<4x320xi32, #tpu.memory_space<vmem>>, vector<1x16xi32>,
        %swap3A_793 = vector.shape_cast %swap3A_792 : vector<1x16xi32> to vector<16xi32>
        %swap3A_794 = vector.shape_cast %min3A_788 : vector<16xi32> to vector<1x16xi32>
        tpu.vector_store %arg5[%swap3A_790, %swap3A_791], %swap3A_794 {strides = array<i32>} : memref<4x320xi32, #tpu.memory_space<vmem>>, vector<1x16xi32>,
        %get3A_795 = arith.constant 2 : i32
        %get3A_796 = arith.index_cast %get3A_795 : i32 to index
        %get3A_797 = arith.constant 160 : index
        %get3A_798 = tpu.vector_load %arg5[%get3A_796, %get3A_797] {strides = array<i32>} : memref<4x320xi32, #tpu.memory_space<vmem>>, vector<1x16xi32>,
        %get3A_799 = vector.shape_cast %get3A_798 : vector<1x16xi32> to vector<16xi32>
        %jit3A_800 = arith.constant 0 : i32
        %jit3A_801 = arith.constant 40 : i32
        %max3A_802 = vector.broadcast %jit3A_800 : i32 to vector<16xi32>
        %max3A_803 = arith.maxsi %max3A_802, %get3A_799 : vector<16xi32>
        %min3A_804 = vector.broadcast %jit3A_801 : i32 to vector<16xi32>
        %min3A_805 = arith.minsi %min3A_804, %max3A_803 : vector<16xi32>
        %swap3A_806 = arith.constant 2 : i32
        %swap3A_807 = arith.index_cast %swap3A_806 : i32 to index
        %swap3A_808 = arith.constant 160 : index
        %swap3A_809 = tpu.vector_load %arg5[%swap3A_807, %swap3A_808] {strides = array<i32>} : memref<4x320xi32, #tpu.memory_space<vmem>>, vector<1x16xi32>,
        %swap3A_810 = vector.shape_cast %swap3A_809 : vector<1x16xi32> to vector<16xi32>
        %swap3A_811 = vector.shape_cast %min3A_805 : vector<16xi32> to vector<1x16xi32>
        tpu.vector_store %arg5[%swap3A_807, %swap3A_808], %swap3A_811 {strides = array<i32>} : memref<4x320xi32, #tpu.memory_space<vmem>>, vector<1x16xi32>,
        %get3A_812 = arith.constant 2 : i32
        %get3A_813 = arith.index_cast %get3A_812 : i32 to index
        %get3A_814 = arith.constant 176 : index
        %get3A_815 = tpu.vector_load %arg5[%get3A_813, %get3A_814] {strides = array<i32>} : memref<4x320xi32, #tpu.memory_space<vmem>>, vector<1x16xi32>,
        %get3A_816 = vector.shape_cast %get3A_815 : vector<1x16xi32> to vector<16xi32>
        %jit3A_817 = arith.constant 0 : i32
        %jit3A_818 = arith.constant 40 : i32
        %max3A_819 = vector.broadcast %jit3A_817 : i32 to vector<16xi32>
        %max3A_820 = arith.maxsi %max3A_819, %get3A_816 : vector<16xi32>
        %min3A_821 = vector.broadcast %jit3A_818 : i32 to vector<16xi32>
        %min3A_822 = arith.minsi %min3A_821, %max3A_820 : vector<16xi32>
        %swap3A_823 = arith.constant 2 : i32
        %swap3A_824 = arith.index_cast %swap3A_823 : i32 to index
        %swap3A_825 = arith.constant 176 : index
        %swap3A_826 = tpu.vector_load %arg5[%swap3A_824, %swap3A_825] {strides = array<i32>} : memref<4x320xi32, #tpu.memory_space<vmem>>, vector<1x16xi32>,
        %swap3A_827 = vector.shape_cast %swap3A_826 : vector<1x16xi32> to vector<16xi32>
        %swap3A_828 = vector.shape_cast %min3A_822 : vector<16xi32> to vector<1x16xi32>
        tpu.vector_store %arg5[%swap3A_824, %swap3A_825], %swap3A_828 {strides = array<i32>} : memref<4x320xi32, #tpu.memory_space<vmem>>, vector<1x16xi32>,
        %get3A_829 = arith.constant 2 : i32
        %get3A_830 = arith.index_cast %get3A_829 : i32 to index
        %get3A_831 = arith.constant 192 : index
        %get3A_832 = tpu.vector_load %arg5[%get3A_830, %get3A_831] {strides = array<i32>} : memref<4x320xi32, #tpu.memory_space<vmem>>, vector<1x16xi32>,
        %get3A_833 = vector.shape_cast %get3A_832 : vector<1x16xi32> to vector<16xi32>
        %jit3A_834 = arith.constant 0 : i32
        %jit3A_835 = arith.constant 40 : i32
        %max3A_836 = vector.broadcast %jit3A_834 : i32 to vector<16xi32>
        %max3A_837 = arith.maxsi %max3A_836, %get3A_833 : vector<16xi32>
        %min3A_838 = vector.broadcast %jit3A_835 : i32 to vector<16xi32>
        %min3A_839 = arith.minsi %min3A_838, %max3A_837 : vector<16xi32>
        %swap3A_840 = arith.constant 2 : i32
        %swap3A_841 = arith.index_cast %swap3A_840 : i32 to index
        %swap3A_842 = arith.constant 192 : index
        %swap3A_843 = tpu.vector_load %arg5[%swap3A_841, %swap3A_842] {strides = array<i32>} : memref<4x320xi32, #tpu.memory_space<vmem>>, vector<1x16xi32>,
        %swap3A_844 = vector.shape_cast %swap3A_843 : vector<1x16xi32> to vector<16xi32>
        %swap3A_845 = vector.shape_cast %min3A_839 : vector<16xi32> to vector<1x16xi32>
        tpu.vector_store %arg5[%swap3A_841, %swap3A_842], %swap3A_845 {strides = array<i32>} : memref<4x320xi32, #tpu.memory_space<vmem>>, vector<1x16xi32>,
        %get3A_846 = arith.constant 2 : i32
        %get3A_847 = arith.index_cast %get3A_846 : i32 to index
        %get3A_848 = arith.constant 208 : index
        %get3A_849 = tpu.vector_load %arg5[%get3A_847, %get3A_848] {strides = array<i32>} : memref<4x320xi32, #tpu.memory_space<vmem>>, vector<1x16xi32>,
        %get3A_850 = vector.shape_cast %get3A_849 : vector<1x16xi32> to vector<16xi32>
        %jit3A_851 = arith.constant 0 : i32
        %jit3A_852 = arith.constant 40 : i32
        %max3A_853 = vector.broadcast %jit3A_851 : i32 to vector<16xi32>
        %max3A_854 = arith.maxsi %max3A_853, %get3A_850 : vector<16xi32>
        %min3A_855 = vector.broadcast %jit3A_852 : i32 to vector<16xi32>
        %min3A_856 = arith.minsi %min3A_855, %max3A_854 : vector<16xi32>
        %swap3A_857 = arith.constant 2 : i32
        %swap3A_858 = arith.index_cast %swap3A_857 : i32 to index
        %swap3A_859 = arith.constant 208 : index
        %swap3A_860 = tpu.vector_load %arg5[%swap3A_858, %swap3A_859] {strides = array<i32>} : memref<4x320xi32, #tpu.memory_space<vmem>>, vector<1x16xi32>,
        %swap3A_861 = vector.shape_cast %swap3A_860 : vector<1x16xi32> to vector<16xi32>
        %swap3A_862 = vector.shape_cast %min3A_856 : vector<16xi32> to vector<1x16xi32>
        tpu.vector_store %arg5[%swap3A_858, %swap3A_859], %swap3A_862 {strides = array<i32>} : memref<4x320xi32, #tpu.memory_space<vmem>>, vector<1x16xi32>,
        %get3A_863 = arith.constant 2 : i32
        %get3A_864 = arith.index_cast %get3A_863 : i32 to index
        %get3A_865 = arith.constant 224 : index
        %get3A_866 = tpu.vector_load %arg5[%get3A_864, %get3A_865] {strides = array<i32>} : memref<4x320xi32, #tpu.memory_space<vmem>>, vector<1x16xi32>,
        %get3A_867 = vector.shape_cast %get3A_866 : vector<1x16xi32> to vector<16xi32>
        %jit3A_868 = arith.constant 0 : i32
        %jit3A_869 = arith.constant 40 : i32
        %max3A_870 = vector.broadcast %jit3A_868 : i32 to vector<16xi32>
        %max3A_871 = arith.maxsi %max3A_870, %get3A_867 : vector<16xi32>
        %min3A_872 = vector.broadcast %jit3A_869 : i32 to vector<16xi32>
        %min3A_873 = arith.minsi %min3A_872, %max3A_871 : vector<16xi32>
        %swap3A_874 = arith.constant 2 : i32
        %swap3A_875 = arith.index_cast %swap3A_874 : i32 to index
        %swap3A_876 = arith.constant 224 : index
        %swap3A_877 = tpu.vector_load %arg5[%swap3A_875, %swap3A_876] {strides = array<i32>} : memref<4x320xi32, #tpu.memory_space<vmem>>, vector<1x16xi32>,
        %swap3A_878 = vector.shape_cast %swap3A_877 : vector<1x16xi32> to vector<16xi32>
        %swap3A_879 = vector.shape_cast %min3A_873 : vector<16xi32> to vector<1x16xi32>
        tpu.vector_store %arg5[%swap3A_875, %swap3A_876], %swap3A_879 {strides = array<i32>} : memref<4x320xi32, #tpu.memory_space<vmem>>, vector<1x16xi32>,
        %get3A_880 = arith.constant 2 : i32
        %get3A_881 = arith.index_cast %get3A_880 : i32 to index
        %get3A_882 = arith.constant 240 : index
        %get3A_883 = tpu.vector_load %arg5[%get3A_881, %get3A_882] {strides = array<i32>} : memref<4x320xi32, #tpu.memory_space<vmem>>, vector<1x16xi32>,
        %get3A_884 = vector.shape_cast %get3A_883 : vector<1x16xi32> to vector<16xi32>
        %jit3A_885 = arith.constant 0 : i32
        %jit3A_886 = arith.constant 40 : i32
        %max3A_887 = vector.broadcast %jit3A_885 : i32 to vector<16xi32>
        %max3A_888 = arith.maxsi %max3A_887, %get3A_884 : vector<16xi32>
        %min3A_889 = vector.broadcast %jit3A_886 : i32 to vector<16xi32>
        %min3A_890 = arith.minsi %min3A_889, %max3A_888 : vector<16xi32>
        %swap3A_891 = arith.constant 2 : i32
        %swap3A_892 = arith.index_cast %swap3A_891 : i32 to index
        %swap3A_893 = arith.constant 240 : index
        %swap3A_894 = tpu.vector_load %arg5[%swap3A_892, %swap3A_893] {strides = array<i32>} : memref<4x320xi32, #tpu.memory_space<vmem>>, vector<1x16xi32>,
        %swap3A_895 = vector.shape_cast %swap3A_894 : vector<1x16xi32> to vector<16xi32>
        %swap3A_896 = vector.shape_cast %min3A_890 : vector<16xi32> to vector<1x16xi32>
        tpu.vector_store %arg5[%swap3A_892, %swap3A_893], %swap3A_896 {strides = array<i32>} : memref<4x320xi32, #tpu.memory_space<vmem>>, vector<1x16xi32>,
        %get3A_897 = arith.constant 2 : i32
        %get3A_898 = arith.index_cast %get3A_897 : i32 to index
        %get3A_899 = arith.constant 256 : index
        %get3A_900 = tpu.vector_load %arg5[%get3A_898, %get3A_899] {strides = array<i32>} : memref<4x320xi32, #tpu.memory_space<vmem>>, vector<1x16xi32>,
        %get3A_901 = vector.shape_cast %get3A_900 : vector<1x16xi32> to vector<16xi32>
        %jit3A_902 = arith.constant 0 : i32
        %jit3A_903 = arith.constant 40 : i32
        %max3A_904 = vector.broadcast %jit3A_902 : i32 to vector<16xi32>
        %max3A_905 = arith.maxsi %max3A_904, %get3A_901 : vector<16xi32>
        %min3A_906 = vector.broadcast %jit3A_903 : i32 to vector<16xi32>
        %min3A_907 = arith.minsi %min3A_906, %max3A_905 : vector<16xi32>
        %swap3A_908 = arith.constant 2 : i32
        %swap3A_909 = arith.index_cast %swap3A_908 : i32 to index
        %swap3A_910 = arith.constant 256 : index
        %swap3A_911 = tpu.vector_load %arg5[%swap3A_909, %swap3A_910] {strides = array<i32>} : memref<4x320xi32, #tpu.memory_space<vmem>>, vector<1x16xi32>,
        %swap3A_912 = vector.shape_cast %swap3A_911 : vector<1x16xi32> to vector<16xi32>
        %swap3A_913 = vector.shape_cast %min3A_907 : vector<16xi32> to vector<1x16xi32>
        tpu.vector_store %arg5[%swap3A_909, %swap3A_910], %swap3A_913 {strides = array<i32>} : memref<4x320xi32, #tpu.memory_space<vmem>>, vector<1x16xi32>,
        %get3A_914 = arith.constant 2 : i32
        %get3A_915 = arith.index_cast %get3A_914 : i32 to index
        %get3A_916 = arith.constant 272 : index
        %get3A_917 = tpu.vector_load %arg5[%get3A_915, %get3A_916] {strides = array<i32>} : memref<4x320xi32, #tpu.memory_space<vmem>>, vector<1x16xi32>,
        %get3A_918 = vector.shape_cast %get3A_917 : vector<1x16xi32> to vector<16xi32>
        %jit3A_919 = arith.constant 0 : i32
        %jit3A_920 = arith.constant 40 : i32
        %max3A_921 = vector.broadcast %jit3A_919 : i32 to vector<16xi32>
        %max3A_922 = arith.maxsi %max3A_921, %get3A_918 : vector<16xi32>
        %min3A_923 = vector.broadcast %jit3A_920 : i32 to vector<16xi32>
        %min3A_924 = arith.minsi %min3A_923, %max3A_922 : vector<16xi32>
        %swap3A_925 = arith.constant 2 : i32
        %swap3A_926 = arith.index_cast %swap3A_925 : i32 to index
        %swap3A_927 = arith.constant 272 : index
        %swap3A_928 = tpu.vector_load %arg5[%swap3A_926, %swap3A_927] {strides = array<i32>} : memref<4x320xi32, #tpu.memory_space<vmem>>, vector<1x16xi32>,
        %swap3A_929 = vector.shape_cast %swap3A_928 : vector<1x16xi32> to vector<16xi32>
        %swap3A_930 = vector.shape_cast %min3A_924 : vector<16xi32> to vector<1x16xi32>
        tpu.vector_store %arg5[%swap3A_926, %swap3A_927], %swap3A_930 {strides = array<i32>} : memref<4x320xi32, #tpu.memory_space<vmem>>, vector<1x16xi32>,
        %get3A_931 = arith.constant 2 : i32
        %get3A_932 = arith.index_cast %get3A_931 : i32 to index
        %get3A_933 = arith.constant 288 : index
        %get3A_934 = tpu.vector_load %arg5[%get3A_932, %get3A_933] {strides = array<i32>} : memref<4x320xi32, #tpu.memory_space<vmem>>, vector<1x16xi32>,
        %get3A_935 = vector.shape_cast %get3A_934 : vector<1x16xi32> to vector<16xi32>
        %jit3A_936 = arith.constant 0 : i32
        %jit3A_937 = arith.constant 40 : i32
        %max3A_938 = vector.broadcast %jit3A_936 : i32 to vector<16xi32>
        %max3A_939 = arith.maxsi %max3A_938, %get3A_935 : vector<16xi32>
        %min3A_940 = vector.broadcast %jit3A_937 : i32 to vector<16xi32>
        %min3A_941 = arith.minsi %min3A_940, %max3A_939 : vector<16xi32>
        %swap3A_942 = arith.constant 2 : i32
        %swap3A_943 = arith.index_cast %swap3A_942 : i32 to index
        %swap3A_944 = arith.constant 288 : index
        %swap3A_945 = tpu.vector_load %arg5[%swap3A_943, %swap3A_944] {strides = array<i32>} : memref<4x320xi32, #tpu.memory_space<vmem>>, vector<1x16xi32>,
        %swap3A_946 = vector.shape_cast %swap3A_945 : vector<1x16xi32> to vector<16xi32>
        %swap3A_947 = vector.shape_cast %min3A_941 : vector<16xi32> to vector<1x16xi32>
        tpu.vector_store %arg5[%swap3A_943, %swap3A_944], %swap3A_947 {strides = array<i32>} : memref<4x320xi32, #tpu.memory_space<vmem>>, vector<1x16xi32>,
        %get3A_948 = arith.constant 2 : i32
        %get3A_949 = arith.index_cast %get3A_948 : i32 to index
        %get3A_950 = arith.constant 304 : index
        %get3A_951 = tpu.vector_load %arg5[%get3A_949, %get3A_950] {strides = array<i32>} : memref<4x320xi32, #tpu.memory_space<vmem>>, vector<1x16xi32>,
        %get3A_952 = vector.shape_cast %get3A_951 : vector<1x16xi32> to vector<16xi32>
        %jit3A_953 = arith.constant 0 : i32
        %jit3A_954 = arith.constant 40 : i32
        %max3A_955 = vector.broadcast %jit3A_953 : i32 to vector<16xi32>
        %max3A_956 = arith.maxsi %max3A_955, %get3A_952 : vector<16xi32>
        %min3A_957 = vector.broadcast %jit3A_954 : i32 to vector<16xi32>
        %min3A_958 = arith.minsi %min3A_957, %max3A_956 : vector<16xi32>
        %swap3A_959 = arith.constant 2 : i32
        %swap3A_960 = arith.index_cast %swap3A_959 : i32 to index
        %swap3A_961 = arith.constant 304 : index
        %swap3A_962 = tpu.vector_load %arg5[%swap3A_960, %swap3A_961] {strides = array<i32>} : memref<4x320xi32, #tpu.memory_space<vmem>>, vector<1x16xi32>,
        %swap3A_963 = vector.shape_cast %swap3A_962 : vector<1x16xi32> to vector<16xi32>
        %swap3A_964 = vector.shape_cast %min3A_958 : vector<16xi32> to vector<1x16xi32>
        tpu.vector_store %arg5[%swap3A_960, %swap3A_961], %swap3A_964 {strides = array<i32>} : memref<4x320xi32, #tpu.memory_space<vmem>>, vector<1x16xi32>,
        %add3A_965 = arith.constant 1 : i32
        %add3A_966 = arith.addi %add3A_490, %add3A_965 : i32
        %ge3A = arith.constant 4 : i32
        %ge3A_967 = arith.cmpi sge, %add3A_966, %ge3A : i32
        %convert_element_type3A_968 = arith.extui %ge3A_967 : i1 to i32
        %cond3A_969 = arith.constant 0 : i32
        %cond3A_970 = arith.cmpi ne, %convert_element_type3A_968, %cond3A_969 : i32
        scf.if %cond3A_970 {
          %add3A_983 = arith.constant 1 : i32
          %add3A_984 = arith.addi %add3A_490, %add3A_983 : i32
          %sub3A = arith.constant 4 : i32
          %sub3A_985 = arith.subi %add3A_984, %sub3A : i32
          %mul3A_986 = arith.constant 320 : i32
          %mul3A_987 = arith.muli %sub3A_985, %mul3A_986 : i32
          %add3A_988 = arith.addi %mul3A_2, %mul3A_987 : i32
          %dma_wait3A_989 = arith.constant 2 : i32
          %dma_wait3A_990 = arith.constant 0 : i32
          %dma_wait3A_991 = arith.constant 0 : i32
          %dma_wait3A_992 = tpu.memref_slice %arg6[%dma_wait3A_989, %dma_wait3A_990, %dma_wait3A_991] : memref<4x320x64xf32, #tpu.memory_space<vmem>> -> memref<1x320x64xf32, #tpu.memory_space<vmem>>
          %dma_wait3A_993 = tpu.memref_squeeze %dma_wait3A_992 : memref<1x320x64xf32, #tpu.memory_space<vmem>> -> memref<320x64xf32, #tpu.memory_space<vmem>>
          %dma_wait3A_994 = arith.constant 0 : i32
          %dma_wait3A_995 = tpu.memref_slice %arg4[%add3A_988, %dma_wait3A_994] : memref<3276800x64xf32, #tpu.memory_space<hbm>> -> memref<320x64xf32, #tpu.memory_space<hbm>>
          %dma_wait3A_996 = arith.constant 0 : i32
          %dma_wait3A_997 = tpu.memref_slice %arg4[%add3A_988, %dma_wait3A_996] : memref<3276800x64xf32, #tpu.memory_space<hbm>> -> memref<320x64xf32, #tpu.memory_space<hbm>>
          %dma_wait3A_998 = arith.constant 0 : i32
          %dma_wait3A_999 = arith.constant 0 : i32
          %dma_wait3A_1000 = tpu.memref_slice %arg6[%dma_wait3A_989, %dma_wait3A_998, %dma_wait3A_999] : memref<4x320x64xf32, #tpu.memory_space<vmem>> -> memref<1x320x64xf32, #tpu.memory_space<vmem>>
          %dma_wait3A_1001 = tpu.memref_squeeze %dma_wait3A_1000 : memref<1x320x64xf32, #tpu.memory_space<vmem>> -> memref<320x64xf32, #tpu.memory_space<vmem>>
          tpu.wait_dma2 semaphore(%arg12 : memref<!tpu.dma_semaphore, #tpu.memory_space<semaphore_mem>>) src(%dma_wait3A_1001 : memref<320x64xf32, #tpu.memory_space<vmem>>) dst(%dma_wait3A_997 : memref<320x64xf32, #tpu.memory_space<hbm>>)
        } else {
        }
        %dma_start3A_971 = arith.constant 2 : i32
        %dma_start3A_972 = arith.constant 2 : i32
        %dma_start3A_973 = arith.constant 0 : i32
        %dma_start3A_974 = arith.constant 0 : i32
        %dma_start3A_975 = tpu.memref_slice %arg6[%dma_start3A_972, %dma_start3A_973, %dma_start3A_974] : memref<4x320x64xf32, #tpu.memory_space<vmem>> -> memref<1x320x64xf32, #tpu.memory_space<vmem>>
        %dma_start3A_976 = tpu.memref_squeeze %dma_start3A_975 : memref<1x320x64xf32, #tpu.memory_space<vmem>> -> memref<320x64xf32, #tpu.memory_space<vmem>>
        %dma_start3A_977 = arith.constant 0 : i32
        %dma_start3A_978 = tpu.memref_slice %arg5[%dma_start3A_971, %dma_start3A_977] : memref<4x320xi32, #tpu.memory_space<vmem>> -> memref<1x320xi32, #tpu.memory_space<vmem>>
        %dma_start3A_979 = tpu.memref_squeeze %dma_start3A_978 : memref<1x320xi32, #tpu.memory_space<vmem>> -> memref<320xi32, #tpu.memory_space<vmem>>
        %dma_start3A_980 = arith.constant 0 : i32
        %dma_start3A_981 = arith.constant 0 : i32
        %dma_start3A_982 = tpu.memref_slice %arg7[%dma_start3A_980, %dma_start3A_981] : memref<42x64xf32, #tpu.memory_space<vmem_shared>> -> memref<42x64xf32, #tpu.memory_space<vmem_shared>>
        tpu.enqueue_indirect_dma source(%dma_start3A_982 : memref<42x64xf32, #tpu.memory_space<vmem_shared>>) target(%dma_start3A_976 : memref<320x64xf32, #tpu.memory_space<vmem>>) offsets(%dma_start3A_979 : memref<320xi32, #tpu.memory_space<vmem>>) semaphore(%arg9 : memref<!tpu.dma_semaphore, #tpu.memory_space<semaphore_mem>>)
      } else {
      }
      %dma_wait3A_498 = arith.constant 1 : i32
      %dma_wait3A_499 = arith.constant 1 : i32
      %dma_wait3A_500 = arith.constant 0 : i32
      %dma_wait3A_501 = arith.constant 0 : i32
      %dma_wait3A_502 = tpu.memref_slice %arg6[%dma_wait3A_499, %dma_wait3A_500, %dma_wait3A_501] : memref<4x320x64xf32, #tpu.memory_space<vmem>> -> memref<1x320x64xf32, #tpu.memory_space<vmem>>
      %dma_wait3A_503 = tpu.memref_squeeze %dma_wait3A_502 : memref<1x320x64xf32, #tpu.memory_space<vmem>> -> memref<320x64xf32, #tpu.memory_space<vmem>>
      %dma_wait3A_504 = arith.constant 0 : i32
      %dma_wait3A_505 = tpu.memref_slice %arg5[%dma_wait3A_498, %dma_wait3A_504] : memref<4x320xi32, #tpu.memory_space<vmem>> -> memref<1x320xi32, #tpu.memory_space<vmem>>
      %dma_wait3A_506 = tpu.memref_squeeze %dma_wait3A_505 : memref<1x320xi32, #tpu.memory_space<vmem>> -> memref<320xi32, #tpu.memory_space<vmem>>
      %dma_wait3A_507 = arith.constant 0 : i32
      %dma_wait3A_508 = arith.constant 0 : i32
      %dma_wait3A_509 = tpu.memref_slice %arg7[%dma_wait3A_507, %dma_wait3A_508] : memref<42x64xf32, #tpu.memory_space<vmem_shared>> -> memref<42x64xf32, #tpu.memory_space<vmem_shared>>
      tpu.wait_indirect_dma semaphore(%arg9 : memref<!tpu.dma_semaphore, #tpu.memory_space<semaphore_mem>>) src(%dma_wait3A_509 : memref<42x64xf32, #tpu.memory_space<vmem_shared>>) dst(%dma_wait3A_503 : memref<320x64xf32, #tpu.memory_space<vmem>>)
      %mul3A_510 = arith.constant 320 : i32
      %mul3A_511 = arith.muli %add3A_490, %mul3A_510 : i32
      %add3A_512 = arith.addi %mul3A_2, %mul3A_511 : i32
      %dma_start3A_513 = arith.constant 1 : i32
      %dma_start3A_514 = arith.constant 0 : i32
      %dma_start3A_515 = arith.constant 0 : i32
      %dma_start3A_516 = tpu.memref_slice %arg6[%dma_start3A_513, %dma_start3A_514, %dma_start3A_515] : memref<4x320x64xf32, #tpu.memory_space<vmem>> -> memref<1x320x64xf32, #tpu.memory_space<vmem>>
      %dma_start3A_517 = tpu.memref_squeeze %dma_start3A_516 : memref<1x320x64xf32, #tpu.memory_space<vmem>> -> memref<320x64xf32, #tpu.memory_space<vmem>>
      %dma_start3A_518 = arith.constant 0 : i32
      %dma_start3A_519 = tpu.memref_slice %arg4[%add3A_512, %dma_start3A_518] : memref<3276800x64xf32, #tpu.memory_space<hbm>> -> memref<320x64xf32, #tpu.memory_space<hbm>>
      %dma_start3A_520 = arith.constant 0 : i32
      %dma_start3A_521 = tpu.memref_slice %arg4[%add3A_512, %dma_start3A_520] : memref<3276800x64xf32, #tpu.memory_space<hbm>> -> memref<320x64xf32, #tpu.memory_space<hbm>>
      %dma_start3A_522 = arith.constant 0 : i32
      %dma_start3A_523 = arith.constant 0 : i32
      %dma_start3A_524 = tpu.memref_slice %arg6[%dma_start3A_513, %dma_start3A_522, %dma_start3A_523] : memref<4x320x64xf32, #tpu.memory_space<vmem>> -> memref<1x320x64xf32, #tpu.memory_space<vmem>>
      %dma_start3A_525 = tpu.memref_squeeze %dma_start3A_524 : memref<1x320x64xf32, #tpu.memory_space<vmem>> -> memref<320x64xf32, #tpu.memory_space<vmem>>
      tpu.enqueue_dma source(%dma_start3A_525 : memref<320x64xf32, #tpu.memory_space<vmem>>) target(%dma_start3A_521 : memref<320x64xf32, #tpu.memory_space<hbm>>) target_semaphore(%arg11 : memref<!tpu.dma_semaphore, #tpu.memory_space<semaphore_mem>>)
      %mul3A_526 = arith.constant 4 : i32
      %mul3A_527 = arith.muli %scan3A_448, %mul3A_526 : i32
      %add3A_528 = arith.constant 2 : i32
      %add3A_529 = arith.addi %mul3A_527, %add3A_528 : i32
      %add3A_530 = arith.constant 1 : i32
      %add3A_531 = arith.addi %add3A_529, %add3A_530 : i32
      %lt3A_532 = arith.constant 320 : i32
      %lt3A_533 = arith.cmpi slt, %add3A_531, %lt3A_532 : i32
      %convert_element_type3A_534 = arith.extui %lt3A_533 : i1 to i32
      %cond3A_535 = arith.constant 0 : i32
      %cond3A_536 = arith.cmpi ne, %convert_element_type3A_534, %cond3A_535 : i32
      scf.if %cond3A_536 {
        %add3A_604 = arith.constant 1 : i32
        %add3A_605 = arith.addi %add3A_529, %add3A_604 : i32
        %mul3A_606 = arith.constant 320 : i32
        %mul3A_607 = arith.muli %add3A_605, %mul3A_606 : i32
        %add3A_608 = arith.addi %mul3A_2, %mul3A_607 : i32
        %dma_wait3A_609 = arith.constant 3 : i32
        %dma_wait3A_610 = arith.constant 0 : i32
        %dma_wait3A_611 = tpu.memref_slice %arg5[%dma_wait3A_609, %dma_wait3A_610] : memref<4x320xi32, #tpu.memory_space<vmem>> -> memref<1x320xi32, #tpu.memory_space<vmem>>
        %dma_wait3A_612 = tpu.memref_squeeze %dma_wait3A_611 : memref<1x320xi32, #tpu.memory_space<vmem>> -> memref<320xi32, #tpu.memory_space<vmem>>
        %dma_wait3A_613 = tpu.memref_slice %arg2[%add3A_608] : memref<3276800xi32, #tpu.memory_space<hbm>> -> memref<320xi32, #tpu.memory_space<hbm>>
        %dma_wait3A_614 = arith.constant 0 : i32
        %dma_wait3A_615 = tpu.memref_slice %arg5[%dma_wait3A_609, %dma_wait3A_614] : memref<4x320xi32, #tpu.memory_space<vmem>> -> memref<1x320xi32, #tpu.memory_space<vmem>>
        %dma_wait3A_616 = tpu.memref_squeeze %dma_wait3A_615 : memref<1x320xi32, #tpu.memory_space<vmem>> -> memref<320xi32, #tpu.memory_space<vmem>>
        %dma_wait3A_617 = tpu.memref_slice %arg2[%add3A_608] : memref<3276800xi32, #tpu.memory_space<hbm>> -> memref<320xi32, #tpu.memory_space<hbm>>
        tpu.wait_dma2 semaphore(%arg8 : memref<!tpu.dma_semaphore, #tpu.memory_space<semaphore_mem>>) src(%dma_wait3A_617 : memref<320xi32, #tpu.memory_space<hbm>>) dst(%dma_wait3A_616 : memref<320xi32, #tpu.memory_space<vmem>>)
        %add3A_618 = arith.constant 2 : i32
        %add3A_619 = arith.addi %add3A_529, %add3A_618 : i32
        %lt3A_620 = arith.constant 320 : i32
        %lt3A_621 = arith.cmpi slt, %add3A_619, %lt3A_620 : i32
        %convert_element_type3A_622 = arith.extui %lt3A_621 : i1 to i32
        %cond3A_623 = arith.constant 0 : i32
        %cond3A_624 = arith.cmpi ne, %convert_element_type3A_622, %cond3A_623 : i32
        scf.if %cond3A_624 {
          %add3A_983 = arith.constant 2 : i32
          %add3A_984 = arith.addi %add3A_529, %add3A_983 : i32
          %mul3A_985 = arith.constant 320 : i32
          %mul3A_986 = arith.muli %add3A_984, %mul3A_985 : i32
          %add3A_987 = arith.addi %mul3A_2, %mul3A_986 : i32
          %dma_start3A_988 = arith.constant 0 : i32
          %dma_start3A_989 = arith.constant 0 : i32
          %dma_start3A_990 = tpu.memref_slice %arg5[%dma_start3A_988, %dma_start3A_989] : memref<4x320xi32, #tpu.memory_space<vmem>> -> memref<1x320xi32, #tpu.memory_space<vmem>>
          %dma_start3A_991 = tpu.memref_squeeze %dma_start3A_990 : memref<1x320xi32, #tpu.memory_space<vmem>> -> memref<320xi32, #tpu.memory_space<vmem>>
          %dma_start3A_992 = tpu.memref_slice %arg2[%add3A_987] : memref<3276800xi32, #tpu.memory_space<hbm>> -> memref<320xi32, #tpu.memory_space<hbm>>
          %dma_start3A_993 = arith.constant 0 : i32
          %dma_start3A_994 = tpu.memref_slice %arg5[%dma_start3A_988, %dma_start3A_993] : memref<4x320xi32, #tpu.memory_space<vmem>> -> memref<1x320xi32, #tpu.memory_space<vmem>>
          %dma_start3A_995 = tpu.memref_squeeze %dma_start3A_994 : memref<1x320xi32, #tpu.memory_space<vmem>> -> memref<320xi32, #tpu.memory_space<vmem>>
          %dma_start3A_996 = tpu.memref_slice %arg2[%add3A_987] : memref<3276800xi32, #tpu.memory_space<hbm>> -> memref<320xi32, #tpu.memory_space<hbm>>
          tpu.enqueue_dma source(%dma_start3A_996 : memref<320xi32, #tpu.memory_space<hbm>>) target(%dma_start3A_995 : memref<320xi32, #tpu.memory_space<vmem>>) target_semaphore(%arg8 : memref<!tpu.dma_semaphore, #tpu.memory_space<semaphore_mem>>)
        } else {
        }
        %get3A_625 = arith.constant 3 : i32
        %get3A_626 = arith.index_cast %get3A_625 : i32 to index
        %get3A_627 = arith.constant 0 : index
        %get3A_628 = tpu.vector_load %arg5[%get3A_626, %get3A_627] {strides = array<i32>} : memref<4x320xi32, #tpu.memory_space<vmem>>, vector<1x16xi32>,
        %get3A_629 = vector.shape_cast %get3A_628 : vector<1x16xi32> to vector<16xi32>
        %jit3A_630 = arith.constant 0 : i32
        %jit3A_631 = arith.constant 40 : i32
        %max3A_632 = vector.broadcast %jit3A_630 : i32 to vector<16xi32>
        %max3A_633 = arith.maxsi %max3A_632, %get3A_629 : vector<16xi32>
        %min3A_634 = vector.broadcast %jit3A_631 : i32 to vector<16xi32>
        %min3A_635 = arith.minsi %min3A_634, %max3A_633 : vector<16xi32>
        %swap3A_636 = arith.constant 3 : i32
        %swap3A_637 = arith.index_cast %swap3A_636 : i32 to index
        %swap3A_638 = arith.constant 0 : index
        %swap3A_639 = tpu.vector_load %arg5[%swap3A_637, %swap3A_638] {strides = array<i32>} : memref<4x320xi32, #tpu.memory_space<vmem>>, vector<1x16xi32>,
        %swap3A_640 = vector.shape_cast %swap3A_639 : vector<1x16xi32> to vector<16xi32>
        %swap3A_641 = vector.shape_cast %min3A_635 : vector<16xi32> to vector<1x16xi32>
        tpu.vector_store %arg5[%swap3A_637, %swap3A_638], %swap3A_641 {strides = array<i32>} : memref<4x320xi32, #tpu.memory_space<vmem>>, vector<1x16xi32>,
        %get3A_642 = arith.constant 3 : i32
        %get3A_643 = arith.index_cast %get3A_642 : i32 to index
        %get3A_644 = arith.constant 16 : index
        %get3A_645 = tpu.vector_load %arg5[%get3A_643, %get3A_644] {strides = array<i32>} : memref<4x320xi32, #tpu.memory_space<vmem>>, vector<1x16xi32>,
        %get3A_646 = vector.shape_cast %get3A_645 : vector<1x16xi32> to vector<16xi32>
        %jit3A_647 = arith.constant 0 : i32
        %jit3A_648 = arith.constant 40 : i32
        %max3A_649 = vector.broadcast %jit3A_647 : i32 to vector<16xi32>
        %max3A_650 = arith.maxsi %max3A_649, %get3A_646 : vector<16xi32>
        %min3A_651 = vector.broadcast %jit3A_648 : i32 to vector<16xi32>
        %min3A_652 = arith.minsi %min3A_651, %max3A_650 : vector<16xi32>
        %swap3A_653 = arith.constant 3 : i32
        %swap3A_654 = arith.index_cast %swap3A_653 : i32 to index
        %swap3A_655 = arith.constant 16 : index
        %swap3A_656 = tpu.vector_load %arg5[%swap3A_654, %swap3A_655] {strides = array<i32>} : memref<4x320xi32, #tpu.memory_space<vmem>>, vector<1x16xi32>,
        %swap3A_657 = vector.shape_cast %swap3A_656 : vector<1x16xi32> to vector<16xi32>
        %swap3A_658 = vector.shape_cast %min3A_652 : vector<16xi32> to vector<1x16xi32>
        tpu.vector_store %arg5[%swap3A_654, %swap3A_655], %swap3A_658 {strides = array<i32>} : memref<4x320xi32, #tpu.memory_space<vmem>>, vector<1x16xi32>,
        %get3A_659 = arith.constant 3 : i32
        %get3A_660 = arith.index_cast %get3A_659 : i32 to index
        %get3A_661 = arith.constant 32 : index
        %get3A_662 = tpu.vector_load %arg5[%get3A_660, %get3A_661] {strides = array<i32>} : memref<4x320xi32, #tpu.memory_space<vmem>>, vector<1x16xi32>,
        %get3A_663 = vector.shape_cast %get3A_662 : vector<1x16xi32> to vector<16xi32>
        %jit3A_664 = arith.constant 0 : i32
        %jit3A_665 = arith.constant 40 : i32
        %max3A_666 = vector.broadcast %jit3A_664 : i32 to vector<16xi32>
        %max3A_667 = arith.maxsi %max3A_666, %get3A_663 : vector<16xi32>
        %min3A_668 = vector.broadcast %jit3A_665 : i32 to vector<16xi32>
        %min3A_669 = arith.minsi %min3A_668, %max3A_667 : vector<16xi32>
        %swap3A_670 = arith.constant 3 : i32
        %swap3A_671 = arith.index_cast %swap3A_670 : i32 to index
        %swap3A_672 = arith.constant 32 : index
        %swap3A_673 = tpu.vector_load %arg5[%swap3A_671, %swap3A_672] {strides = array<i32>} : memref<4x320xi32, #tpu.memory_space<vmem>>, vector<1x16xi32>,
        %swap3A_674 = vector.shape_cast %swap3A_673 : vector<1x16xi32> to vector<16xi32>
        %swap3A_675 = vector.shape_cast %min3A_669 : vector<16xi32> to vector<1x16xi32>
        tpu.vector_store %arg5[%swap3A_671, %swap3A_672], %swap3A_675 {strides = array<i32>} : memref<4x320xi32, #tpu.memory_space<vmem>>, vector<1x16xi32>,
        %get3A_676 = arith.constant 3 : i32
        %get3A_677 = arith.index_cast %get3A_676 : i32 to index
        %get3A_678 = arith.constant 48 : index
        %get3A_679 = tpu.vector_load %arg5[%get3A_677, %get3A_678] {strides = array<i32>} : memref<4x320xi32, #tpu.memory_space<vmem>>, vector<1x16xi32>,
        %get3A_680 = vector.shape_cast %get3A_679 : vector<1x16xi32> to vector<16xi32>
        %jit3A_681 = arith.constant 0 : i32
        %jit3A_682 = arith.constant 40 : i32
        %max3A_683 = vector.broadcast %jit3A_681 : i32 to vector<16xi32>
        %max3A_684 = arith.maxsi %max3A_683, %get3A_680 : vector<16xi32>
        %min3A_685 = vector.broadcast %jit3A_682 : i32 to vector<16xi32>
        %min3A_686 = arith.minsi %min3A_685, %max3A_684 : vector<16xi32>
        %swap3A_687 = arith.constant 3 : i32
        %swap3A_688 = arith.index_cast %swap3A_687 : i32 to index
        %swap3A_689 = arith.constant 48 : index
        %swap3A_690 = tpu.vector_load %arg5[%swap3A_688, %swap3A_689] {strides = array<i32>} : memref<4x320xi32, #tpu.memory_space<vmem>>, vector<1x16xi32>,
        %swap3A_691 = vector.shape_cast %swap3A_690 : vector<1x16xi32> to vector<16xi32>
        %swap3A_692 = vector.shape_cast %min3A_686 : vector<16xi32> to vector<1x16xi32>
        tpu.vector_store %arg5[%swap3A_688, %swap3A_689], %swap3A_692 {strides = array<i32>} : memref<4x320xi32, #tpu.memory_space<vmem>>, vector<1x16xi32>,
        %get3A_693 = arith.constant 3 : i32
        %get3A_694 = arith.index_cast %get3A_693 : i32 to index
        %get3A_695 = arith.constant 64 : index
        %get3A_696 = tpu.vector_load %arg5[%get3A_694, %get3A_695] {strides = array<i32>} : memref<4x320xi32, #tpu.memory_space<vmem>>, vector<1x16xi32>,
        %get3A_697 = vector.shape_cast %get3A_696 : vector<1x16xi32> to vector<16xi32>
        %jit3A_698 = arith.constant 0 : i32
        %jit3A_699 = arith.constant 40 : i32
        %max3A_700 = vector.broadcast %jit3A_698 : i32 to vector<16xi32>
        %max3A_701 = arith.maxsi %max3A_700, %get3A_697 : vector<16xi32>
        %min3A_702 = vector.broadcast %jit3A_699 : i32 to vector<16xi32>
        %min3A_703 = arith.minsi %min3A_702, %max3A_701 : vector<16xi32>
        %swap3A_704 = arith.constant 3 : i32
        %swap3A_705 = arith.index_cast %swap3A_704 : i32 to index
        %swap3A_706 = arith.constant 64 : index
        %swap3A_707 = tpu.vector_load %arg5[%swap3A_705, %swap3A_706] {strides = array<i32>} : memref<4x320xi32, #tpu.memory_space<vmem>>, vector<1x16xi32>,
        %swap3A_708 = vector.shape_cast %swap3A_707 : vector<1x16xi32> to vector<16xi32>
        %swap3A_709 = vector.shape_cast %min3A_703 : vector<16xi32> to vector<1x16xi32>
        tpu.vector_store %arg5[%swap3A_705, %swap3A_706], %swap3A_709 {strides = array<i32>} : memref<4x320xi32, #tpu.memory_space<vmem>>, vector<1x16xi32>,
        %get3A_710 = arith.constant 3 : i32
        %get3A_711 = arith.index_cast %get3A_710 : i32 to index
        %get3A_712 = arith.constant 80 : index
        %get3A_713 = tpu.vector_load %arg5[%get3A_711, %get3A_712] {strides = array<i32>} : memref<4x320xi32, #tpu.memory_space<vmem>>, vector<1x16xi32>,
        %get3A_714 = vector.shape_cast %get3A_713 : vector<1x16xi32> to vector<16xi32>
        %jit3A_715 = arith.constant 0 : i32
        %jit3A_716 = arith.constant 40 : i32
        %max3A_717 = vector.broadcast %jit3A_715 : i32 to vector<16xi32>
        %max3A_718 = arith.maxsi %max3A_717, %get3A_714 : vector<16xi32>
        %min3A_719 = vector.broadcast %jit3A_716 : i32 to vector<16xi32>
        %min3A_720 = arith.minsi %min3A_719, %max3A_718 : vector<16xi32>
        %swap3A_721 = arith.constant 3 : i32
        %swap3A_722 = arith.index_cast %swap3A_721 : i32 to index
        %swap3A_723 = arith.constant 80 : index
        %swap3A_724 = tpu.vector_load %arg5[%swap3A_722, %swap3A_723] {strides = array<i32>} : memref<4x320xi32, #tpu.memory_space<vmem>>, vector<1x16xi32>,
        %swap3A_725 = vector.shape_cast %swap3A_724 : vector<1x16xi32> to vector<16xi32>
        %swap3A_726 = vector.shape_cast %min3A_720 : vector<16xi32> to vector<1x16xi32>
        tpu.vector_store %arg5[%swap3A_722, %swap3A_723], %swap3A_726 {strides = array<i32>} : memref<4x320xi32, #tpu.memory_space<vmem>>, vector<1x16xi32>,
        %get3A_727 = arith.constant 3 : i32
        %get3A_728 = arith.index_cast %get3A_727 : i32 to index
        %get3A_729 = arith.constant 96 : index
        %get3A_730 = tpu.vector_load %arg5[%get3A_728, %get3A_729] {strides = array<i32>} : memref<4x320xi32, #tpu.memory_space<vmem>>, vector<1x16xi32>,
        %get3A_731 = vector.shape_cast %get3A_730 : vector<1x16xi32> to vector<16xi32>
        %jit3A_732 = arith.constant 0 : i32
        %jit3A_733 = arith.constant 40 : i32
        %max3A_734 = vector.broadcast %jit3A_732 : i32 to vector<16xi32>
        %max3A_735 = arith.maxsi %max3A_734, %get3A_731 : vector<16xi32>
        %min3A_736 = vector.broadcast %jit3A_733 : i32 to vector<16xi32>
        %min3A_737 = arith.minsi %min3A_736, %max3A_735 : vector<16xi32>
        %swap3A_738 = arith.constant 3 : i32
        %swap3A_739 = arith.index_cast %swap3A_738 : i32 to index
        %swap3A_740 = arith.constant 96 : index
        %swap3A_741 = tpu.vector_load %arg5[%swap3A_739, %swap3A_740] {strides = array<i32>} : memref<4x320xi32, #tpu.memory_space<vmem>>, vector<1x16xi32>,
        %swap3A_742 = vector.shape_cast %swap3A_741 : vector<1x16xi32> to vector<16xi32>
        %swap3A_743 = vector.shape_cast %min3A_737 : vector<16xi32> to vector<1x16xi32>
        tpu.vector_store %arg5[%swap3A_739, %swap3A_740], %swap3A_743 {strides = array<i32>} : memref<4x320xi32, #tpu.memory_space<vmem>>, vector<1x16xi32>,
        %get3A_744 = arith.constant 3 : i32
        %get3A_745 = arith.index_cast %get3A_744 : i32 to index
        %get3A_746 = arith.constant 112 : index
        %get3A_747 = tpu.vector_load %arg5[%get3A_745, %get3A_746] {strides = array<i32>} : memref<4x320xi32, #tpu.memory_space<vmem>>, vector<1x16xi32>,
        %get3A_748 = vector.shape_cast %get3A_747 : vector<1x16xi32> to vector<16xi32>
        %jit3A_749 = arith.constant 0 : i32
        %jit3A_750 = arith.constant 40 : i32
        %max3A_751 = vector.broadcast %jit3A_749 : i32 to vector<16xi32>
        %max3A_752 = arith.maxsi %max3A_751, %get3A_748 : vector<16xi32>
        %min3A_753 = vector.broadcast %jit3A_750 : i32 to vector<16xi32>
        %min3A_754 = arith.minsi %min3A_753, %max3A_752 : vector<16xi32>
        %swap3A_755 = arith.constant 3 : i32
        %swap3A_756 = arith.index_cast %swap3A_755 : i32 to index
        %swap3A_757 = arith.constant 112 : index
        %swap3A_758 = tpu.vector_load %arg5[%swap3A_756, %swap3A_757] {strides = array<i32>} : memref<4x320xi32, #tpu.memory_space<vmem>>, vector<1x16xi32>,
        %swap3A_759 = vector.shape_cast %swap3A_758 : vector<1x16xi32> to vector<16xi32>
        %swap3A_760 = vector.shape_cast %min3A_754 : vector<16xi32> to vector<1x16xi32>
        tpu.vector_store %arg5[%swap3A_756, %swap3A_757], %swap3A_760 {strides = array<i32>} : memref<4x320xi32, #tpu.memory_space<vmem>>, vector<1x16xi32>,
        %get3A_761 = arith.constant 3 : i32
        %get3A_762 = arith.index_cast %get3A_761 : i32 to index
        %get3A_763 = arith.constant 128 : index
        %get3A_764 = tpu.vector_load %arg5[%get3A_762, %get3A_763] {strides = array<i32>} : memref<4x320xi32, #tpu.memory_space<vmem>>, vector<1x16xi32>,
        %get3A_765 = vector.shape_cast %get3A_764 : vector<1x16xi32> to vector<16xi32>
        %jit3A_766 = arith.constant 0 : i32
        %jit3A_767 = arith.constant 40 : i32
        %max3A_768 = vector.broadcast %jit3A_766 : i32 to vector<16xi32>
        %max3A_769 = arith.maxsi %max3A_768, %get3A_765 : vector<16xi32>
        %min3A_770 = vector.broadcast %jit3A_767 : i32 to vector<16xi32>
        %min3A_771 = arith.minsi %min3A_770, %max3A_769 : vector<16xi32>
        %swap3A_772 = arith.constant 3 : i32
        %swap3A_773 = arith.index_cast %swap3A_772 : i32 to index
        %swap3A_774 = arith.constant 128 : index
        %swap3A_775 = tpu.vector_load %arg5[%swap3A_773, %swap3A_774] {strides = array<i32>} : memref<4x320xi32, #tpu.memory_space<vmem>>, vector<1x16xi32>,
        %swap3A_776 = vector.shape_cast %swap3A_775 : vector<1x16xi32> to vector<16xi32>
        %swap3A_777 = vector.shape_cast %min3A_771 : vector<16xi32> to vector<1x16xi32>
        tpu.vector_store %arg5[%swap3A_773, %swap3A_774], %swap3A_777 {strides = array<i32>} : memref<4x320xi32, #tpu.memory_space<vmem>>, vector<1x16xi32>,
        %get3A_778 = arith.constant 3 : i32
        %get3A_779 = arith.index_cast %get3A_778 : i32 to index
        %get3A_780 = arith.constant 144 : index
        %get3A_781 = tpu.vector_load %arg5[%get3A_779, %get3A_780] {strides = array<i32>} : memref<4x320xi32, #tpu.memory_space<vmem>>, vector<1x16xi32>,
        %get3A_782 = vector.shape_cast %get3A_781 : vector<1x16xi32> to vector<16xi32>
        %jit3A_783 = arith.constant 0 : i32
        %jit3A_784 = arith.constant 40 : i32
        %max3A_785 = vector.broadcast %jit3A_783 : i32 to vector<16xi32>
        %max3A_786 = arith.maxsi %max3A_785, %get3A_782 : vector<16xi32>
        %min3A_787 = vector.broadcast %jit3A_784 : i32 to vector<16xi32>
        %min3A_788 = arith.minsi %min3A_787, %max3A_786 : vector<16xi32>
        %swap3A_789 = arith.constant 3 : i32
        %swap3A_790 = arith.index_cast %swap3A_789 : i32 to index
        %swap3A_791 = arith.constant 144 : index
        %swap3A_792 = tpu.vector_load %arg5[%swap3A_790, %swap3A_791] {strides = array<i32>} : memref<4x320xi32, #tpu.memory_space<vmem>>, vector<1x16xi32>,
        %swap3A_793 = vector.shape_cast %swap3A_792 : vector<1x16xi32> to vector<16xi32>
        %swap3A_794 = vector.shape_cast %min3A_788 : vector<16xi32> to vector<1x16xi32>
        tpu.vector_store %arg5[%swap3A_790, %swap3A_791], %swap3A_794 {strides = array<i32>} : memref<4x320xi32, #tpu.memory_space<vmem>>, vector<1x16xi32>,
        %get3A_795 = arith.constant 3 : i32
        %get3A_796 = arith.index_cast %get3A_795 : i32 to index
        %get3A_797 = arith.constant 160 : index
        %get3A_798 = tpu.vector_load %arg5[%get3A_796, %get3A_797] {strides = array<i32>} : memref<4x320xi32, #tpu.memory_space<vmem>>, vector<1x16xi32>,
        %get3A_799 = vector.shape_cast %get3A_798 : vector<1x16xi32> to vector<16xi32>
        %jit3A_800 = arith.constant 0 : i32
        %jit3A_801 = arith.constant 40 : i32
        %max3A_802 = vector.broadcast %jit3A_800 : i32 to vector<16xi32>
        %max3A_803 = arith.maxsi %max3A_802, %get3A_799 : vector<16xi32>
        %min3A_804 = vector.broadcast %jit3A_801 : i32 to vector<16xi32>
        %min3A_805 = arith.minsi %min3A_804, %max3A_803 : vector<16xi32>
        %swap3A_806 = arith.constant 3 : i32
        %swap3A_807 = arith.index_cast %swap3A_806 : i32 to index
        %swap3A_808 = arith.constant 160 : index
        %swap3A_809 = tpu.vector_load %arg5[%swap3A_807, %swap3A_808] {strides = array<i32>} : memref<4x320xi32, #tpu.memory_space<vmem>>, vector<1x16xi32>,
        %swap3A_810 = vector.shape_cast %swap3A_809 : vector<1x16xi32> to vector<16xi32>
        %swap3A_811 = vector.shape_cast %min3A_805 : vector<16xi32> to vector<1x16xi32>
        tpu.vector_store %arg5[%swap3A_807, %swap3A_808], %swap3A_811 {strides = array<i32>} : memref<4x320xi32, #tpu.memory_space<vmem>>, vector<1x16xi32>,
        %get3A_812 = arith.constant 3 : i32
        %get3A_813 = arith.index_cast %get3A_812 : i32 to index
        %get3A_814 = arith.constant 176 : index
        %get3A_815 = tpu.vector_load %arg5[%get3A_813, %get3A_814] {strides = array<i32>} : memref<4x320xi32, #tpu.memory_space<vmem>>, vector<1x16xi32>,
        %get3A_816 = vector.shape_cast %get3A_815 : vector<1x16xi32> to vector<16xi32>
        %jit3A_817 = arith.constant 0 : i32
        %jit3A_818 = arith.constant 40 : i32
        %max3A_819 = vector.broadcast %jit3A_817 : i32 to vector<16xi32>
        %max3A_820 = arith.maxsi %max3A_819, %get3A_816 : vector<16xi32>
        %min3A_821 = vector.broadcast %jit3A_818 : i32 to vector<16xi32>
        %min3A_822 = arith.minsi %min3A_821, %max3A_820 : vector<16xi32>
        %swap3A_823 = arith.constant 3 : i32
        %swap3A_824 = arith.index_cast %swap3A_823 : i32 to index
        %swap3A_825 = arith.constant 176 : index
        %swap3A_826 = tpu.vector_load %arg5[%swap3A_824, %swap3A_825] {strides = array<i32>} : memref<4x320xi32, #tpu.memory_space<vmem>>, vector<1x16xi32>,
        %swap3A_827 = vector.shape_cast %swap3A_826 : vector<1x16xi32> to vector<16xi32>
        %swap3A_828 = vector.shape_cast %min3A_822 : vector<16xi32> to vector<1x16xi32>
        tpu.vector_store %arg5[%swap3A_824, %swap3A_825], %swap3A_828 {strides = array<i32>} : memref<4x320xi32, #tpu.memory_space<vmem>>, vector<1x16xi32>,
        %get3A_829 = arith.constant 3 : i32
        %get3A_830 = arith.index_cast %get3A_829 : i32 to index
        %get3A_831 = arith.constant 192 : index
        %get3A_832 = tpu.vector_load %arg5[%get3A_830, %get3A_831] {strides = array<i32>} : memref<4x320xi32, #tpu.memory_space<vmem>>, vector<1x16xi32>,
        %get3A_833 = vector.shape_cast %get3A_832 : vector<1x16xi32> to vector<16xi32>
        %jit3A_834 = arith.constant 0 : i32
        %jit3A_835 = arith.constant 40 : i32
        %max3A_836 = vector.broadcast %jit3A_834 : i32 to vector<16xi32>
        %max3A_837 = arith.maxsi %max3A_836, %get3A_833 : vector<16xi32>
        %min3A_838 = vector.broadcast %jit3A_835 : i32 to vector<16xi32>
        %min3A_839 = arith.minsi %min3A_838, %max3A_837 : vector<16xi32>
        %swap3A_840 = arith.constant 3 : i32
        %swap3A_841 = arith.index_cast %swap3A_840 : i32 to index
        %swap3A_842 = arith.constant 192 : index
        %swap3A_843 = tpu.vector_load %arg5[%swap3A_841, %swap3A_842] {strides = array<i32>} : memref<4x320xi32, #tpu.memory_space<vmem>>, vector<1x16xi32>,
        %swap3A_844 = vector.shape_cast %swap3A_843 : vector<1x16xi32> to vector<16xi32>
        %swap3A_845 = vector.shape_cast %min3A_839 : vector<16xi32> to vector<1x16xi32>
        tpu.vector_store %arg5[%swap3A_841, %swap3A_842], %swap3A_845 {strides = array<i32>} : memref<4x320xi32, #tpu.memory_space<vmem>>, vector<1x16xi32>,
        %get3A_846 = arith.constant 3 : i32
        %get3A_847 = arith.index_cast %get3A_846 : i32 to index
        %get3A_848 = arith.constant 208 : index
        %get3A_849 = tpu.vector_load %arg5[%get3A_847, %get3A_848] {strides = array<i32>} : memref<4x320xi32, #tpu.memory_space<vmem>>, vector<1x16xi32>,
        %get3A_850 = vector.shape_cast %get3A_849 : vector<1x16xi32> to vector<16xi32>
        %jit3A_851 = arith.constant 0 : i32
        %jit3A_852 = arith.constant 40 : i32
        %max3A_853 = vector.broadcast %jit3A_851 : i32 to vector<16xi32>
        %max3A_854 = arith.maxsi %max3A_853, %get3A_850 : vector<16xi32>
        %min3A_855 = vector.broadcast %jit3A_852 : i32 to vector<16xi32>
        %min3A_856 = arith.minsi %min3A_855, %max3A_854 : vector<16xi32>
        %swap3A_857 = arith.constant 3 : i32
        %swap3A_858 = arith.index_cast %swap3A_857 : i32 to index
        %swap3A_859 = arith.constant 208 : index
        %swap3A_860 = tpu.vector_load %arg5[%swap3A_858, %swap3A_859] {strides = array<i32>} : memref<4x320xi32, #tpu.memory_space<vmem>>, vector<1x16xi32>,
        %swap3A_861 = vector.shape_cast %swap3A_860 : vector<1x16xi32> to vector<16xi32>
        %swap3A_862 = vector.shape_cast %min3A_856 : vector<16xi32> to vector<1x16xi32>
        tpu.vector_store %arg5[%swap3A_858, %swap3A_859], %swap3A_862 {strides = array<i32>} : memref<4x320xi32, #tpu.memory_space<vmem>>, vector<1x16xi32>,
        %get3A_863 = arith.constant 3 : i32
        %get3A_864 = arith.index_cast %get3A_863 : i32 to index
        %get3A_865 = arith.constant 224 : index
        %get3A_866 = tpu.vector_load %arg5[%get3A_864, %get3A_865] {strides = array<i32>} : memref<4x320xi32, #tpu.memory_space<vmem>>, vector<1x16xi32>,
        %get3A_867 = vector.shape_cast %get3A_866 : vector<1x16xi32> to vector<16xi32>
        %jit3A_868 = arith.constant 0 : i32
        %jit3A_869 = arith.constant 40 : i32
        %max3A_870 = vector.broadcast %jit3A_868 : i32 to vector<16xi32>
        %max3A_871 = arith.maxsi %max3A_870, %get3A_867 : vector<16xi32>
        %min3A_872 = vector.broadcast %jit3A_869 : i32 to vector<16xi32>
        %min3A_873 = arith.minsi %min3A_872, %max3A_871 : vector<16xi32>
        %swap3A_874 = arith.constant 3 : i32
        %swap3A_875 = arith.index_cast %swap3A_874 : i32 to index
        %swap3A_876 = arith.constant 224 : index
        %swap3A_877 = tpu.vector_load %arg5[%swap3A_875, %swap3A_876] {strides = array<i32>} : memref<4x320xi32, #tpu.memory_space<vmem>>, vector<1x16xi32>,
        %swap3A_878 = vector.shape_cast %swap3A_877 : vector<1x16xi32> to vector<16xi32>
        %swap3A_879 = vector.shape_cast %min3A_873 : vector<16xi32> to vector<1x16xi32>
        tpu.vector_store %arg5[%swap3A_875, %swap3A_876], %swap3A_879 {strides = array<i32>} : memref<4x320xi32, #tpu.memory_space<vmem>>, vector<1x16xi32>,
        %get3A_880 = arith.constant 3 : i32
        %get3A_881 = arith.index_cast %get3A_880 : i32 to index
        %get3A_882 = arith.constant 240 : index
        %get3A_883 = tpu.vector_load %arg5[%get3A_881, %get3A_882] {strides = array<i32>} : memref<4x320xi32, #tpu.memory_space<vmem>>, vector<1x16xi32>,
        %get3A_884 = vector.shape_cast %get3A_883 : vector<1x16xi32> to vector<16xi32>
        %jit3A_885 = arith.constant 0 : i32
        %jit3A_886 = arith.constant 40 : i32
        %max3A_887 = vector.broadcast %jit3A_885 : i32 to vector<16xi32>
        %max3A_888 = arith.maxsi %max3A_887, %get3A_884 : vector<16xi32>
        %min3A_889 = vector.broadcast %jit3A_886 : i32 to vector<16xi32>
        %min3A_890 = arith.minsi %min3A_889, %max3A_888 : vector<16xi32>
        %swap3A_891 = arith.constant 3 : i32
        %swap3A_892 = arith.index_cast %swap3A_891 : i32 to index
        %swap3A_893 = arith.constant 240 : index
        %swap3A_894 = tpu.vector_load %arg5[%swap3A_892, %swap3A_893] {strides = array<i32>} : memref<4x320xi32, #tpu.memory_space<vmem>>, vector<1x16xi32>,
        %swap3A_895 = vector.shape_cast %swap3A_894 : vector<1x16xi32> to vector<16xi32>
        %swap3A_896 = vector.shape_cast %min3A_890 : vector<16xi32> to vector<1x16xi32>
        tpu.vector_store %arg5[%swap3A_892, %swap3A_893], %swap3A_896 {strides = array<i32>} : memref<4x320xi32, #tpu.memory_space<vmem>>, vector<1x16xi32>,
        %get3A_897 = arith.constant 3 : i32
        %get3A_898 = arith.index_cast %get3A_897 : i32 to index
        %get3A_899 = arith.constant 256 : index
        %get3A_900 = tpu.vector_load %arg5[%get3A_898, %get3A_899] {strides = array<i32>} : memref<4x320xi32, #tpu.memory_space<vmem>>, vector<1x16xi32>,
        %get3A_901 = vector.shape_cast %get3A_900 : vector<1x16xi32> to vector<16xi32>
        %jit3A_902 = arith.constant 0 : i32
        %jit3A_903 = arith.constant 40 : i32
        %max3A_904 = vector.broadcast %jit3A_902 : i32 to vector<16xi32>
        %max3A_905 = arith.maxsi %max3A_904, %get3A_901 : vector<16xi32>
        %min3A_906 = vector.broadcast %jit3A_903 : i32 to vector<16xi32>
        %min3A_907 = arith.minsi %min3A_906, %max3A_905 : vector<16xi32>
        %swap3A_908 = arith.constant 3 : i32
        %swap3A_909 = arith.index_cast %swap3A_908 : i32 to index
        %swap3A_910 = arith.constant 256 : index
        %swap3A_911 = tpu.vector_load %arg5[%swap3A_909, %swap3A_910] {strides = array<i32>} : memref<4x320xi32, #tpu.memory_space<vmem>>, vector<1x16xi32>,
        %swap3A_912 = vector.shape_cast %swap3A_911 : vector<1x16xi32> to vector<16xi32>
        %swap3A_913 = vector.shape_cast %min3A_907 : vector<16xi32> to vector<1x16xi32>
        tpu.vector_store %arg5[%swap3A_909, %swap3A_910], %swap3A_913 {strides = array<i32>} : memref<4x320xi32, #tpu.memory_space<vmem>>, vector<1x16xi32>,
        %get3A_914 = arith.constant 3 : i32
        %get3A_915 = arith.index_cast %get3A_914 : i32 to index
        %get3A_916 = arith.constant 272 : index
        %get3A_917 = tpu.vector_load %arg5[%get3A_915, %get3A_916] {strides = array<i32>} : memref<4x320xi32, #tpu.memory_space<vmem>>, vector<1x16xi32>,
        %get3A_918 = vector.shape_cast %get3A_917 : vector<1x16xi32> to vector<16xi32>
        %jit3A_919 = arith.constant 0 : i32
        %jit3A_920 = arith.constant 40 : i32
        %max3A_921 = vector.broadcast %jit3A_919 : i32 to vector<16xi32>
        %max3A_922 = arith.maxsi %max3A_921, %get3A_918 : vector<16xi32>
        %min3A_923 = vector.broadcast %jit3A_920 : i32 to vector<16xi32>
        %min3A_924 = arith.minsi %min3A_923, %max3A_922 : vector<16xi32>
        %swap3A_925 = arith.constant 3 : i32
        %swap3A_926 = arith.index_cast %swap3A_925 : i32 to index
        %swap3A_927 = arith.constant 272 : index
        %swap3A_928 = tpu.vector_load %arg5[%swap3A_926, %swap3A_927] {strides = array<i32>} : memref<4x320xi32, #tpu.memory_space<vmem>>, vector<1x16xi32>,
        %swap3A_929 = vector.shape_cast %swap3A_928 : vector<1x16xi32> to vector<16xi32>
        %swap3A_930 = vector.shape_cast %min3A_924 : vector<16xi32> to vector<1x16xi32>
        tpu.vector_store %arg5[%swap3A_926, %swap3A_927], %swap3A_930 {strides = array<i32>} : memref<4x320xi32, #tpu.memory_space<vmem>>, vector<1x16xi32>,
        %get3A_931 = arith.constant 3 : i32
        %get3A_932 = arith.index_cast %get3A_931 : i32 to index
        %get3A_933 = arith.constant 288 : index
        %get3A_934 = tpu.vector_load %arg5[%get3A_932, %get3A_933] {strides = array<i32>} : memref<4x320xi32, #tpu.memory_space<vmem>>, vector<1x16xi32>,
        %get3A_935 = vector.shape_cast %get3A_934 : vector<1x16xi32> to vector<16xi32>
        %jit3A_936 = arith.constant 0 : i32
        %jit3A_937 = arith.constant 40 : i32
        %max3A_938 = vector.broadcast %jit3A_936 : i32 to vector<16xi32>
        %max3A_939 = arith.maxsi %max3A_938, %get3A_935 : vector<16xi32>
        %min3A_940 = vector.broadcast %jit3A_937 : i32 to vector<16xi32>
        %min3A_941 = arith.minsi %min3A_940, %max3A_939 : vector<16xi32>
        %swap3A_942 = arith.constant 3 : i32
        %swap3A_943 = arith.index_cast %swap3A_942 : i32 to index
        %swap3A_944 = arith.constant 288 : index
        %swap3A_945 = tpu.vector_load %arg5[%swap3A_943, %swap3A_944] {strides = array<i32>} : memref<4x320xi32, #tpu.memory_space<vmem>>, vector<1x16xi32>,
        %swap3A_946 = vector.shape_cast %swap3A_945 : vector<1x16xi32> to vector<16xi32>
        %swap3A_947 = vector.shape_cast %min3A_941 : vector<16xi32> to vector<1x16xi32>
        tpu.vector_store %arg5[%swap3A_943, %swap3A_944], %swap3A_947 {strides = array<i32>} : memref<4x320xi32, #tpu.memory_space<vmem>>, vector<1x16xi32>,
        %get3A_948 = arith.constant 3 : i32
        %get3A_949 = arith.index_cast %get3A_948 : i32 to index
        %get3A_950 = arith.constant 304 : index
        %get3A_951 = tpu.vector_load %arg5[%get3A_949, %get3A_950] {strides = array<i32>} : memref<4x320xi32, #tpu.memory_space<vmem>>, vector<1x16xi32>,
        %get3A_952 = vector.shape_cast %get3A_951 : vector<1x16xi32> to vector<16xi32>
        %jit3A_953 = arith.constant 0 : i32
        %jit3A_954 = arith.constant 40 : i32
        %max3A_955 = vector.broadcast %jit3A_953 : i32 to vector<16xi32>
        %max3A_956 = arith.maxsi %max3A_955, %get3A_952 : vector<16xi32>
        %min3A_957 = vector.broadcast %jit3A_954 : i32 to vector<16xi32>
        %min3A_958 = arith.minsi %min3A_957, %max3A_956 : vector<16xi32>
        %swap3A_959 = arith.constant 3 : i32
        %swap3A_960 = arith.index_cast %swap3A_959 : i32 to index
        %swap3A_961 = arith.constant 304 : index
        %swap3A_962 = tpu.vector_load %arg5[%swap3A_960, %swap3A_961] {strides = array<i32>} : memref<4x320xi32, #tpu.memory_space<vmem>>, vector<1x16xi32>,
        %swap3A_963 = vector.shape_cast %swap3A_962 : vector<1x16xi32> to vector<16xi32>
        %swap3A_964 = vector.shape_cast %min3A_958 : vector<16xi32> to vector<1x16xi32>
        tpu.vector_store %arg5[%swap3A_960, %swap3A_961], %swap3A_964 {strides = array<i32>} : memref<4x320xi32, #tpu.memory_space<vmem>>, vector<1x16xi32>,
        %add3A_965 = arith.constant 1 : i32
        %add3A_966 = arith.addi %add3A_529, %add3A_965 : i32
        %ge3A = arith.constant 4 : i32
        %ge3A_967 = arith.cmpi sge, %add3A_966, %ge3A : i32
        %convert_element_type3A_968 = arith.extui %ge3A_967 : i1 to i32
        %cond3A_969 = arith.constant 0 : i32
        %cond3A_970 = arith.cmpi ne, %convert_element_type3A_968, %cond3A_969 : i32
        scf.if %cond3A_970 {
          %add3A_983 = arith.constant 1 : i32
          %add3A_984 = arith.addi %add3A_529, %add3A_983 : i32
          %sub3A = arith.constant 4 : i32
          %sub3A_985 = arith.subi %add3A_984, %sub3A : i32
          %mul3A_986 = arith.constant 320 : i32
          %mul3A_987 = arith.muli %sub3A_985, %mul3A_986 : i32
          %add3A_988 = arith.addi %mul3A_2, %mul3A_987 : i32
          %dma_wait3A_989 = arith.constant 3 : i32
          %dma_wait3A_990 = arith.constant 0 : i32
          %dma_wait3A_991 = arith.constant 0 : i32
          %dma_wait3A_992 = tpu.memref_slice %arg6[%dma_wait3A_989, %dma_wait3A_990, %dma_wait3A_991] : memref<4x320x64xf32, #tpu.memory_space<vmem>> -> memref<1x320x64xf32, #tpu.memory_space<vmem>>
          %dma_wait3A_993 = tpu.memref_squeeze %dma_wait3A_992 : memref<1x320x64xf32, #tpu.memory_space<vmem>> -> memref<320x64xf32, #tpu.memory_space<vmem>>
          %dma_wait3A_994 = arith.constant 0 : i32
          %dma_wait3A_995 = tpu.memref_slice %arg4[%add3A_988, %dma_wait3A_994] : memref<3276800x64xf32, #tpu.memory_space<hbm>> -> memref<320x64xf32, #tpu.memory_space<hbm>>
          %dma_wait3A_996 = arith.constant 0 : i32
          %dma_wait3A_997 = tpu.memref_slice %arg4[%add3A_988, %dma_wait3A_996] : memref<3276800x64xf32, #tpu.memory_space<hbm>> -> memref<320x64xf32, #tpu.memory_space<hbm>>
          %dma_wait3A_998 = arith.constant 0 : i32
          %dma_wait3A_999 = arith.constant 0 : i32
          %dma_wait3A_1000 = tpu.memref_slice %arg6[%dma_wait3A_989, %dma_wait3A_998, %dma_wait3A_999] : memref<4x320x64xf32, #tpu.memory_space<vmem>> -> memref<1x320x64xf32, #tpu.memory_space<vmem>>
          %dma_wait3A_1001 = tpu.memref_squeeze %dma_wait3A_1000 : memref<1x320x64xf32, #tpu.memory_space<vmem>> -> memref<320x64xf32, #tpu.memory_space<vmem>>
          tpu.wait_dma2 semaphore(%arg13 : memref<!tpu.dma_semaphore, #tpu.memory_space<semaphore_mem>>) src(%dma_wait3A_1001 : memref<320x64xf32, #tpu.memory_space<vmem>>) dst(%dma_wait3A_997 : memref<320x64xf32, #tpu.memory_space<hbm>>)
        } else {
        }
        %dma_start3A_971 = arith.constant 3 : i32
        %dma_start3A_972 = arith.constant 3 : i32
        %dma_start3A_973 = arith.constant 0 : i32
        %dma_start3A_974 = arith.constant 0 : i32
        %dma_start3A_975 = tpu.memref_slice %arg6[%dma_start3A_972, %dma_start3A_973, %dma_start3A_974] : memref<4x320x64xf32, #tpu.memory_space<vmem>> -> memref<1x320x64xf32, #tpu.memory_space<vmem>>
        %dma_start3A_976 = tpu.memref_squeeze %dma_start3A_975 : memref<1x320x64xf32, #tpu.memory_space<vmem>> -> memref<320x64xf32, #tpu.memory_space<vmem>>
        %dma_start3A_977 = arith.constant 0 : i32
        %dma_start3A_978 = tpu.memref_slice %arg5[%dma_start3A_971, %dma_start3A_977] : memref<4x320xi32, #tpu.memory_space<vmem>> -> memref<1x320xi32, #tpu.memory_space<vmem>>
        %dma_start3A_979 = tpu.memref_squeeze %dma_start3A_978 : memref<1x320xi32, #tpu.memory_space<vmem>> -> memref<320xi32, #tpu.memory_space<vmem>>
        %dma_start3A_980 = arith.constant 0 : i32
        %dma_start3A_981 = arith.constant 0 : i32
        %dma_start3A_982 = tpu.memref_slice %arg7[%dma_start3A_980, %dma_start3A_981] : memref<42x64xf32, #tpu.memory_space<vmem_shared>> -> memref<42x64xf32, #tpu.memory_space<vmem_shared>>
        tpu.enqueue_indirect_dma source(%dma_start3A_982 : memref<42x64xf32, #tpu.memory_space<vmem_shared>>) target(%dma_start3A_976 : memref<320x64xf32, #tpu.memory_space<vmem>>) offsets(%dma_start3A_979 : memref<320xi32, #tpu.memory_space<vmem>>) semaphore(%arg9 : memref<!tpu.dma_semaphore, #tpu.memory_space<semaphore_mem>>)
      } else {
      }
      %dma_wait3A_537 = arith.constant 2 : i32
      %dma_wait3A_538 = arith.constant 2 : i32
      %dma_wait3A_539 = arith.constant 0 : i32
      %dma_wait3A_540 = arith.constant 0 : i32
      %dma_wait3A_541 = tpu.memref_slice %arg6[%dma_wait3A_538, %dma_wait3A_539, %dma_wait3A_540] : memref<4x320x64xf32, #tpu.memory_space<vmem>> -> memref<1x320x64xf32, #tpu.memory_space<vmem>>
      %dma_wait3A_542 = tpu.memref_squeeze %dma_wait3A_541 : memref<1x320x64xf32, #tpu.memory_space<vmem>> -> memref<320x64xf32, #tpu.memory_space<vmem>>
      %dma_wait3A_543 = arith.constant 0 : i32
      %dma_wait3A_544 = tpu.memref_slice %arg5[%dma_wait3A_537, %dma_wait3A_543] : memref<4x320xi32, #tpu.memory_space<vmem>> -> memref<1x320xi32, #tpu.memory_space<vmem>>
      %dma_wait3A_545 = tpu.memref_squeeze %dma_wait3A_544 : memref<1x320xi32, #tpu.memory_space<vmem>> -> memref<320xi32, #tpu.memory_space<vmem>>
      %dma_wait3A_546 = arith.constant 0 : i32
      %dma_wait3A_547 = arith.constant 0 : i32
      %dma_wait3A_548 = tpu.memref_slice %arg7[%dma_wait3A_546, %dma_wait3A_547] : memref<42x64xf32, #tpu.memory_space<vmem_shared>> -> memref<42x64xf32, #tpu.memory_space<vmem_shared>>
      tpu.wait_indirect_dma semaphore(%arg9 : memref<!tpu.dma_semaphore, #tpu.memory_space<semaphore_mem>>) src(%dma_wait3A_548 : memref<42x64xf32, #tpu.memory_space<vmem_shared>>) dst(%dma_wait3A_542 : memref<320x64xf32, #tpu.memory_space<vmem>>)
      %mul3A_549 = arith.constant 320 : i32
      %mul3A_550 = arith.muli %add3A_529, %mul3A_549 : i32
      %add3A_551 = arith.addi %mul3A_2, %mul3A_550 : i32
      %dma_start3A_552 = arith.constant 2 : i32
      %dma_start3A_553 = arith.constant 0 : i32
      %dma_start3A_554 = arith.constant 0 : i32
      %dma_start3A_555 = tpu.memref_slice %arg6[%dma_start3A_552, %dma_start3A_553, %dma_start3A_554] : memref<4x320x64xf32, #tpu.memory_space<vmem>> -> memref<1x320x64xf32, #tpu.memory_space<vmem>>
      %dma_start3A_556 = tpu.memref_squeeze %dma_start3A_555 : memref<1x320x64xf32, #tpu.memory_space<vmem>> -> memref<320x64xf32, #tpu.memory_space<vmem>>
      %dma_start3A_557 = arith.constant 0 : i32
      %dma_start3A_558 = tpu.memref_slice %arg4[%add3A_551, %dma_start3A_557] : memref<3276800x64xf32, #tpu.memory_space<hbm>> -> memref<320x64xf32, #tpu.memory_space<hbm>>
      %dma_start3A_559 = arith.constant 0 : i32
      %dma_start3A_560 = tpu.memref_slice %arg4[%add3A_551, %dma_start3A_559] : memref<3276800x64xf32, #tpu.memory_space<hbm>> -> memref<320x64xf32, #tpu.memory_space<hbm>>
      %dma_start3A_561 = arith.constant 0 : i32
      %dma_start3A_562 = arith.constant 0 : i32
      %dma_start3A_563 = tpu.memref_slice %arg6[%dma_start3A_552, %dma_start3A_561, %dma_start3A_562] : memref<4x320x64xf32, #tpu.memory_space<vmem>> -> memref<1x320x64xf32, #tpu.memory_space<vmem>>
      %dma_start3A_564 = tpu.memref_squeeze %dma_start3A_563 : memref<1x320x64xf32, #tpu.memory_space<vmem>> -> memref<320x64xf32, #tpu.memory_space<vmem>>
      tpu.enqueue_dma source(%dma_start3A_564 : memref<320x64xf32, #tpu.memory_space<vmem>>) target(%dma_start3A_560 : memref<320x64xf32, #tpu.memory_space<hbm>>) target_semaphore(%arg12 : memref<!tpu.dma_semaphore, #tpu.memory_space<semaphore_mem>>)
      %mul3A_565 = arith.constant 4 : i32
      %mul3A_566 = arith.muli %scan3A_448, %mul3A_565 : i32
      %add3A_567 = arith.constant 3 : i32
      %add3A_568 = arith.addi %mul3A_566, %add3A_567 : i32
      %add3A_569 = arith.constant 1 : i32
      %add3A_570 = arith.addi %add3A_568, %add3A_569 : i32
      %lt3A_571 = arith.constant 320 : i32
      %lt3A_572 = arith.cmpi slt, %add3A_570, %lt3A_571 : i32
      %convert_element_type3A_573 = arith.extui %lt3A_572 : i1 to i32
      %cond3A_574 = arith.constant 0 : i32
      %cond3A_575 = arith.cmpi ne, %convert_element_type3A_573, %cond3A_574 : i32
      scf.if %cond3A_575 {
        %add3A_604 = arith.constant 1 : i32
        %add3A_605 = arith.addi %add3A_568, %add3A_604 : i32
        %mul3A_606 = arith.constant 320 : i32
        %mul3A_607 = arith.muli %add3A_605, %mul3A_606 : i32
        %add3A_608 = arith.addi %mul3A_2, %mul3A_607 : i32
        %dma_wait3A_609 = arith.constant 0 : i32
        %dma_wait3A_610 = arith.constant 0 : i32
        %dma_wait3A_611 = tpu.memref_slice %arg5[%dma_wait3A_609, %dma_wait3A_610] : memref<4x320xi32, #tpu.memory_space<vmem>> -> memref<1x320xi32, #tpu.memory_space<vmem>>
        %dma_wait3A_612 = tpu.memref_squeeze %dma_wait3A_611 : memref<1x320xi32, #tpu.memory_space<vmem>> -> memref<320xi32, #tpu.memory_space<vmem>>
        %dma_wait3A_613 = tpu.memref_slice %arg2[%add3A_608] : memref<3276800xi32, #tpu.memory_space<hbm>> -> memref<320xi32, #tpu.memory_space<hbm>>
        %dma_wait3A_614 = arith.constant 0 : i32
        %dma_wait3A_615 = tpu.memref_slice %arg5[%dma_wait3A_609, %dma_wait3A_614] : memref<4x320xi32, #tpu.memory_space<vmem>> -> memref<1x320xi32, #tpu.memory_space<vmem>>
        %dma_wait3A_616 = tpu.memref_squeeze %dma_wait3A_615 : memref<1x320xi32, #tpu.memory_space<vmem>> -> memref<320xi32, #tpu.memory_space<vmem>>
        %dma_wait3A_617 = tpu.memref_slice %arg2[%add3A_608] : memref<3276800xi32, #tpu.memory_space<hbm>> -> memref<320xi32, #tpu.memory_space<hbm>>
        tpu.wait_dma2 semaphore(%arg8 : memref<!tpu.dma_semaphore, #tpu.memory_space<semaphore_mem>>) src(%dma_wait3A_617 : memref<320xi32, #tpu.memory_space<hbm>>) dst(%dma_wait3A_616 : memref<320xi32, #tpu.memory_space<vmem>>)
        %add3A_618 = arith.constant 2 : i32
        %add3A_619 = arith.addi %add3A_568, %add3A_618 : i32
        %lt3A_620 = arith.constant 320 : i32
        %lt3A_621 = arith.cmpi slt, %add3A_619, %lt3A_620 : i32
        %convert_element_type3A_622 = arith.extui %lt3A_621 : i1 to i32
        %cond3A_623 = arith.constant 0 : i32
        %cond3A_624 = arith.cmpi ne, %convert_element_type3A_622, %cond3A_623 : i32
        scf.if %cond3A_624 {
          %add3A_983 = arith.constant 2 : i32
          %add3A_984 = arith.addi %add3A_568, %add3A_983 : i32
          %mul3A_985 = arith.constant 320 : i32
          %mul3A_986 = arith.muli %add3A_984, %mul3A_985 : i32
          %add3A_987 = arith.addi %mul3A_2, %mul3A_986 : i32
          %dma_start3A_988 = arith.constant 1 : i32
          %dma_start3A_989 = arith.constant 0 : i32
          %dma_start3A_990 = tpu.memref_slice %arg5[%dma_start3A_988, %dma_start3A_989] : memref<4x320xi32, #tpu.memory_space<vmem>> -> memref<1x320xi32, #tpu.memory_space<vmem>>
          %dma_start3A_991 = tpu.memref_squeeze %dma_start3A_990 : memref<1x320xi32, #tpu.memory_space<vmem>> -> memref<320xi32, #tpu.memory_space<vmem>>
          %dma_start3A_992 = tpu.memref_slice %arg2[%add3A_987] : memref<3276800xi32, #tpu.memory_space<hbm>> -> memref<320xi32, #tpu.memory_space<hbm>>
          %dma_start3A_993 = arith.constant 0 : i32
          %dma_start3A_994 = tpu.memref_slice %arg5[%dma_start3A_988, %dma_start3A_993] : memref<4x320xi32, #tpu.memory_space<vmem>> -> memref<1x320xi32, #tpu.memory_space<vmem>>
          %dma_start3A_995 = tpu.memref_squeeze %dma_start3A_994 : memref<1x320xi32, #tpu.memory_space<vmem>> -> memref<320xi32, #tpu.memory_space<vmem>>
          %dma_start3A_996 = tpu.memref_slice %arg2[%add3A_987] : memref<3276800xi32, #tpu.memory_space<hbm>> -> memref<320xi32, #tpu.memory_space<hbm>>
          tpu.enqueue_dma source(%dma_start3A_996 : memref<320xi32, #tpu.memory_space<hbm>>) target(%dma_start3A_995 : memref<320xi32, #tpu.memory_space<vmem>>) target_semaphore(%arg8 : memref<!tpu.dma_semaphore, #tpu.memory_space<semaphore_mem>>)
        } else {
        }
        %get3A_625 = arith.constant 0 : i32
        %get3A_626 = arith.index_cast %get3A_625 : i32 to index
        %get3A_627 = arith.constant 0 : index
        %get3A_628 = tpu.vector_load %arg5[%get3A_626, %get3A_627] {strides = array<i32>} : memref<4x320xi32, #tpu.memory_space<vmem>>, vector<1x16xi32>,
        %get3A_629 = vector.shape_cast %get3A_628 : vector<1x16xi32> to vector<16xi32>
        %jit3A_630 = arith.constant 0 : i32
        %jit3A_631 = arith.constant 40 : i32
        %max3A_632 = vector.broadcast %jit3A_630 : i32 to vector<16xi32>
        %max3A_633 = arith.maxsi %max3A_632, %get3A_629 : vector<16xi32>
        %min3A_634 = vector.broadcast %jit3A_631 : i32 to vector<16xi32>
        %min3A_635 = arith.minsi %min3A_634, %max3A_633 : vector<16xi32>
        %swap3A_636 = arith.constant 0 : i32
        %swap3A_637 = arith.index_cast %swap3A_636 : i32 to index
        %swap3A_638 = arith.constant 0 : index
        %swap3A_639 = tpu.vector_load %arg5[%swap3A_637, %swap3A_638] {strides = array<i32>} : memref<4x320xi32, #tpu.memory_space<vmem>>, vector<1x16xi32>,
        %swap3A_640 = vector.shape_cast %swap3A_639 : vector<1x16xi32> to vector<16xi32>
        %swap3A_641 = vector.shape_cast %min3A_635 : vector<16xi32> to vector<1x16xi32>
        tpu.vector_store %arg5[%swap3A_637, %swap3A_638], %swap3A_641 {strides = array<i32>} : memref<4x320xi32, #tpu.memory_space<vmem>>, vector<1x16xi32>,
        %get3A_642 = arith.constant 0 : i32
        %get3A_643 = arith.index_cast %get3A_642 : i32 to index
        %get3A_644 = arith.constant 16 : index
        %get3A_645 = tpu.vector_load %arg5[%get3A_643, %get3A_644] {strides = array<i32>} : memref<4x320xi32, #tpu.memory_space<vmem>>, vector<1x16xi32>,
        %get3A_646 = vector.shape_cast %get3A_645 : vector<1x16xi32> to vector<16xi32>
        %jit3A_647 = arith.constant 0 : i32
        %jit3A_648 = arith.constant 40 : i32
        %max3A_649 = vector.broadcast %jit3A_647 : i32 to vector<16xi32>
        %max3A_650 = arith.maxsi %max3A_649, %get3A_646 : vector<16xi32>
        %min3A_651 = vector.broadcast %jit3A_648 : i32 to vector<16xi32>
        %min3A_652 = arith.minsi %min3A_651, %max3A_650 : vector<16xi32>
        %swap3A_653 = arith.constant 0 : i32
        %swap3A_654 = arith.index_cast %swap3A_653 : i32 to index
        %swap3A_655 = arith.constant 16 : index
        %swap3A_656 = tpu.vector_load %arg5[%swap3A_654, %swap3A_655] {strides = array<i32>} : memref<4x320xi32, #tpu.memory_space<vmem>>, vector<1x16xi32>,
        %swap3A_657 = vector.shape_cast %swap3A_656 : vector<1x16xi32> to vector<16xi32>
        %swap3A_658 = vector.shape_cast %min3A_652 : vector<16xi32> to vector<1x16xi32>
        tpu.vector_store %arg5[%swap3A_654, %swap3A_655], %swap3A_658 {strides = array<i32>} : memref<4x320xi32, #tpu.memory_space<vmem>>, vector<1x16xi32>,
        %get3A_659 = arith.constant 0 : i32
        %get3A_660 = arith.index_cast %get3A_659 : i32 to index
        %get3A_661 = arith.constant 32 : index
        %get3A_662 = tpu.vector_load %arg5[%get3A_660, %get3A_661] {strides = array<i32>} : memref<4x320xi32, #tpu.memory_space<vmem>>, vector<1x16xi32>,
        %get3A_663 = vector.shape_cast %get3A_662 : vector<1x16xi32> to vector<16xi32>
        %jit3A_664 = arith.constant 0 : i32
        %jit3A_665 = arith.constant 40 : i32
        %max3A_666 = vector.broadcast %jit3A_664 : i32 to vector<16xi32>
        %max3A_667 = arith.maxsi %max3A_666, %get3A_663 : vector<16xi32>
        %min3A_668 = vector.broadcast %jit3A_665 : i32 to vector<16xi32>
        %min3A_669 = arith.minsi %min3A_668, %max3A_667 : vector<16xi32>
        %swap3A_670 = arith.constant 0 : i32
        %swap3A_671 = arith.index_cast %swap3A_670 : i32 to index
        %swap3A_672 = arith.constant 32 : index
        %swap3A_673 = tpu.vector_load %arg5[%swap3A_671, %swap3A_672] {strides = array<i32>} : memref<4x320xi32, #tpu.memory_space<vmem>>, vector<1x16xi32>,
        %swap3A_674 = vector.shape_cast %swap3A_673 : vector<1x16xi32> to vector<16xi32>
        %swap3A_675 = vector.shape_cast %min3A_669 : vector<16xi32> to vector<1x16xi32>
        tpu.vector_store %arg5[%swap3A_671, %swap3A_672], %swap3A_675 {strides = array<i32>} : memref<4x320xi32, #tpu.memory_space<vmem>>, vector<1x16xi32>,
        %get3A_676 = arith.constant 0 : i32
        %get3A_677 = arith.index_cast %get3A_676 : i32 to index
        %get3A_678 = arith.constant 48 : index
        %get3A_679 = tpu.vector_load %arg5[%get3A_677, %get3A_678] {strides = array<i32>} : memref<4x320xi32, #tpu.memory_space<vmem>>, vector<1x16xi32>,
        %get3A_680 = vector.shape_cast %get3A_679 : vector<1x16xi32> to vector<16xi32>
        %jit3A_681 = arith.constant 0 : i32
        %jit3A_682 = arith.constant 40 : i32
        %max3A_683 = vector.broadcast %jit3A_681 : i32 to vector<16xi32>
        %max3A_684 = arith.maxsi %max3A_683, %get3A_680 : vector<16xi32>
        %min3A_685 = vector.broadcast %jit3A_682 : i32 to vector<16xi32>
        %min3A_686 = arith.minsi %min3A_685, %max3A_684 : vector<16xi32>
        %swap3A_687 = arith.constant 0 : i32
        %swap3A_688 = arith.index_cast %swap3A_687 : i32 to index
        %swap3A_689 = arith.constant 48 : index
        %swap3A_690 = tpu.vector_load %arg5[%swap3A_688, %swap3A_689] {strides = array<i32>} : memref<4x320xi32, #tpu.memory_space<vmem>>, vector<1x16xi32>,
        %swap3A_691 = vector.shape_cast %swap3A_690 : vector<1x16xi32> to vector<16xi32>
        %swap3A_692 = vector.shape_cast %min3A_686 : vector<16xi32> to vector<1x16xi32>
        tpu.vector_store %arg5[%swap3A_688, %swap3A_689], %swap3A_692 {strides = array<i32>} : memref<4x320xi32, #tpu.memory_space<vmem>>, vector<1x16xi32>,
        %get3A_693 = arith.constant 0 : i32
        %get3A_694 = arith.index_cast %get3A_693 : i32 to index
        %get3A_695 = arith.constant 64 : index
        %get3A_696 = tpu.vector_load %arg5[%get3A_694, %get3A_695] {strides = array<i32>} : memref<4x320xi32, #tpu.memory_space<vmem>>, vector<1x16xi32>,
        %get3A_697 = vector.shape_cast %get3A_696 : vector<1x16xi32> to vector<16xi32>
        %jit3A_698 = arith.constant 0 : i32
        %jit3A_699 = arith.constant 40 : i32
        %max3A_700 = vector.broadcast %jit3A_698 : i32 to vector<16xi32>
        %max3A_701 = arith.maxsi %max3A_700, %get3A_697 : vector<16xi32>
        %min3A_702 = vector.broadcast %jit3A_699 : i32 to vector<16xi32>
        %min3A_703 = arith.minsi %min3A_702, %max3A_701 : vector<16xi32>
        %swap3A_704 = arith.constant 0 : i32
        %swap3A_705 = arith.index_cast %swap3A_704 : i32 to index
        %swap3A_706 = arith.constant 64 : index
        %swap3A_707 = tpu.vector_load %arg5[%swap3A_705, %swap3A_706] {strides = array<i32>} : memref<4x320xi32, #tpu.memory_space<vmem>>, vector<1x16xi32>,
        %swap3A_708 = vector.shape_cast %swap3A_707 : vector<1x16xi32> to vector<16xi32>
        %swap3A_709 = vector.shape_cast %min3A_703 : vector<16xi32> to vector<1x16xi32>
        tpu.vector_store %arg5[%swap3A_705, %swap3A_706], %swap3A_709 {strides = array<i32>} : memref<4x320xi32, #tpu.memory_space<vmem>>, vector<1x16xi32>,
        %get3A_710 = arith.constant 0 : i32
        %get3A_711 = arith.index_cast %get3A_710 : i32 to index
        %get3A_712 = arith.constant 80 : index
        %get3A_713 = tpu.vector_load %arg5[%get3A_711, %get3A_712] {strides = array<i32>} : memref<4x320xi32, #tpu.memory_space<vmem>>, vector<1x16xi32>,
        %get3A_714 = vector.shape_cast %get3A_713 : vector<1x16xi32> to vector<16xi32>
        %jit3A_715 = arith.constant 0 : i32
        %jit3A_716 = arith.constant 40 : i32
        %max3A_717 = vector.broadcast %jit3A_715 : i32 to vector<16xi32>
        %max3A_718 = arith.maxsi %max3A_717, %get3A_714 : vector<16xi32>
        %min3A_719 = vector.broadcast %jit3A_716 : i32 to vector<16xi32>
        %min3A_720 = arith.minsi %min3A_719, %max3A_718 : vector<16xi32>
        %swap3A_721 = arith.constant 0 : i32
        %swap3A_722 = arith.index_cast %swap3A_721 : i32 to index
        %swap3A_723 = arith.constant 80 : index
        %swap3A_724 = tpu.vector_load %arg5[%swap3A_722, %swap3A_723] {strides = array<i32>} : memref<4x320xi32, #tpu.memory_space<vmem>>, vector<1x16xi32>,
        %swap3A_725 = vector.shape_cast %swap3A_724 : vector<1x16xi32> to vector<16xi32>
        %swap3A_726 = vector.shape_cast %min3A_720 : vector<16xi32> to vector<1x16xi32>
        tpu.vector_store %arg5[%swap3A_722, %swap3A_723], %swap3A_726 {strides = array<i32>} : memref<4x320xi32, #tpu.memory_space<vmem>>, vector<1x16xi32>,
        %get3A_727 = arith.constant 0 : i32
        %get3A_728 = arith.index_cast %get3A_727 : i32 to index
        %get3A_729 = arith.constant 96 : index
        %get3A_730 = tpu.vector_load %arg5[%get3A_728, %get3A_729] {strides = array<i32>} : memref<4x320xi32, #tpu.memory_space<vmem>>, vector<1x16xi32>,
        %get3A_731 = vector.shape_cast %get3A_730 : vector<1x16xi32> to vector<16xi32>
        %jit3A_732 = arith.constant 0 : i32
        %jit3A_733 = arith.constant 40 : i32
        %max3A_734 = vector.broadcast %jit3A_732 : i32 to vector<16xi32>
        %max3A_735 = arith.maxsi %max3A_734, %get3A_731 : vector<16xi32>
        %min3A_736 = vector.broadcast %jit3A_733 : i32 to vector<16xi32>
        %min3A_737 = arith.minsi %min3A_736, %max3A_735 : vector<16xi32>
        %swap3A_738 = arith.constant 0 : i32
        %swap3A_739 = arith.index_cast %swap3A_738 : i32 to index
        %swap3A_740 = arith.constant 96 : index
        %swap3A_741 = tpu.vector_load %arg5[%swap3A_739, %swap3A_740] {strides = array<i32>} : memref<4x320xi32, #tpu.memory_space<vmem>>, vector<1x16xi32>,
        %swap3A_742 = vector.shape_cast %swap3A_741 : vector<1x16xi32> to vector<16xi32>
        %swap3A_743 = vector.shape_cast %min3A_737 : vector<16xi32> to vector<1x16xi32>
        tpu.vector_store %arg5[%swap3A_739, %swap3A_740], %swap3A_743 {strides = array<i32>} : memref<4x320xi32, #tpu.memory_space<vmem>>, vector<1x16xi32>,
        %get3A_744 = arith.constant 0 : i32
        %get3A_745 = arith.index_cast %get3A_744 : i32 to index
        %get3A_746 = arith.constant 112 : index
        %get3A_747 = tpu.vector_load %arg5[%get3A_745, %get3A_746] {strides = array<i32>} : memref<4x320xi32, #tpu.memory_space<vmem>>, vector<1x16xi32>,
        %get3A_748 = vector.shape_cast %get3A_747 : vector<1x16xi32> to vector<16xi32>
        %jit3A_749 = arith.constant 0 : i32
        %jit3A_750 = arith.constant 40 : i32
        %max3A_751 = vector.broadcast %jit3A_749 : i32 to vector<16xi32>
        %max3A_752 = arith.maxsi %max3A_751, %get3A_748 : vector<16xi32>
        %min3A_753 = vector.broadcast %jit3A_750 : i32 to vector<16xi32>
        %min3A_754 = arith.minsi %min3A_753, %max3A_752 : vector<16xi32>
        %swap3A_755 = arith.constant 0 : i32
        %swap3A_756 = arith.index_cast %swap3A_755 : i32 to index
        %swap3A_757 = arith.constant 112 : index
        %swap3A_758 = tpu.vector_load %arg5[%swap3A_756, %swap3A_757] {strides = array<i32>} : memref<4x320xi32, #tpu.memory_space<vmem>>, vector<1x16xi32>,
        %swap3A_759 = vector.shape_cast %swap3A_758 : vector<1x16xi32> to vector<16xi32>
        %swap3A_760 = vector.shape_cast %min3A_754 : vector<16xi32> to vector<1x16xi32>
        tpu.vector_store %arg5[%swap3A_756, %swap3A_757], %swap3A_760 {strides = array<i32>} : memref<4x320xi32, #tpu.memory_space<vmem>>, vector<1x16xi32>,
        %get3A_761 = arith.constant 0 : i32
        %get3A_762 = arith.index_cast %get3A_761 : i32 to index
        %get3A_763 = arith.constant 128 : index
        %get3A_764 = tpu.vector_load %arg5[%get3A_762, %get3A_763] {strides = array<i32>} : memref<4x320xi32, #tpu.memory_space<vmem>>, vector<1x16xi32>,
        %get3A_765 = vector.shape_cast %get3A_764 : vector<1x16xi32> to vector<16xi32>
        %jit3A_766 = arith.constant 0 : i32
        %jit3A_767 = arith.constant 40 : i32
        %max3A_768 = vector.broadcast %jit3A_766 : i32 to vector<16xi32>
        %max3A_769 = arith.maxsi %max3A_768, %get3A_765 : vector<16xi32>
        %min3A_770 = vector.broadcast %jit3A_767 : i32 to vector<16xi32>
        %min3A_771 = arith.minsi %min3A_770, %max3A_769 : vector<16xi32>
        %swap3A_772 = arith.constant 0 : i32
        %swap3A_773 = arith.index_cast %swap3A_772 : i32 to index
        %swap3A_774 = arith.constant 128 : index
        %swap3A_775 = tpu.vector_load %arg5[%swap3A_773, %swap3A_774] {strides = array<i32>} : memref<4x320xi32, #tpu.memory_space<vmem>>, vector<1x16xi32>,
        %swap3A_776 = vector.shape_cast %swap3A_775 : vector<1x16xi32> to vector<16xi32>
        %swap3A_777 = vector.shape_cast %min3A_771 : vector<16xi32> to vector<1x16xi32>
        tpu.vector_store %arg5[%swap3A_773, %swap3A_774], %swap3A_777 {strides = array<i32>} : memref<4x320xi32, #tpu.memory_space<vmem>>, vector<1x16xi32>,
        %get3A_778 = arith.constant 0 : i32
        %get3A_779 = arith.index_cast %get3A_778 : i32 to index
        %get3A_780 = arith.constant 144 : index
        %get3A_781 = tpu.vector_load %arg5[%get3A_779, %get3A_780] {strides = array<i32>} : memref<4x320xi32, #tpu.memory_space<vmem>>, vector<1x16xi32>,
        %get3A_782 = vector.shape_cast %get3A_781 : vector<1x16xi32> to vector<16xi32>
        %jit3A_783 = arith.constant 0 : i32
        %jit3A_784 = arith.constant 40 : i32
        %max3A_785 = vector.broadcast %jit3A_783 : i32 to vector<16xi32>
        %max3A_786 = arith.maxsi %max3A_785, %get3A_782 : vector<16xi32>
        %min3A_787 = vector.broadcast %jit3A_784 : i32 to vector<16xi32>
        %min3A_788 = arith.minsi %min3A_787, %max3A_786 : vector<16xi32>
        %swap3A_789 = arith.constant 0 : i32
        %swap3A_790 = arith.index_cast %swap3A_789 : i32 to index
        %swap3A_791 = arith.constant 144 : index
        %swap3A_792 = tpu.vector_load %arg5[%swap3A_790, %swap3A_791] {strides = array<i32>} : memref<4x320xi32, #tpu.memory_space<vmem>>, vector<1x16xi32>,
        %swap3A_793 = vector.shape_cast %swap3A_792 : vector<1x16xi32> to vector<16xi32>
        %swap3A_794 = vector.shape_cast %min3A_788 : vector<16xi32> to vector<1x16xi32>
        tpu.vector_store %arg5[%swap3A_790, %swap3A_791], %swap3A_794 {strides = array<i32>} : memref<4x320xi32, #tpu.memory_space<vmem>>, vector<1x16xi32>,
        %get3A_795 = arith.constant 0 : i32
        %get3A_796 = arith.index_cast %get3A_795 : i32 to index
        %get3A_797 = arith.constant 160 : index
        %get3A_798 = tpu.vector_load %arg5[%get3A_796, %get3A_797] {strides = array<i32>} : memref<4x320xi32, #tpu.memory_space<vmem>>, vector<1x16xi32>,
        %get3A_799 = vector.shape_cast %get3A_798 : vector<1x16xi32> to vector<16xi32>
        %jit3A_800 = arith.constant 0 : i32
        %jit3A_801 = arith.constant 40 : i32
        %max3A_802 = vector.broadcast %jit3A_800 : i32 to vector<16xi32>
        %max3A_803 = arith.maxsi %max3A_802, %get3A_799 : vector<16xi32>
        %min3A_804 = vector.broadcast %jit3A_801 : i32 to vector<16xi32>
        %min3A_805 = arith.minsi %min3A_804, %max3A_803 : vector<16xi32>
        %swap3A_806 = arith.constant 0 : i32
        %swap3A_807 = arith.index_cast %swap3A_806 : i32 to index
        %swap3A_808 = arith.constant 160 : index
        %swap3A_809 = tpu.vector_load %arg5[%swap3A_807, %swap3A_808] {strides = array<i32>} : memref<4x320xi32, #tpu.memory_space<vmem>>, vector<1x16xi32>,
        %swap3A_810 = vector.shape_cast %swap3A_809 : vector<1x16xi32> to vector<16xi32>
        %swap3A_811 = vector.shape_cast %min3A_805 : vector<16xi32> to vector<1x16xi32>
        tpu.vector_store %arg5[%swap3A_807, %swap3A_808], %swap3A_811 {strides = array<i32>} : memref<4x320xi32, #tpu.memory_space<vmem>>, vector<1x16xi32>,
        %get3A_812 = arith.constant 0 : i32
        %get3A_813 = arith.index_cast %get3A_812 : i32 to index
        %get3A_814 = arith.constant 176 : index
        %get3A_815 = tpu.vector_load %arg5[%get3A_813, %get3A_814] {strides = array<i32>} : memref<4x320xi32, #tpu.memory_space<vmem>>, vector<1x16xi32>,
        %get3A_816 = vector.shape_cast %get3A_815 : vector<1x16xi32> to vector<16xi32>
        %jit3A_817 = arith.constant 0 : i32
        %jit3A_818 = arith.constant 40 : i32
        %max3A_819 = vector.broadcast %jit3A_817 : i32 to vector<16xi32>
        %max3A_820 = arith.maxsi %max3A_819, %get3A_816 : vector<16xi32>
        %min3A_821 = vector.broadcast %jit3A_818 : i32 to vector<16xi32>
        %min3A_822 = arith.minsi %min3A_821, %max3A_820 : vector<16xi32>
        %swap3A_823 = arith.constant 0 : i32
        %swap3A_824 = arith.index_cast %swap3A_823 : i32 to index
        %swap3A_825 = arith.constant 176 : index
        %swap3A_826 = tpu.vector_load %arg5[%swap3A_824, %swap3A_825] {strides = array<i32>} : memref<4x320xi32, #tpu.memory_space<vmem>>, vector<1x16xi32>,
        %swap3A_827 = vector.shape_cast %swap3A_826 : vector<1x16xi32> to vector<16xi32>
        %swap3A_828 = vector.shape_cast %min3A_822 : vector<16xi32> to vector<1x16xi32>
        tpu.vector_store %arg5[%swap3A_824, %swap3A_825], %swap3A_828 {strides = array<i32>} : memref<4x320xi32, #tpu.memory_space<vmem>>, vector<1x16xi32>,
        %get3A_829 = arith.constant 0 : i32
        %get3A_830 = arith.index_cast %get3A_829 : i32 to index
        %get3A_831 = arith.constant 192 : index
        %get3A_832 = tpu.vector_load %arg5[%get3A_830, %get3A_831] {strides = array<i32>} : memref<4x320xi32, #tpu.memory_space<vmem>>, vector<1x16xi32>,
        %get3A_833 = vector.shape_cast %get3A_832 : vector<1x16xi32> to vector<16xi32>
        %jit3A_834 = arith.constant 0 : i32
        %jit3A_835 = arith.constant 40 : i32
        %max3A_836 = vector.broadcast %jit3A_834 : i32 to vector<16xi32>
        %max3A_837 = arith.maxsi %max3A_836, %get3A_833 : vector<16xi32>
        %min3A_838 = vector.broadcast %jit3A_835 : i32 to vector<16xi32>
        %min3A_839 = arith.minsi %min3A_838, %max3A_837 : vector<16xi32>
        %swap3A_840 = arith.constant 0 : i32
        %swap3A_841 = arith.index_cast %swap3A_840 : i32 to index
        %swap3A_842 = arith.constant 192 : index
        %swap3A_843 = tpu.vector_load %arg5[%swap3A_841, %swap3A_842] {strides = array<i32>} : memref<4x320xi32, #tpu.memory_space<vmem>>, vector<1x16xi32>,
        %swap3A_844 = vector.shape_cast %swap3A_843 : vector<1x16xi32> to vector<16xi32>
        %swap3A_845 = vector.shape_cast %min3A_839 : vector<16xi32> to vector<1x16xi32>
        tpu.vector_store %arg5[%swap3A_841, %swap3A_842], %swap3A_845 {strides = array<i32>} : memref<4x320xi32, #tpu.memory_space<vmem>>, vector<1x16xi32>,
        %get3A_846 = arith.constant 0 : i32
        %get3A_847 = arith.index_cast %get3A_846 : i32 to index
        %get3A_848 = arith.constant 208 : index
        %get3A_849 = tpu.vector_load %arg5[%get3A_847, %get3A_848] {strides = array<i32>} : memref<4x320xi32, #tpu.memory_space<vmem>>, vector<1x16xi32>,
        %get3A_850 = vector.shape_cast %get3A_849 : vector<1x16xi32> to vector<16xi32>
        %jit3A_851 = arith.constant 0 : i32
        %jit3A_852 = arith.constant 40 : i32
        %max3A_853 = vector.broadcast %jit3A_851 : i32 to vector<16xi32>
        %max3A_854 = arith.maxsi %max3A_853, %get3A_850 : vector<16xi32>
        %min3A_855 = vector.broadcast %jit3A_852 : i32 to vector<16xi32>
        %min3A_856 = arith.minsi %min3A_855, %max3A_854 : vector<16xi32>
        %swap3A_857 = arith.constant 0 : i32
        %swap3A_858 = arith.index_cast %swap3A_857 : i32 to index
        %swap3A_859 = arith.constant 208 : index
        %swap3A_860 = tpu.vector_load %arg5[%swap3A_858, %swap3A_859] {strides = array<i32>} : memref<4x320xi32, #tpu.memory_space<vmem>>, vector<1x16xi32>,
        %swap3A_861 = vector.shape_cast %swap3A_860 : vector<1x16xi32> to vector<16xi32>
        %swap3A_862 = vector.shape_cast %min3A_856 : vector<16xi32> to vector<1x16xi32>
        tpu.vector_store %arg5[%swap3A_858, %swap3A_859], %swap3A_862 {strides = array<i32>} : memref<4x320xi32, #tpu.memory_space<vmem>>, vector<1x16xi32>,
        %get3A_863 = arith.constant 0 : i32
        %get3A_864 = arith.index_cast %get3A_863 : i32 to index
        %get3A_865 = arith.constant 224 : index
        %get3A_866 = tpu.vector_load %arg5[%get3A_864, %get3A_865] {strides = array<i32>} : memref<4x320xi32, #tpu.memory_space<vmem>>, vector<1x16xi32>,
        %get3A_867 = vector.shape_cast %get3A_866 : vector<1x16xi32> to vector<16xi32>
        %jit3A_868 = arith.constant 0 : i32
        %jit3A_869 = arith.constant 40 : i32
        %max3A_870 = vector.broadcast %jit3A_868 : i32 to vector<16xi32>
        %max3A_871 = arith.maxsi %max3A_870, %get3A_867 : vector<16xi32>
        %min3A_872 = vector.broadcast %jit3A_869 : i32 to vector<16xi32>
        %min3A_873 = arith.minsi %min3A_872, %max3A_871 : vector<16xi32>
        %swap3A_874 = arith.constant 0 : i32
        %swap3A_875 = arith.index_cast %swap3A_874 : i32 to index
        %swap3A_876 = arith.constant 224 : index
        %swap3A_877 = tpu.vector_load %arg5[%swap3A_875, %swap3A_876] {strides = array<i32>} : memref<4x320xi32, #tpu.memory_space<vmem>>, vector<1x16xi32>,
        %swap3A_878 = vector.shape_cast %swap3A_877 : vector<1x16xi32> to vector<16xi32>
        %swap3A_879 = vector.shape_cast %min3A_873 : vector<16xi32> to vector<1x16xi32>
        tpu.vector_store %arg5[%swap3A_875, %swap3A_876], %swap3A_879 {strides = array<i32>} : memref<4x320xi32, #tpu.memory_space<vmem>>, vector<1x16xi32>,
        %get3A_880 = arith.constant 0 : i32
        %get3A_881 = arith.index_cast %get3A_880 : i32 to index
        %get3A_882 = arith.constant 240 : index
        %get3A_883 = tpu.vector_load %arg5[%get3A_881, %get3A_882] {strides = array<i32>} : memref<4x320xi32, #tpu.memory_space<vmem>>, vector<1x16xi32>,
        %get3A_884 = vector.shape_cast %get3A_883 : vector<1x16xi32> to vector<16xi32>
        %jit3A_885 = arith.constant 0 : i32
        %jit3A_886 = arith.constant 40 : i32
        %max3A_887 = vector.broadcast %jit3A_885 : i32 to vector<16xi32>
        %max3A_888 = arith.maxsi %max3A_887, %get3A_884 : vector<16xi32>
        %min3A_889 = vector.broadcast %jit3A_886 : i32 to vector<16xi32>
        %min3A_890 = arith.minsi %min3A_889, %max3A_888 : vector<16xi32>
        %swap3A_891 = arith.constant 0 : i32
        %swap3A_892 = arith.index_cast %swap3A_891 : i32 to index
        %swap3A_893 = arith.constant 240 : index
        %swap3A_894 = tpu.vector_load %arg5[%swap3A_892, %swap3A_893] {strides = array<i32>} : memref<4x320xi32, #tpu.memory_space<vmem>>, vector<1x16xi32>,
        %swap3A_895 = vector.shape_cast %swap3A_894 : vector<1x16xi32> to vector<16xi32>
        %swap3A_896 = vector.shape_cast %min3A_890 : vector<16xi32> to vector<1x16xi32>
        tpu.vector_store %arg5[%swap3A_892, %swap3A_893], %swap3A_896 {strides = array<i32>} : memref<4x320xi32, #tpu.memory_space<vmem>>, vector<1x16xi32>,
        %get3A_897 = arith.constant 0 : i32
        %get3A_898 = arith.index_cast %get3A_897 : i32 to index
        %get3A_899 = arith.constant 256 : index
        %get3A_900 = tpu.vector_load %arg5[%get3A_898, %get3A_899] {strides = array<i32>} : memref<4x320xi32, #tpu.memory_space<vmem>>, vector<1x16xi32>,
        %get3A_901 = vector.shape_cast %get3A_900 : vector<1x16xi32> to vector<16xi32>
        %jit3A_902 = arith.constant 0 : i32
        %jit3A_903 = arith.constant 40 : i32
        %max3A_904 = vector.broadcast %jit3A_902 : i32 to vector<16xi32>
        %max3A_905 = arith.maxsi %max3A_904, %get3A_901 : vector<16xi32>
        %min3A_906 = vector.broadcast %jit3A_903 : i32 to vector<16xi32>
        %min3A_907 = arith.minsi %min3A_906, %max3A_905 : vector<16xi32>
        %swap3A_908 = arith.constant 0 : i32
        %swap3A_909 = arith.index_cast %swap3A_908 : i32 to index
        %swap3A_910 = arith.constant 256 : index
        %swap3A_911 = tpu.vector_load %arg5[%swap3A_909, %swap3A_910] {strides = array<i32>} : memref<4x320xi32, #tpu.memory_space<vmem>>, vector<1x16xi32>,
        %swap3A_912 = vector.shape_cast %swap3A_911 : vector<1x16xi32> to vector<16xi32>
        %swap3A_913 = vector.shape_cast %min3A_907 : vector<16xi32> to vector<1x16xi32>
        tpu.vector_store %arg5[%swap3A_909, %swap3A_910], %swap3A_913 {strides = array<i32>} : memref<4x320xi32, #tpu.memory_space<vmem>>, vector<1x16xi32>,
        %get3A_914 = arith.constant 0 : i32
        %get3A_915 = arith.index_cast %get3A_914 : i32 to index
        %get3A_916 = arith.constant 272 : index
        %get3A_917 = tpu.vector_load %arg5[%get3A_915, %get3A_916] {strides = array<i32>} : memref<4x320xi32, #tpu.memory_space<vmem>>, vector<1x16xi32>,
        %get3A_918 = vector.shape_cast %get3A_917 : vector<1x16xi32> to vector<16xi32>
        %jit3A_919 = arith.constant 0 : i32
        %jit3A_920 = arith.constant 40 : i32
        %max3A_921 = vector.broadcast %jit3A_919 : i32 to vector<16xi32>
        %max3A_922 = arith.maxsi %max3A_921, %get3A_918 : vector<16xi32>
        %min3A_923 = vector.broadcast %jit3A_920 : i32 to vector<16xi32>
        %min3A_924 = arith.minsi %min3A_923, %max3A_922 : vector<16xi32>
        %swap3A_925 = arith.constant 0 : i32
        %swap3A_926 = arith.index_cast %swap3A_925 : i32 to index
        %swap3A_927 = arith.constant 272 : index
        %swap3A_928 = tpu.vector_load %arg5[%swap3A_926, %swap3A_927] {strides = array<i32>} : memref<4x320xi32, #tpu.memory_space<vmem>>, vector<1x16xi32>,
        %swap3A_929 = vector.shape_cast %swap3A_928 : vector<1x16xi32> to vector<16xi32>
        %swap3A_930 = vector.shape_cast %min3A_924 : vector<16xi32> to vector<1x16xi32>
        tpu.vector_store %arg5[%swap3A_926, %swap3A_927], %swap3A_930 {strides = array<i32>} : memref<4x320xi32, #tpu.memory_space<vmem>>, vector<1x16xi32>,
        %get3A_931 = arith.constant 0 : i32
        %get3A_932 = arith.index_cast %get3A_931 : i32 to index
        %get3A_933 = arith.constant 288 : index
        %get3A_934 = tpu.vector_load %arg5[%get3A_932, %get3A_933] {strides = array<i32>} : memref<4x320xi32, #tpu.memory_space<vmem>>, vector<1x16xi32>,
        %get3A_935 = vector.shape_cast %get3A_934 : vector<1x16xi32> to vector<16xi32>
        %jit3A_936 = arith.constant 0 : i32
        %jit3A_937 = arith.constant 40 : i32
        %max3A_938 = vector.broadcast %jit3A_936 : i32 to vector<16xi32>
        %max3A_939 = arith.maxsi %max3A_938, %get3A_935 : vector<16xi32>
        %min3A_940 = vector.broadcast %jit3A_937 : i32 to vector<16xi32>
        %min3A_941 = arith.minsi %min3A_940, %max3A_939 : vector<16xi32>
        %swap3A_942 = arith.constant 0 : i32
        %swap3A_943 = arith.index_cast %swap3A_942 : i32 to index
        %swap3A_944 = arith.constant 288 : index
        %swap3A_945 = tpu.vector_load %arg5[%swap3A_943, %swap3A_944] {strides = array<i32>} : memref<4x320xi32, #tpu.memory_space<vmem>>, vector<1x16xi32>,
        %swap3A_946 = vector.shape_cast %swap3A_945 : vector<1x16xi32> to vector<16xi32>
        %swap3A_947 = vector.shape_cast %min3A_941 : vector<16xi32> to vector<1x16xi32>
        tpu.vector_store %arg5[%swap3A_943, %swap3A_944], %swap3A_947 {strides = array<i32>} : memref<4x320xi32, #tpu.memory_space<vmem>>, vector<1x16xi32>,
        %get3A_948 = arith.constant 0 : i32
        %get3A_949 = arith.index_cast %get3A_948 : i32 to index
        %get3A_950 = arith.constant 304 : index
        %get3A_951 = tpu.vector_load %arg5[%get3A_949, %get3A_950] {strides = array<i32>} : memref<4x320xi32, #tpu.memory_space<vmem>>, vector<1x16xi32>,
        %get3A_952 = vector.shape_cast %get3A_951 : vector<1x16xi32> to vector<16xi32>
        %jit3A_953 = arith.constant 0 : i32
        %jit3A_954 = arith.constant 40 : i32
        %max3A_955 = vector.broadcast %jit3A_953 : i32 to vector<16xi32>
        %max3A_956 = arith.maxsi %max3A_955, %get3A_952 : vector<16xi32>
        %min3A_957 = vector.broadcast %jit3A_954 : i32 to vector<16xi32>
        %min3A_958 = arith.minsi %min3A_957, %max3A_956 : vector<16xi32>
        %swap3A_959 = arith.constant 0 : i32
        %swap3A_960 = arith.index_cast %swap3A_959 : i32 to index
        %swap3A_961 = arith.constant 304 : index
        %swap3A_962 = tpu.vector_load %arg5[%swap3A_960, %swap3A_961] {strides = array<i32>} : memref<4x320xi32, #tpu.memory_space<vmem>>, vector<1x16xi32>,
        %swap3A_963 = vector.shape_cast %swap3A_962 : vector<1x16xi32> to vector<16xi32>
        %swap3A_964 = vector.shape_cast %min3A_958 : vector<16xi32> to vector<1x16xi32>
        tpu.vector_store %arg5[%swap3A_960, %swap3A_961], %swap3A_964 {strides = array<i32>} : memref<4x320xi32, #tpu.memory_space<vmem>>, vector<1x16xi32>,
        %add3A_965 = arith.constant 1 : i32
        %add3A_966 = arith.addi %add3A_568, %add3A_965 : i32
        %ge3A = arith.constant 4 : i32
        %ge3A_967 = arith.cmpi sge, %add3A_966, %ge3A : i32
        %convert_element_type3A_968 = arith.extui %ge3A_967 : i1 to i32
        %cond3A_969 = arith.constant 0 : i32
        %cond3A_970 = arith.cmpi ne, %convert_element_type3A_968, %cond3A_969 : i32
        scf.if %cond3A_970 {
          %add3A_983 = arith.constant 1 : i32
          %add3A_984 = arith.addi %add3A_568, %add3A_983 : i32
          %sub3A = arith.constant 4 : i32
          %sub3A_985 = arith.subi %add3A_984, %sub3A : i32
          %mul3A_986 = arith.constant 320 : i32
          %mul3A_987 = arith.muli %sub3A_985, %mul3A_986 : i32
          %add3A_988 = arith.addi %mul3A_2, %mul3A_987 : i32
          %dma_wait3A_989 = arith.constant 0 : i32
          %dma_wait3A_990 = arith.constant 0 : i32
          %dma_wait3A_991 = arith.constant 0 : i32
          %dma_wait3A_992 = tpu.memref_slice %arg6[%dma_wait3A_989, %dma_wait3A_990, %dma_wait3A_991] : memref<4x320x64xf32, #tpu.memory_space<vmem>> -> memref<1x320x64xf32, #tpu.memory_space<vmem>>
          %dma_wait3A_993 = tpu.memref_squeeze %dma_wait3A_992 : memref<1x320x64xf32, #tpu.memory_space<vmem>> -> memref<320x64xf32, #tpu.memory_space<vmem>>
          %dma_wait3A_994 = arith.constant 0 : i32
          %dma_wait3A_995 = tpu.memref_slice %arg4[%add3A_988, %dma_wait3A_994] : memref<3276800x64xf32, #tpu.memory_space<hbm>> -> memref<320x64xf32, #tpu.memory_space<hbm>>
          %dma_wait3A_996 = arith.constant 0 : i32
          %dma_wait3A_997 = tpu.memref_slice %arg4[%add3A_988, %dma_wait3A_996] : memref<3276800x64xf32, #tpu.memory_space<hbm>> -> memref<320x64xf32, #tpu.memory_space<hbm>>
          %dma_wait3A_998 = arith.constant 0 : i32
          %dma_wait3A_999 = arith.constant 0 : i32
          %dma_wait3A_1000 = tpu.memref_slice %arg6[%dma_wait3A_989, %dma_wait3A_998, %dma_wait3A_999] : memref<4x320x64xf32, #tpu.memory_space<vmem>> -> memref<1x320x64xf32, #tpu.memory_space<vmem>>
          %dma_wait3A_1001 = tpu.memref_squeeze %dma_wait3A_1000 : memref<1x320x64xf32, #tpu.memory_space<vmem>> -> memref<320x64xf32, #tpu.memory_space<vmem>>
          tpu.wait_dma2 semaphore(%arg10 : memref<!tpu.dma_semaphore, #tpu.memory_space<semaphore_mem>>) src(%dma_wait3A_1001 : memref<320x64xf32, #tpu.memory_space<vmem>>) dst(%dma_wait3A_997 : memref<320x64xf32, #tpu.memory_space<hbm>>)
        } else {
        }
        %dma_start3A_971 = arith.constant 0 : i32
        %dma_start3A_972 = arith.constant 0 : i32
        %dma_start3A_973 = arith.constant 0 : i32
        %dma_start3A_974 = arith.constant 0 : i32
        %dma_start3A_975 = tpu.memref_slice %arg6[%dma_start3A_972, %dma_start3A_973, %dma_start3A_974] : memref<4x320x64xf32, #tpu.memory_space<vmem>> -> memref<1x320x64xf32, #tpu.memory_space<vmem>>
        %dma_start3A_976 = tpu.memref_squeeze %dma_start3A_975 : memref<1x320x64xf32, #tpu.memory_space<vmem>> -> memref<320x64xf32, #tpu.memory_space<vmem>>
        %dma_start3A_977 = arith.constant 0 : i32
        %dma_start3A_978 = tpu.memref_slice %arg5[%dma_start3A_971, %dma_start3A_977] : memref<4x320xi32, #tpu.memory_space<vmem>> -> memref<1x320xi32, #tpu.memory_space<vmem>>
        %dma_start3A_979 = tpu.memref_squeeze %dma_start3A_978 : memref<1x320xi32, #tpu.memory_space<vmem>> -> memref<320xi32, #tpu.memory_space<vmem>>
        %dma_start3A_980 = arith.constant 0 : i32
        %dma_start3A_981 = arith.constant 0 : i32
        %dma_start3A_982 = tpu.memref_slice %arg7[%dma_start3A_980, %dma_start3A_981] : memref<42x64xf32, #tpu.memory_space<vmem_shared>> -> memref<42x64xf32, #tpu.memory_space<vmem_shared>>
        tpu.enqueue_indirect_dma source(%dma_start3A_982 : memref<42x64xf32, #tpu.memory_space<vmem_shared>>) target(%dma_start3A_976 : memref<320x64xf32, #tpu.memory_space<vmem>>) offsets(%dma_start3A_979 : memref<320xi32, #tpu.memory_space<vmem>>) semaphore(%arg9 : memref<!tpu.dma_semaphore, #tpu.memory_space<semaphore_mem>>)
      } else {
      }
      %dma_wait3A_576 = arith.constant 3 : i32
      %dma_wait3A_577 = arith.constant 3 : i32
      %dma_wait3A_578 = arith.constant 0 : i32
      %dma_wait3A_579 = arith.constant 0 : i32
      %dma_wait3A_580 = tpu.memref_slice %arg6[%dma_wait3A_577, %dma_wait3A_578, %dma_wait3A_579] : memref<4x320x64xf32, #tpu.memory_space<vmem>> -> memref<1x320x64xf32, #tpu.memory_space<vmem>>
      %dma_wait3A_581 = tpu.memref_squeeze %dma_wait3A_580 : memref<1x320x64xf32, #tpu.memory_space<vmem>> -> memref<320x64xf32, #tpu.memory_space<vmem>>
      %dma_wait3A_582 = arith.constant 0 : i32
      %dma_wait3A_583 = tpu.memref_slice %arg5[%dma_wait3A_576, %dma_wait3A_582] : memref<4x320xi32, #tpu.memory_space<vmem>> -> memref<1x320xi32, #tpu.memory_space<vmem>>
      %dma_wait3A_584 = tpu.memref_squeeze %dma_wait3A_583 : memref<1x320xi32, #tpu.memory_space<vmem>> -> memref<320xi32, #tpu.memory_space<vmem>>
      %dma_wait3A_585 = arith.constant 0 : i32
      %dma_wait3A_586 = arith.constant 0 : i32
      %dma_wait3A_587 = tpu.memref_slice %arg7[%dma_wait3A_585, %dma_wait3A_586] : memref<42x64xf32, #tpu.memory_space<vmem_shared>> -> memref<42x64xf32, #tpu.memory_space<vmem_shared>>
      tpu.wait_indirect_dma semaphore(%arg9 : memref<!tpu.dma_semaphore, #tpu.memory_space<semaphore_mem>>) src(%dma_wait3A_587 : memref<42x64xf32, #tpu.memory_space<vmem_shared>>) dst(%dma_wait3A_581 : memref<320x64xf32, #tpu.memory_space<vmem>>)
      %mul3A_588 = arith.constant 320 : i32
      %mul3A_589 = arith.muli %add3A_568, %mul3A_588 : i32
      %add3A_590 = arith.addi %mul3A_2, %mul3A_589 : i32
      %dma_start3A_591 = arith.constant 3 : i32
      %dma_start3A_592 = arith.constant 0 : i32
      %dma_start3A_593 = arith.constant 0 : i32
      %dma_start3A_594 = tpu.memref_slice %arg6[%dma_start3A_591, %dma_start3A_592, %dma_start3A_593] : memref<4x320x64xf32, #tpu.memory_space<vmem>> -> memref<1x320x64xf32, #tpu.memory_space<vmem>>
      %dma_start3A_595 = tpu.memref_squeeze %dma_start3A_594 : memref<1x320x64xf32, #tpu.memory_space<vmem>> -> memref<320x64xf32, #tpu.memory_space<vmem>>
      %dma_start3A_596 = arith.constant 0 : i32
      %dma_start3A_597 = tpu.memref_slice %arg4[%add3A_590, %dma_start3A_596] : memref<3276800x64xf32, #tpu.memory_space<hbm>> -> memref<320x64xf32, #tpu.memory_space<hbm>>
      %dma_start3A_598 = arith.constant 0 : i32
      %dma_start3A_599 = tpu.memref_slice %arg4[%add3A_590, %dma_start3A_598] : memref<3276800x64xf32, #tpu.memory_space<hbm>> -> memref<320x64xf32, #tpu.memory_space<hbm>>
      %dma_start3A_600 = arith.constant 0 : i32
      %dma_start3A_601 = arith.constant 0 : i32
      %dma_start3A_602 = tpu.memref_slice %arg6[%dma_start3A_591, %dma_start3A_600, %dma_start3A_601] : memref<4x320x64xf32, #tpu.memory_space<vmem>> -> memref<1x320x64xf32, #tpu.memory_space<vmem>>
      %dma_start3A_603 = tpu.memref_squeeze %dma_start3A_602 : memref<1x320x64xf32, #tpu.memory_space<vmem>> -> memref<320x64xf32, #tpu.memory_space<vmem>>
      tpu.enqueue_dma source(%dma_start3A_603 : memref<320x64xf32, #tpu.memory_space<vmem>>) target(%dma_start3A_599 : memref<320x64xf32, #tpu.memory_space<hbm>>) target_semaphore(%arg13 : memref<!tpu.dma_semaphore, #tpu.memory_space<semaphore_mem>>)
    }
    %scan3A_387 = arith.constant 80 : i32
    %add3A_388 = arith.constant 101120 : i32
    %add3A_389 = arith.addi %mul3A_2, %add3A_388 : i32
    %dma_wait3A_390 = arith.constant 0 : i32
    %dma_wait3A_391 = arith.constant 0 : i32
    %dma_wait3A_392 = arith.constant 0 : i32
    %dma_wait3A_393 = tpu.memref_slice %arg6[%dma_wait3A_390, %dma_wait3A_391, %dma_wait3A_392] : memref<4x320x64xf32, #tpu.memory_space<vmem>> -> memref<1x320x64xf32, #tpu.memory_space<vmem>>
    %dma_wait3A_394 = tpu.memref_squeeze %dma_wait3A_393 : memref<1x320x64xf32, #tpu.memory_space<vmem>> -> memref<320x64xf32, #tpu.memory_space<vmem>>
    %dma_wait3A_395 = arith.constant 0 : i32
    %dma_wait3A_396 = tpu.memref_slice %arg4[%add3A_389, %dma_wait3A_395] : memref<3276800x64xf32, #tpu.memory_space<hbm>> -> memref<320x64xf32, #tpu.memory_space<hbm>>
    %dma_wait3A_397 = arith.constant 0 : i32
    %dma_wait3A_398 = tpu.memref_slice %arg4[%add3A_389, %dma_wait3A_397] : memref<3276800x64xf32, #tpu.memory_space<hbm>> -> memref<320x64xf32, #tpu.memory_space<hbm>>
    %dma_wait3A_399 = arith.constant 0 : i32
    %dma_wait3A_400 = arith.constant 0 : i32
    %dma_wait3A_401 = tpu.memref_slice %arg6[%dma_wait3A_390, %dma_wait3A_399, %dma_wait3A_400] : memref<4x320x64xf32, #tpu.memory_space<vmem>> -> memref<1x320x64xf32, #tpu.memory_space<vmem>>
    %dma_wait3A_402 = tpu.memref_squeeze %dma_wait3A_401 : memref<1x320x64xf32, #tpu.memory_space<vmem>> -> memref<320x64xf32, #tpu.memory_space<vmem>>
    tpu.wait_dma2 semaphore(%arg10 : memref<!tpu.dma_semaphore, #tpu.memory_space<semaphore_mem>>) src(%dma_wait3A_402 : memref<320x64xf32, #tpu.memory_space<vmem>>) dst(%dma_wait3A_398 : memref<320x64xf32, #tpu.memory_space<hbm>>)
    %add3A_403 = arith.constant 101440 : i32
    %add3A_404 = arith.addi %mul3A_2, %add3A_403 : i32
    %dma_wait3A_405 = arith.constant 1 : i32
    %dma_wait3A_406 = arith.constant 0 : i32
    %dma_wait3A_407 = arith.constant 0 : i32
    %dma_wait3A_408 = tpu.memref_slice %arg6[%dma_wait3A_405, %dma_wait3A_406, %dma_wait3A_407] : memref<4x320x64xf32, #tpu.memory_space<vmem>> -> memref<1x320x64xf32, #tpu.memory_space<vmem>>
    %dma_wait3A_409 = tpu.memref_squeeze %dma_wait3A_408 : memref<1x320x64xf32, #tpu.memory_space<vmem>> -> memref<320x64xf32, #tpu.memory_space<vmem>>
    %dma_wait3A_410 = arith.constant 0 : i32
    %dma_wait3A_411 = tpu.memref_slice %arg4[%add3A_404, %dma_wait3A_410] : memref<3276800x64xf32, #tpu.memory_space<hbm>> -> memref<320x64xf32, #tpu.memory_space<hbm>>
    %dma_wait3A_412 = arith.constant 0 : i32
    %dma_wait3A_413 = tpu.memref_slice %arg4[%add3A_404, %dma_wait3A_412] : memref<3276800x64xf32, #tpu.memory_space<hbm>> -> memref<320x64xf32, #tpu.memory_space<hbm>>
    %dma_wait3A_414 = arith.constant 0 : i32
    %dma_wait3A_415 = arith.constant 0 : i32
    %dma_wait3A_416 = tpu.memref_slice %arg6[%dma_wait3A_405, %dma_wait3A_414, %dma_wait3A_415] : memref<4x320x64xf32, #tpu.memory_space<vmem>> -> memref<1x320x64xf32, #tpu.memory_space<vmem>>
    %dma_wait3A_417 = tpu.memref_squeeze %dma_wait3A_416 : memref<1x320x64xf32, #tpu.memory_space<vmem>> -> memref<320x64xf32, #tpu.memory_space<vmem>>
    tpu.wait_dma2 semaphore(%arg11 : memref<!tpu.dma_semaphore, #tpu.memory_space<semaphore_mem>>) src(%dma_wait3A_417 : memref<320x64xf32, #tpu.memory_space<vmem>>) dst(%dma_wait3A_413 : memref<320x64xf32, #tpu.memory_space<hbm>>)
    %add3A_418 = arith.constant 101760 : i32
    %add3A_419 = arith.addi %mul3A_2, %add3A_418 : i32
    %dma_wait3A_420 = arith.constant 2 : i32
    %dma_wait3A_421 = arith.constant 0 : i32
    %dma_wait3A_422 = arith.constant 0 : i32
    %dma_wait3A_423 = tpu.memref_slice %arg6[%dma_wait3A_420, %dma_wait3A_421, %dma_wait3A_422] : memref<4x320x64xf32, #tpu.memory_space<vmem>> -> memref<1x320x64xf32, #tpu.memory_space<vmem>>
    %dma_wait3A_424 = tpu.memref_squeeze %dma_wait3A_423 : memref<1x320x64xf32, #tpu.memory_space<vmem>> -> memref<320x64xf32, #tpu.memory_space<vmem>>
    %dma_wait3A_425 = arith.constant 0 : i32
    %dma_wait3A_426 = tpu.memref_slice %arg4[%add3A_419, %dma_wait3A_425] : memref<3276800x64xf32, #tpu.memory_space<hbm>> -> memref<320x64xf32, #tpu.memory_space<hbm>>
    %dma_wait3A_427 = arith.constant 0 : i32
    %dma_wait3A_428 = tpu.memref_slice %arg4[%add3A_419, %dma_wait3A_427] : memref<3276800x64xf32, #tpu.memory_space<hbm>> -> memref<320x64xf32, #tpu.memory_space<hbm>>
    %dma_wait3A_429 = arith.constant 0 : i32
    %dma_wait3A_430 = arith.constant 0 : i32
    %dma_wait3A_431 = tpu.memref_slice %arg6[%dma_wait3A_420, %dma_wait3A_429, %dma_wait3A_430] : memref<4x320x64xf32, #tpu.memory_space<vmem>> -> memref<1x320x64xf32, #tpu.memory_space<vmem>>
    %dma_wait3A_432 = tpu.memref_squeeze %dma_wait3A_431 : memref<1x320x64xf32, #tpu.memory_space<vmem>> -> memref<320x64xf32, #tpu.memory_space<vmem>>
    tpu.wait_dma2 semaphore(%arg12 : memref<!tpu.dma_semaphore, #tpu.memory_space<semaphore_mem>>) src(%dma_wait3A_432 : memref<320x64xf32, #tpu.memory_space<vmem>>) dst(%dma_wait3A_428 : memref<320x64xf32, #tpu.memory_space<hbm>>)
    %add3A_433 = arith.constant 102080 : i32
    %add3A_434 = arith.addi %mul3A_2, %add3A_433 : i32
    %dma_wait3A_435 = arith.constant 3 : i32
    %dma_wait3A_436 = arith.constant 0 : i32
    %dma_wait3A_437 = arith.constant 0 : i32
    %dma_wait3A_438 = tpu.memref_slice %arg6[%dma_wait3A_435, %dma_wait3A_436, %dma_wait3A_437] : memref<4x320x64xf32, #tpu.memory_space<vmem>> -> memref<1x320x64xf32, #tpu.memory_space<vmem>>
    %dma_wait3A_439 = tpu.memref_squeeze %dma_wait3A_438 : memref<1x320x64xf32, #tpu.memory_space<vmem>> -> memref<320x64xf32, #tpu.memory_space<vmem>>
    %dma_wait3A_440 = arith.constant 0 : i32
    %dma_wait3A_441 = tpu.memref_slice %arg4[%add3A_434, %dma_wait3A_440] : memref<3276800x64xf32, #tpu.memory_space<hbm>> -> memref<320x64xf32, #tpu.memory_space<hbm>>
    %dma_wait3A_442 = arith.constant 0 : i32
    %dma_wait3A_443 = tpu.memref_slice %arg4[%add3A_434, %dma_wait3A_442] : memref<3276800x64xf32, #tpu.memory_space<hbm>> -> memref<320x64xf32, #tpu.memory_space<hbm>>
    %dma_wait3A_444 = arith.constant 0 : i32
    %dma_wait3A_445 = arith.constant 0 : i32
    %dma_wait3A_446 = tpu.memref_slice %arg6[%dma_wait3A_435, %dma_wait3A_444, %dma_wait3A_445] : memref<4x320x64xf32, #tpu.memory_space<vmem>> -> memref<1x320x64xf32, #tpu.memory_space<vmem>>
    %dma_wait3A_447 = tpu.memref_squeeze %dma_wait3A_446 : memref<1x320x64xf32, #tpu.memory_space<vmem>> -> memref<320x64xf32, #tpu.memory_space<vmem>>
    tpu.wait_dma2 semaphore(%arg13 : memref<!tpu.dma_semaphore, #tpu.memory_space<semaphore_mem>>) src(%dma_wait3A_447 : memref<320x64xf32, #tpu.memory_space<vmem>>) dst(%dma_wait3A_443 : memref<320x64xf32, #tpu.memory_space<hbm>>)
    return
  }
}

</mosaic_0001>

<sc_bundles>
// kernel: kernel.3.cloned.1.call-start
scs
__scs_entry_jumppad:
0x0: {  	(pc) =	sbr.rel $0x88, $3  }
0x1: {  	(tag) =	ssettag $0x0;
	lr =	simm.s32 $0x1  }
0x2: {  	[smem:$0x3F9F] =	sst lr;
	_ =	strace $0xD0000000  }
0x3: {  	_ = 	snop  }
0x4: {  	_ = 	snop  }
0x5: {  	_ = 	snop  }
0x6: {  	_ = 	snop  }
0x7: {  	_ = 	snop  }
__scs_overlays_trampoline_lowered:
0x8: {  	[smem:$0x3FAE] =	sst s0  }
0x9: {  	[smem:$0x3FAF] =	sst s1  }
0xa: {  	[smem:$0x3FB0] =	sst s2  }
0xb: {  	[smem:$0x3FB1] =	sst s3  }
0xc: {  	[smem:$0x3FB2] =	sst s4  }
0xd: {  	[smem:$0x3FB3] =	sst s5  }
0xe: {  	[smem:$0x3FB4] =	sst s6  }
0xf: {  	[smem:$0x3FB5] =	sst s7  }
0x10: {  	[smem:$0x3FB6] =	sst s8  }
0x11: {  	[smem:$0x3FB7] =	sst s9;
	s0 =	simm.s32 @!p0 $0x0  }
0x12: {  	s1 =	sld [smem:$0x3F9D];
	s0 =	simm.s32 @p0 $0x1  }
0x13: {  	[smem:$0x3FB8] =	sst s0;
	s0 =	simm.s32 @!p1 $0x0  }
0x14: {  	s2 =	sld [smem:$0x3F9C];
	s0 =	simm.s32 @p1 $0x1  }
0x15: {  	[smem:$0x3FB9] =	sst s0;
	s0 =	simm.s32 @!p2 $0x0  }
0x16: {  	s3 =	sld [smem:$0x3FDB];
	s0 =	simm.s32 @p2 $0x1  }
0x17: {  	s4 =	simm.s32 $0x1BF5;
	[smem:$0x3FBB] =	sst s0  }
0x18: {  	s0 =	sld [smem:$0x3F9E];
	_ =	swait.ge [sflag:s4], $0x0  }
0x19: {  	s7 =	sld [smem:$0x3F9F]  }
0x1a: {  	s8 =	sadd.s32 $0xFFFFE003, lr  }
0x1b: {  	s9 =	sadd.s32 $0xFFFFFEF7, lr;
	s5 =	simm.s32 $0xFFFFFFFF;
	p2 =	slt.u32 s8, $0xFFFFF086  }
0x1c: {  	p1 =	slt.u32 s9, $0xF7A;
	s5 =	simm.s32 @!p2 $0x0  }
0x1d: {  	s5 =	simm.s32 @p1 $0x1;
	p0 =	seq.s32 s7, s2  }
0x1e: {  	s7 =	smul.u32 @!p0 $0xF7A, s2;
	p2 =	seq.s32 @!p0 s5, $0x0  }
0x1f: {  	s9 =	smul.u32 $0xF7A, s1;
	s8 =	simm.s32 @!p0 $0x1BF5;
	p2 =	por !p2, p0  }
0x20: {  	[sflag:s8] =	ssyncset.s32 @!p0 $0xFFFFF086;
	s6 =	sadd.s32 @!p0 s3, s7;
	s7 =	simm.s32 @!p0 $0x108  }
0x21: {  	s3 =	sadd.s32 s3, s9;
	s6 =	sadd.s32 @!p0 $0x88, s6;
	s7 =	simm.s32 @p2 $0x1082  }
0x22: {  	[simem:s7], [sflag:s8] =	dma.local @!p0 [hbm:s6], $0xF7A  }
0x23: {  	s9 =	sor.u32 $0xD0000000, s2;
	s6 =	simm.s32 $0x108;
	_ =	swait.ge @!p0 [sflag:s8], $0x0  }
0x24: {  	s3 =	sadd.s32 $0x88, s3;
	s6 =	simm.s32 @!p1 $0x1082;
	[sflag:s4] =	ssyncset.s32 $0xFFFFF086  }
0x25: {  	[simem:s6], [sflag:s4] =	dma.local [hbm:s3], $0xF7A  }
0x26: {  	[smem:$0x3F9F] =	sst s1;
	(tag) =	ssettag s2;
	_ =	strace s9  }
0x27: {  	s1 =	sld [smem:$0x3FAF]  }
0x28: {  	s2 =	sld [smem:$0x3FB0]  }
0x29: {  	s4 =	sld [smem:$0x3FB2]  }
0x2a: {  	p0 =	seq.s32 s5, $0x0;
	s5 =	sld [smem:$0x3FB3]  }
0x2b: {  	s6 =	sld [smem:$0x3FB4]  }
0x2c: {  	s7 =	sld [smem:$0x3FB5]  }
0x2d: {  	s3 =	simm.s32 $0x108;
	s8 =	sld [smem:$0x3FB6]  }
0x2e: {  	s3 =	simm.s32 @!p0 $0x1082;
	s9 =	sld [smem:$0x3FB7]  }
0x2f: {  	lr =	sadd.s32 s0, s3;
	s0 =	sld [smem:$0x3FAE]  }
0x30: {  	s3 =	sld [smem:$0x3FB1]  }
0x31: {  	[smem:$0x3FBA] =	sst s10  }
0x32: {  	s10 =	sld [smem:$0x3FB8];
	_ =	sdelay $0x3  }
0x33: {  	p0 =	seq.s32 s10, $0x1;
	s10 =	sld [smem:$0x3FBA];
	_ =	sdelay $0x3  }
0x34: {  	[smem:$0x3FBA] =	sst s10  }
0x35: {  	s10 =	sld [smem:$0x3FB9];
	_ =	sdelay $0x3  }
0x36: {  	p1 =	seq.s32 s10, $0x1;
	s10 =	sld [smem:$0x3FBA];
	_ =	sdelay $0x3  }
0x37: {  	[smem:$0x3FBA] =	sst s10  }
0x38: {  	s10 =	sld [smem:$0x3FBB]  }
0x39: {  	_ = 	snop;
	(pc) =	sbr.ind lr, $3  }
0x3a: {  	_ = 	snop  }
0x3b: {  	_ = 	snop  }
0x3c: {  	p2 =	seq.s32 s10, $0x1;
	s10 =	sld [smem:$0x3FBA]  }
0x3d: {  	_ =	shalt  }
0x3e: {  	_ =	shalt  }
0x3f: {  	_ =	shalt  }
0x40: {  	_ =	shalt  }
0x41: {  	_ =	shalt  }
0x42: {  	_ =	shalt  }
0x43: {  	_ =	shalt  }
0x44: {  	_ =	shalt  }
0x45: {  	_ =	shalt  }
0x46: {  	_ =	shalt  }
0x47: {  	_ =	shalt  }
0x48: {  	_ =	shalt  }
0x49: {  	_ =	shalt  }
0x4a: {  	_ =	shalt  }
0x4b: {  	_ =	shalt  }
0x4c: {  	_ =	shalt  }
0x4d: {  	_ =	shalt  }
0x4e: {  	_ =	shalt  }
0x4f: {  	_ =	shalt  }
0x50: {  	_ =	shalt  }
0x51: {  	_ =	shalt  }
0x52: {  	_ =	shalt  }
0x53: {  	_ =	shalt  }
0x54: {  	_ =	shalt  }
0x55: {  	_ =	shalt  }
0x56: {  	_ =	shalt  }
0x57: {  	_ =	shalt  }
0x58: {  	_ =	shalt  }
0x59: {  	_ =	shalt  }
0x5a: {  	_ =	shalt  }
0x5b: {  	_ =	shalt  }
0x5c: {  	_ =	shalt  }
0x5d: {  	_ =	shalt  }
0x5e: {  	_ =	shalt  }
0x5f: {  	_ =	shalt  }
0x60: {  	_ =	shalt  }
0x61: {  	_ =	shalt  }
0x62: {  	_ =	shalt  }
0x63: {  	_ =	shalt  }
0x64: {  	_ =	shalt  }
0x65: {  	_ =	shalt  }
0x66: {  	_ =	shalt  }
0x67: {  	_ =	shalt  }
0x68: {  	_ =	shalt  }
0x69: {  	_ =	shalt  }
0x6a: {  	_ =	shalt  }
0x6b: {  	_ =	shalt  }
0x6c: {  	_ =	shalt  }
0x6d: {  	_ =	shalt  }
0x6e: {  	_ =	shalt  }
0x6f: {  	_ =	shalt  }
0x70: {  	_ =	shalt  }
0x71: {  	_ =	shalt  }
0x72: {  	_ =	shalt  }
0x73: {  	_ =	shalt  }
0x74: {  	_ =	shalt  }
0x75: {  	_ =	shalt  }
0x76: {  	_ =	shalt  }
0x77: {  	_ =	shalt  }
0x78: {  	_ =	shalt  }
0x79: {  	_ =	shalt  }
0x7a: {  	_ =	shalt  }
0x7b: {  	_ =	shalt  }
0x7c: {  	_ =	shalt  }
0x7d: {  	_ =	shalt  }
0x7e: {  	_ =	shalt  }
0x7f: {  	_ =	shalt  }
0x80: {  	_ =	shalt  }
0x81: {  	_ =	shalt  }
0x82: {  	_ =	shalt  }
0x83: {  	_ =	shalt  }
0x84: {  	_ =	shalt  }
0x85: {  	_ =	shalt  }
0x86: {  	_ =	shalt  }
0x87: {  	_ =	shalt  }
.Lfunc_end0:
.L_simem_size_0:
called_computation.1_lowered:
.L_overlay_start_0:
0x88: {  	s2 =	sld [smem:$0x3FD9]  }
0x89: {  	s3 =	sld [smem:$0x3FFE];
	_ =	sdelay $0x1  }
0x8a: {  	s1 =	srdreg.scid  }
0x8b: {  	s0 =	sand.u32 $0x1, s1  }
0x8c: {  	s17 =	sshll.u32 s0, $0xA;
	s2 =	sadd.s32 s3, s2  }
0x8d: {  	s2 =	sadd.s32 s2, s17  }
0x8e: {  	[smem:$0x3FC6] =	sst s2  }
0x8f: {  	_ = 	snop  }
0x90: {  	s2 =	sld [smem:$0x3FD0];
	(tm) =	ssettm $0x1  }
0x91: {  	s18 =	sld [smem:$0x3FFB];
	_ =	sdelay $0x3  }
0x92: {  	_ =	strace s18  }
0x93: {  	s3 =	sld [smem:$0x3FFC];
	_ =	sdelay $0x3  }
0x94: {  	_ =	strace s3  }
0x95: {  	s3 =	sld [smem:$0x3FFD];
	_ =	sdelay $0x3  }
0x96: {  	_ =	strace s3  }
0x97: {  	_ =	strace $0x8FFFFFFF  }
0x98: {  	s19 =	sld [smem:$0x3FDB];
	_ =	sdelay $0x1  }
0x99: {  	s4 =	simm.s32 $_scs_section_size  }
0x9a: {  	s5 =	simm.s32 $_size__tile_overlayer_lowered;
	s6 =	simm.s32 $_tile_overlayer_lowered  }
0x9b: {  	s22 =	simm.s32 $0x1BFF;
	s21 =	sshll.u32 s6, $0x1;
	s3 =	sadd.s32 s4, s19  }
0x9c: {  	s7 =	simm.s32 $0x0;
	s20 =	sshll.u32 s5, $0x1;
	s5 =	sadd.s32 s21, s3  }
0x9d: {  	[timem:s7], [sflag:s22] =	dma.local [hbm:s5], s20  }
0x9e: {  	_ =	swait.ge [sflag:s22], s20  }
0x9f: {  	s4 =	ssub.s32 $0x0, s20;
	[sflag:s22] =	ssyncset.done $0x0  }
0xa0: {  	[sflag:s22] =	ssyncadd.s32 s4;
	_ =	sdelay $0x1  }
0xa1: {  	s23 =	simm.s32 $0x1B8B  }
0xa2: {  	_ =	swait.ge [sflag:s23], $0x1  }
0xa3: {  	[sflag:s23] =	ssyncset.done $0x0  }
0xa4: {  	s25 =	simm.s32 $0x1B8E;
	s24 =	sld [smem:$0x3FFE];
	[sflag:s23] =	ssyncadd.s32 $0xFFFFFFFF  }
0xa5: {  	s26 =	simm.s32 $execute0_lowered;
	[smem:$0x3FD2] =	sst s25  }
0xa6: {  	s5 =	sshll.u32 s26, $0x1;
	_ =	strace $0x80000046;
	[dreg:$0x1] =	wrdreg $0xFFFFFFFF  }
0xa7: {  	s28 =	simm.s32 $_size_execute0_lowered;
	s3 =	sadd.s32 s3, s5;
	[dreg:$0x0] =	wrdreg $0x0  }
0xa8: {  	s5 =	sshll.u32 s28, $0x1;
	[dreg:$0x2] =	wrdreg s3  }
0xa9: {  	[dreg:$0x3] =	wrdreg s5  }
0xaa: {  	[dreg:$0x4] =	wrdreg $0xC0  }
0xab: {  	_ =	task [dreg:s7], $0x5FFFF  }
0xac: {  	[dreg:$0x1] =	wrdreg $0xFFFFFFFF  }
0xad: {  	[dreg:$0x0] =	wrdreg $0x60  }
0xae: {  	[dreg:$0x2] =	wrdreg s24  }
0xaf: {  	[dreg:$0x3] =	wrdreg s2  }
0xb0: {  	[dreg:$0x4] =	wrdreg $0x145000  }
0xb1: {  	[dreg:$0x5] =	wrdreg $0x9  }
0xb2: {  	_ =	task.clear_ibuf [dreg:s7], $0x6FFFF;
	_ =	strace $0x90000046  }
0xb3: {  	s29 =	simm.s32 $0x9;
	_ =	strace $0x80000048  }
0xb4: {  	_ =	swait.ge [sflag:s29], $0x1  }
0xb5: {  	[sflag:s29] =	ssyncadd.s32 $0xFFFFFFFF  }
0xb6: {  	_ =	strace $0x90000048  }
0xb7: {  	_ =	sfence  }
0xb8: {  	s30 =	sld [smem:$0x0];
	_ =	sdelay $0x2  }
0xb9: {  	s31 =	sshll.u32 s1, $0xD;
	s1 =	sshrl.u32 s1, $0x2  }
0xba: {  	s3 =	sand.u32 $0x4000, s31;
	s1 =	sadd.s32 s1, s30  }
0xbb: {  	s0 =	sor.u32 s3, s0;
	s1 =	sshll.u32 s1, $0x11  }
0xbc: {  	s0 =	sor.u32 s1, s0  }
0xbd: {  	s0 =	sadd.s32 $0x8F2B, s0  }
0xbe: {  	[sflag:s0] =	ssyncadd.remote.s32 $0x1  }
0xbf: {  	_ =	sfence.sel $0xFFFF  }
0xc0: {  	[dreg:$0x0] =	wrdreg $0xFFFFFFFF;
	(pc) =	sbr.abs _section_cstart, $3  }
0xc1: {  	[dreg:$0x1] =	wrdreg $0xFFFFFFFF  }
0xc2: {  	_ =	task.clear_ibuf [dreg:s7], $0x2FFFF;
	_ =	strace $0x9FFFFFFF  }
0xc3: {  	(tm) =	ssettm $0x7FFFFFFF  }
tec
execute0_lowered:
.L_overlay_start_1:
0x0: {  	(tag) =	ssettag $0x1  }
0x1: {  	s0 =	rddreg [dreg:$0x0]  }
0x2: {  	s6 =	rddreg [dreg:$0x1]  }
0x3: {  	s1 =	rddreg [dreg:$0x2]  }
0x4: {  	s2 =	simm.s32 $0x0;
	s3 =	srdreg.scid;
	s9 =	stileid.u32  }
0x5: {  	s28 =	simm.s32 $0x5;
	s29 =	simm.s32 $0x6;
	s30 =	simm.s32 $0x0  }
0x6: {  	s10 =	sand.u32 $0x1, s3;
	s15 =	sshll.u32 s9, $0x1;
	s4 =	smul.u32 $0x32000, s9  }
0x7: {  	[smem:$0x7FF] =	sst s2;
	s12 =	sadd.s32 $0xA00, s0;
	s0 =	sadd.s32 $0x800, s0  }
0x8: {  	s26 =	smul.u32 $0x190000, s9;
	p0 =	sne.s32 s9, $0x0;
	s3 =	sor.u32 s10, s15  }
0x9: {  	s5 =	smul.u32 $0x19000, s10;
	_ =	strace $0x80000047;
	[dreg:$0x4] =	wrdreg s0  }
0xa: {  	s16 =	ssub.s32 $0x2, s10;
	s10 =	smul.u32 $0xC8000, s10;
	s15 =	sshrl.u32 @!p0 s1, $0x3  }
0xb: {  	s3 =	smul.u32 $0x19000, s3;
	s17 =	sshrl.u32 s16, $0x1;
	s11 =	sadd.s32 s5, s4  }
0xc: {  	s0 =	ssub.s32 s16, s17;
	s16 =	simm.s32 $0x140;
	s17 =	simm.s32 $0x1  }
0xd: {  	s3 =	sshrl.u32 s3, $0x3;
	s5 =	sor.u32 $0x640, s11;
	s0 =	smax.u32 s0, $0x1  }
0xe: {  	s20 =	sor.u32 $0x500, s11;
	s21 =	sshll.u32 s11, $0x3;
	s13 =	sor.u32 $0x3C0, s11  }
0xf: {  	s25 =	sor.u32 $0x280, s11;
	s4 =	sadd.s32 s12, s3;
	s18 =	sshrl.u32 s5, $0x3  }
0x10: {  	[dreg:$0x6] =	wrdreg s0;
	s0 =	sshrl.u32 s20, $0x3;
	s3 =	sadd.s32 s21, s6  }
0x11: {  	s14 =	sshll.u32 s13, $0x3;
	s24 =	sshrl.u32 s13, $0x3;
	s31 =	sshll.u32 s25, $0x3  }
0x12: {  	s13 =	sshrl.u32 s25, $0x3;
	s20 =	simm.s32 $0x5500;
	s21 =	simm.s32 $0x2  }
0x13: {  	s25 =	simm.s32 $0x3;
	s19 =	sadd.s32 $0x28, s4;
	s7 =	sadd.s32 s18, s12  }
0x14: {  	s8 =	sadd.s32 s0, s12;
	s22 =	sadd.s32 $0xA00, s3;
	s23 =	sadd.s32 s14, s6  }
.Ltmp0:
0x15: {  	s11 =	sadd.s32 s24, s12;
	s0 =	sadd.s32 s31, s6;
	(pc) =	sbr.rel .LBB2_1-.Ltmp0, $4  }
0x16: {  	s6 =	sadd.s32 s26, s6;
	s13 =	sadd.s32 s13, s12;
	[dreg:$0x5] =	wrdreg s19  }
0x17: {  	s18 =	simm.s32 $0x500;
	s24 =	simm.s32 $0xF500;
	[dreg:$0x7] =	wrdreg s22  }
0x18: {  	s26 =	simm.s32 $0x4;
	[dreg:$0x8] =	wrdreg s23;
	s14 =	sadd.s32 s10, s6  }
0x19: {  	s19 =	simm.s32 $0x280;
	s22 =	simm.s32 $0x3C0;
	s23 =	simm.s32 $0xA500  }
.LBB2_5:
0x1a: {  	_ =	swait.ge [sflag:s25], $0x5000  }
0x1b: {  	[sflag:s25] =	ssyncset.done $0x0  }
0x1c: {  	[sflag:s25] =	ssyncadd.s32 $0xFFFFB000  }
0x1d: {  	_ =	swait.ge [sflag:s26], $0x5000  }
0x1e: {  	[sflag:s26] =	ssyncset.done $0x0  }
0x1f: {  	[sflag:s26] =	ssyncadd.s32 $0xFFFFB000  }
0x20: {  	_ =	swait.ge [sflag:s28], $0x5000  }
0x21: {  	[sflag:s28] =	ssyncset.done $0x0  }
0x22: {  	[sflag:s28] =	ssyncadd.s32 $0xFFFFB000  }
0x23: {  	_ =	swait.ge [sflag:s29], $0x5000  }
0x24: {  	s30 =	sadd.s32 $0x1, s30;
	s3 =	rddreg [dreg:$0x6]  }
0x25: {  	p1 =	sne.s32 s30, s3  }
.Ltmp1:
0x26: {  	_ = 	snop;
	(pc) =	sbr.rel @!p1 .LBB2_6-.Ltmp1, $3  }
0x27: {  	_ =	sdelay $0x1  }
0x28: {  	[sflag:s29] =	ssyncset.done $0x0  }
0x29: {  	[sflag:s29] =	ssyncadd.s32 $0xFFFFB000  }
.LBB2_1:
0x2a: {  	s6 =	simm.s32 @!p0 $0x1C07;
	s3 =	rddreg [dreg:$0x4]  }
0x2b: {  	[spmem:s15], [sflag:s6] =	dma.local @!p0 [hbm:s3], $0x150  }
0x2c: {  	s6 =	simm.s32 @!p0 $0x7  }
0x2d: {  	_ =	swait.ge @!p0 [sflag:s6], $0x150  }
0x2e: {  	[sflag:s6] =	ssyncset.done @!p0 $0x0  }
0x2f: {  	[sflag:s6] =	ssyncadd.s32 @!p0 $0xFFFFFEB0  }
0x30: {  	[bflag:$0x0] =	sbarrier.arrive $0xFFFF  }
0x31: {  	[tilespmem:s2], [sflag:$0x1] =	stream.linear.gather [hbm4b:s4+s2], $0x140, $0x38;
	[tilespmem:$0x145A8] =	vst v63  }
0x32: {  	s12 =	rddreg [dreg:$0x5]  }
0x33: {  	[tilespmem:s16], [sflag:$0x1] =	stream.linear.gather [hbm4b:s12+s2], $0x140, $0x38;
	[tilespmem:$0x145A8] =	vst v63  }
0x34: {  	_ =	swait.ge [sflag:s17], $0x140  }
0x35: {  	[sflag:s17] =	ssyncset.done $0x0  }
0x36: {  	[sflag:s17] =	ssyncadd.s32 $0xFFFFFEC0  }
0x37: {  	v0 =	vld [tilespmem:$0x0]  }
0x38: {  	v1 =	vld [tilespmem:$0x10]  }
0x39: {  	v2 =	vld [tilespmem:$0x20]  }
0x3a: {  	v3 =	vld [tilespmem:$0x30]  }
0x3b: {  	v4 =	vld [tilespmem:$0x40]  }
0x3c: {  	v5 =	vld [tilespmem:$0x50];
	vm0 =	vgt.s32 v0, $0x0  }
0x3d: {  	v6 =	vld [tilespmem:$0x60];
	vm9 =	vgt.s32 v1, $0x0;
	v0 =	vnsel vm0, $0x0, v0  }
0x3e: {  	v7 =	vld [tilespmem:$0x70];
	vm10 =	vgt.s32 v2, $0x0;
	v1 =	vnsel vm9, $0x0, v1;
	v0 =	vmin.u32 v0, $0x28  }
0x3f: {  	v19 =	vld [tilespmem:$0x80];
	vm11 =	vgt.s32 v3, $0x0;
	v18 =	vnsel vm10, $0x0, v2;
	v17 =	vmin.u32 v1, $0x28;
	[tilespmem:$0x0] =	vst v0  }
0x40: {  	v22 =	vld [tilespmem:$0x90];
	vm12 =	vgt.s32 v4, $0x0;
	v21 =	vnsel vm11, $0x0, v3;
	v20 =	vmin.u32 v18, $0x28;
	[tilespmem:$0x10] =	vst v17  }
0x41: {  	v25 =	vld [tilespmem:$0xA0];
	vm13 =	vgt.s32 v5, $0x0;
	v24 =	vnsel vm12, $0x0, v4;
	v23 =	vmin.u32 v21, $0x28;
	[tilespmem:$0x20] =	vst v20  }
0x42: {  	v28 =	vld [tilespmem:$0xB0];
	vm14 =	vgt.s32 v6, $0x0;
	v27 =	vnsel vm13, $0x0, v5;
	v26 =	vmin.u32 v24, $0x28;
	[tilespmem:$0x30] =	vst v23  }
0x43: {  	v31 =	vld [tilespmem:$0xC0];
	vm15 =	vgt.s32 v7, $0x0;
	v30 =	vnsel vm14, $0x0, v6;
	v29 =	vmin.u32 v27, $0x28;
	[tilespmem:$0x40] =	vst v26  }
0x44: {  	v34 =	vld [tilespmem:$0xD0];
	vm4 =	vgt.s32 v19, $0x0;
	v33 =	vnsel vm15, $0x0, v7;
	v32 =	vmin.u32 v30, $0x28;
	[tilespmem:$0x50] =	vst v29  }
0x45: {  	v37 =	vld [tilespmem:$0xE0];
	vm5 =	vgt.s32 v22, $0x0;
	v36 =	vnsel vm4, $0x0, v19;
	v35 =	vmin.u32 v33, $0x28;
	[tilespmem:$0x60] =	vst v32  }
0x46: {  	v40 =	vld [tilespmem:$0xF0];
	vm6 =	vgt.s32 v25, $0x0;
	v39 =	vnsel vm5, $0x0, v22;
	v38 =	vmin.u32 v36, $0x28;
	[tilespmem:$0x70] =	vst v35  }
0x47: {  	v43 =	vld [tilespmem:$0x100];
	vm7 =	vgt.s32 v28, $0x0;
	v42 =	vnsel vm6, $0x0, v25;
	v41 =	vmin.u32 v39, $0x28;
	[tilespmem:$0x80] =	vst v38  }
0x48: {  	v46 =	vld [tilespmem:$0x110];
	vm8 =	vgt.s32 v31, $0x0;
	v45 =	vnsel vm7, $0x0, v28;
	v44 =	vmin.u32 v42, $0x28;
	[tilespmem:$0x90] =	vst v41  }
0x49: {  	v49 =	vld [tilespmem:$0x120];
	v48 =	vnsel vm8, $0x0, v31;
	vm9 =	vgt.s32 v34, $0x0;
	v47 =	vmin.u32 v45, $0x28;
	[tilespmem:$0xA0] =	vst v44  }
0x4a: {  	v52 =	vld [tilespmem:$0x130];
	vm10 =	vgt.s32 v37, $0x0;
	v50 =	vmin.u32 v48, $0x28;
	v51 =	vnsel vm9, $0x0, v34;
	[tilespmem:$0xB0] =	vst v47  }
0x4b: {  	vm11 =	vgt.s32 v40, $0x0;
	v54 =	vnsel vm10, $0x0, v37;
	[tilespmem:$0xC0] =	vst v50;
	v53 =	vmin.u32 v51, $0x28  }
0x4c: {  	vm12 =	vgt.s32 v43, $0x0;
	v56 =	vnsel vm11, $0x0, v40;
	v55 =	vmin.u32 v54, $0x28;
	[tilespmem:$0xD0] =	vst v53  }
0x4d: {  	vm13 =	vgt.s32 v46, $0x0;
	v58 =	vnsel vm12, $0x0, v43;
	v57 =	vmin.u32 v56, $0x28;
	[tilespmem:$0xE0] =	vst v55  }
0x4e: {  	vm14 =	vgt.s32 v49, $0x0;
	v60 =	vnsel vm13, $0x0, v46;
	v59 =	vmin.u32 v58, $0x28;
	[tilespmem:$0xF0] =	vst v57  }
.Ltmp2:
0x4f: {  	vm15 =	vgt.s32 v52, $0x0;
	v62 =	vnsel vm14, $0x0, v49;
	v61 =	vmin.u32 v60, $0x28;
	[tilespmem:$0x100] =	vst v59;
	(pc) =	sbr.rel .LBB2_2-.Ltmp2, $4  }
0x50: {  	v63 =	vnsel vm15, $0x0, v52;
	v1 =	vmin.u32 v62, $0x28;
	[tilespmem:$0x110] =	vst v61  }
0x51: {  	s31 =	smov.u32 s14;
	s10 =	rddreg [dreg:$0x8];
	v0 =	vmin.u32 v63, $0x28;
	[tilespmem:$0x120] =	vst v1  }
0x52: {  	s6 =	simm.s32 $0x0;
	s12 =	smov.u32 s0;
	s9 =	rddreg [dreg:$0x7];
	[tilespmem:$0x130] =	vst v0  }
0x53: {  	[tilespmem:s18], [sflag:$0x2] =	stream.indirect.gather [spmem:s1], $0x40, s2, s16, $0xb8;
	[tilespmem:$0x145A8] =	vst v63  }
.LBB2_4:
0x54: {  	s6 =	sadd.s32 $0xA0, s6  }
0x55: {  	p1 =	sne.s32 s6, $0x3200  }
.Ltmp3:
0x56: {  	_ =	swait.ge [sflag:s21], $0x5000;
	(pc) =	sbr.rel @!p1 .LBB2_5-.Ltmp3, $4  }
0x57: {  	[sflag:s21] =	ssyncset.done $0x0  }
0x58: {  	s9 =	sadd.s32 $0x2800, s9;
	[sflag:s21] =	ssyncadd.s32 $0xFFFFB000  }
0x59: {  	[hbm4b:s10+s2] =	stream.linear.scatter [tilespmem:s24], [sflag:$0x6], $0x5000, $0x38;
	[tilespmem:$0x145A8] =	vst v63  }
0x5a: {  	s12 =	sadd.s32 $0x2800, s12;
	s31 =	sadd.s32 $0x2800, s31;
	s10 =	sadd.s32 $0x2800, s10  }
.LBB2_2:
0x5b: {  	_ =	swait.ge [sflag:s17], $0x140  }
0x5c: {  	[sflag:s17] =	ssyncset.done $0x0  }
0x5d: {  	s5 =	sadd.s32 s6, s13;
	[sflag:s17] =	ssyncadd.s32 $0xFFFFFEC0  }
0x5e: {  	[tilespmem:s19], [sflag:$0x1] =	stream.linear.gather [hbm4b:s5+s2], $0x140, $0x38;
	[tilespmem:$0x145A8] =	vst v63  }
0x5f: {  	v0 =	vld [tilespmem:$0x140]  }
0x60: {  	v1 =	vld [tilespmem:$0x150]  }
0x61: {  	v2 =	vld [tilespmem:$0x160]  }
0x62: {  	v3 =	vld [tilespmem:$0x170]  }
0x63: {  	v4 =	vld [tilespmem:$0x180]  }
0x64: {  	v5 =	vld [tilespmem:$0x190];
	vm0 =	vgt.s32 v0, $0x0  }
0x65: {  	v6 =	vld [tilespmem:$0x1A0];
	vm5 =	vgt.s32 v1, $0x0;
	v0 =	vnsel vm0, $0x0, v0  }
0x66: {  	v7 =	vld [tilespmem:$0x1B0];
	vm6 =	vgt.s32 v2, $0x0;
	v1 =	vnsel vm5, $0x0, v1;
	v0 =	vmin.u32 v0, $0x28  }
0x67: {  	v23 =	vld [tilespmem:$0x1C0];
	vm7 =	vgt.s32 v3, $0x0;
	v22 =	vnsel vm6, $0x0, v2;
	v21 =	vmin.u32 v1, $0x28;
	[tilespmem:$0x140] =	vst v0  }
0x68: {  	v26 =	vld [tilespmem:$0x1D0];
	vm8 =	vgt.s32 v4, $0x0;
	v25 =	vnsel vm7, $0x0, v3;
	v24 =	vmin.u32 v22, $0x28;
	[tilespmem:$0x150] =	vst v21  }
0x69: {  	v29 =	vld [tilespmem:$0x1E0];
	vm9 =	vgt.s32 v5, $0x0;
	v28 =	vnsel vm8, $0x0, v4;
	v27 =	vmin.u32 v25, $0x28;
	[tilespmem:$0x160] =	vst v24  }
0x6a: {  	v32 =	vld [tilespmem:$0x1F0];
	vm10 =	vgt.s32 v6, $0x0;
	v31 =	vnsel vm9, $0x0, v5;
	v30 =	vmin.u32 v28, $0x28;
	[tilespmem:$0x170] =	vst v27  }
0x6b: {  	v35 =	vld [tilespmem:$0x200];
	vm11 =	vgt.s32 v7, $0x0;
	v34 =	vnsel vm10, $0x0, v6;
	v33 =	vmin.u32 v31, $0x28;
	[tilespmem:$0x180] =	vst v30  }
0x6c: {  	v38 =	vld [tilespmem:$0x210];
	vm12 =	vgt.s32 v23, $0x0;
	v37 =	vnsel vm11, $0x0, v7;
	v36 =	vmin.u32 v34, $0x28;
	[tilespmem:$0x190] =	vst v33  }
0x6d: {  	v41 =	vld [tilespmem:$0x220];
	vm13 =	vgt.s32 v26, $0x0;
	v40 =	vnsel vm12, $0x0, v23;
	v39 =	vmin.u32 v37, $0x28;
	[tilespmem:$0x1A0] =	vst v36  }
0x6e: {  	v44 =	vld [tilespmem:$0x230];
	vm14 =	vgt.s32 v29, $0x0;
	v43 =	vnsel vm13, $0x0, v26;
	v42 =	vmin.u32 v40, $0x28;
	[tilespmem:$0x1B0] =	vst v39  }
0x6f: {  	v47 =	vld [tilespmem:$0x240];
	vm15 =	vgt.s32 v32, $0x0;
	v46 =	vnsel vm14, $0x0, v29;
	v45 =	vmin.u32 v43, $0x28;
	[tilespmem:$0x1C0] =	vst v42  }
0x70: {  	v50 =	vld [tilespmem:$0x250];
	vm4 =	vgt.s32 v35, $0x0;
	v49 =	vnsel vm15, $0x0, v32;
	v48 =	vmin.u32 v46, $0x28;
	[tilespmem:$0x1D0] =	vst v45  }
0x71: {  	v53 =	vld [tilespmem:$0x260];
	v52 =	vnsel vm4, $0x0, v35;
	vm5 =	vgt.s32 v38, $0x0;
	v51 =	vmin.u32 v49, $0x28;
	[tilespmem:$0x1E0] =	vst v48  }
0x72: {  	v56 =	vld [tilespmem:$0x270];
	vm6 =	vgt.s32 v41, $0x0;
	v54 =	vmin.u32 v52, $0x28;
	v55 =	vnsel vm5, $0x0, v38;
	[tilespmem:$0x1F0] =	vst v51  }
0x73: {  	vm7 =	vgt.s32 v44, $0x0;
	v58 =	vnsel vm6, $0x0, v41;
	[tilespmem:$0x200] =	vst v54;
	v57 =	vmin.u32 v55, $0x28  }
0x74: {  	vm8 =	vgt.s32 v47, $0x0;
	v60 =	vnsel vm7, $0x0, v44;
	v59 =	vmin.u32 v58, $0x28;
	[tilespmem:$0x210] =	vst v57  }
0x75: {  	vm9 =	vgt.s32 v50, $0x0;
	v62 =	vnsel vm8, $0x0, v47;
	v61 =	vmin.u32 v60, $0x28;
	[tilespmem:$0x220] =	vst v59  }
0x76: {  	vm10 =	vgt.s32 v53, $0x0;
	v4 =	vnsel vm9, $0x0, v50;
	v63 =	vmin.u32 v62, $0x28;
	[tilespmem:$0x230] =	vst v61  }
0x77: {  	vm11 =	vgt.s32 v56, $0x0;
	v8 =	vnsel vm10, $0x0, v53;
	v5 =	vmin.u32 v4, $0x28;
	[tilespmem:$0x240] =	vst v63  }
0x78: {  	v10 =	vnsel vm11, $0x0, v56;
	v9 =	vmin.u32 v8, $0x28;
	[tilespmem:$0x250] =	vst v5  }
0x79: {  	p1 =	seq.s32 s6, $0x0;
	v11 =	vmin.u32 v10, $0x28;
	[tilespmem:$0x260] =	vst v9  }
0x7a: {  	s5 =	simm.s32 @!p1 $0x4;
	[tilespmem:$0x270] =	vst v11  }
0x7b: {  	_ =	swait.ge @!p1 [sflag:s5], $0x5000  }
0x7c: {  	[sflag:s5] =	ssyncset.done @!p1 $0x0  }
0x7d: {  	[sflag:s5] =	ssyncadd.s32 @!p1 $0xFFFFB000  }
0x7e: {  	[tilespmem:s20], [sflag:$0x2] =	stream.indirect.gather [spmem:s1], $0x40, s16, s16, $0xb8;
	[tilespmem:$0x145A8] =	vst v63  }
0x7f: {  	_ =	swait.ge [sflag:s21], $0x5000  }
0x80: {  	[sflag:s21] =	ssyncset.done $0x0  }
0x81: {  	[sflag:s21] =	ssyncadd.s32 $0xFFFFB000  }
0x82: {  	[hbm4b:s31+s2] =	stream.linear.scatter [tilespmem:s18], [sflag:$0x3], $0x5000, $0x38;
	[tilespmem:$0x145A8] =	vst v63  }
0x83: {  	_ =	swait.ge [sflag:s17], $0x140  }
0x84: {  	[sflag:s17] =	ssyncset.done $0x0  }
0x85: {  	s3 =	sadd.s32 s6, s11;
	[sflag:s17] =	ssyncadd.s32 $0xFFFFFEC0  }
0x86: {  	[tilespmem:s22], [sflag:$0x1] =	stream.linear.gather [hbm4b:s3+s2], $0x140, $0x38;
	[tilespmem:$0x145A8] =	vst v63  }
0x87: {  	v12 =	vld [tilespmem:$0x280]  }
0x88: {  	v13 =	vld [tilespmem:$0x290]  }
0x89: {  	v14 =	vld [tilespmem:$0x2A0]  }
0x8a: {  	v15 =	vld [tilespmem:$0x2B0]  }
0x8b: {  	v16 =	vld [tilespmem:$0x2C0]  }
0x8c: {  	v17 =	vld [tilespmem:$0x2D0];
	vm12 =	vgt.s32 v12, $0x0  }
0x8d: {  	v18 =	vld [tilespmem:$0x2E0];
	vm13 =	vgt.s32 v13, $0x0;
	v0 =	vnsel vm12, $0x0, v12  }
0x8e: {  	v19 =	vld [tilespmem:$0x2F0];
	vm14 =	vgt.s32 v14, $0x0;
	v1 =	vnsel vm13, $0x0, v13;
	v0 =	vmin.u32 v0, $0x28  }
0x8f: {  	v22 =	vld [tilespmem:$0x300];
	vm15 =	vgt.s32 v15, $0x0;
	v21 =	vnsel vm14, $0x0, v14;
	v20 =	vmin.u32 v1, $0x28;
	[tilespmem:$0x280] =	vst v0  }
0x90: {  	v25 =	vld [tilespmem:$0x310];
	vm4 =	vgt.s32 v16, $0x0;
	v24 =	vnsel vm15, $0x0, v15;
	v23 =	vmin.u32 v21, $0x28;
	[tilespmem:$0x290] =	vst v20  }
0x91: {  	v28 =	vld [tilespmem:$0x320];
	vm5 =	vgt.s32 v17, $0x0;
	v27 =	vnsel vm4, $0x0, v16;
	v26 =	vmin.u32 v24, $0x28;
	[tilespmem:$0x2A0] =	vst v23  }
0x92: {  	v31 =	vld [tilespmem:$0x330];
	vm6 =	vgt.s32 v18, $0x0;
	v30 =	vnsel vm5, $0x0, v17;
	v29 =	vmin.u32 v27, $0x28;
	[tilespmem:$0x2B0] =	vst v26  }
0x93: {  	v34 =	vld [tilespmem:$0x340];
	vm7 =	vgt.s32 v19, $0x0;
	v33 =	vnsel vm6, $0x0, v18;
	v32 =	vmin.u32 v30, $0x28;
	[tilespmem:$0x2C0] =	vst v29  }
0x94: {  	v37 =	vld [tilespmem:$0x350];
	vm8 =	vgt.s32 v22, $0x0;
	v36 =	vnsel vm7, $0x0, v19;
	v35 =	vmin.u32 v33, $0x28;
	[tilespmem:$0x2D0] =	vst v32  }
0x95: {  	v40 =	vld [tilespmem:$0x360];
	vm9 =	vgt.s32 v25, $0x0;
	v39 =	vnsel vm8, $0x0, v22;
	v38 =	vmin.u32 v36, $0x28;
	[tilespmem:$0x2E0] =	vst v35  }
0x96: {  	v43 =	vld [tilespmem:$0x370];
	vm10 =	vgt.s32 v28, $0x0;
	v42 =	vnsel vm9, $0x0, v25;
	v41 =	vmin.u32 v39, $0x28;
	[tilespmem:$0x2F0] =	vst v38  }
0x97: {  	v46 =	vld [tilespmem:$0x380];
	vm11 =	vgt.s32 v31, $0x0;
	v45 =	vnsel vm10, $0x0, v28;
	v44 =	vmin.u32 v42, $0x28;
	[tilespmem:$0x300] =	vst v41  }
0x98: {  	v49 =	vld [tilespmem:$0x390];
	v48 =	vnsel vm11, $0x0, v31;
	vm12 =	vgt.s32 v34, $0x0;
	v47 =	vmin.u32 v45, $0x28;
	[tilespmem:$0x310] =	vst v44  }
0x99: {  	v52 =	vld [tilespmem:$0x3A0];
	vm13 =	vgt.s32 v37, $0x0;
	v50 =	vmin.u32 v48, $0x28;
	v51 =	vnsel vm12, $0x0, v34;
	[tilespmem:$0x320] =	vst v47  }
0x9a: {  	v55 =	vld [tilespmem:$0x3B0];
	vm14 =	vgt.s32 v40, $0x0;
	v54 =	vnsel vm13, $0x0, v37;
	[tilespmem:$0x330] =	vst v50;
	v53 =	vmin.u32 v51, $0x28  }
0x9b: {  	vm15 =	vgt.s32 v43, $0x0;
	v57 =	vnsel vm14, $0x0, v40;
	v56 =	vmin.u32 v54, $0x28;
	[tilespmem:$0x340] =	vst v53  }
0x9c: {  	vm4 =	vgt.s32 v46, $0x0;
	v59 =	vnsel vm15, $0x0, v43;
	v58 =	vmin.u32 v57, $0x28;
	[tilespmem:$0x350] =	vst v56  }
0x9d: {  	vm5 =	vgt.s32 v49, $0x0;
	v61 =	vnsel vm4, $0x0, v46;
	v60 =	vmin.u32 v59, $0x28;
	[tilespmem:$0x360] =	vst v58  }
0x9e: {  	vm6 =	vgt.s32 v52, $0x0;
	v63 =	vnsel vm5, $0x0, v49;
	v62 =	vmin.u32 v61, $0x28;
	[tilespmem:$0x370] =	vst v60  }
0x9f: {  	vm7 =	vgt.s32 v55, $0x0;
	v5 =	vnsel vm6, $0x0, v52;
	v4 =	vmin.u32 v63, $0x28;
	[tilespmem:$0x380] =	vst v62  }
0xa0: {  	v7 =	vnsel vm7, $0x0, v55;
	v6 =	vmin.u32 v5, $0x28;
	[tilespmem:$0x390] =	vst v4  }
0xa1: {  	v8 =	vmin.u32 v7, $0x28;
	[tilespmem:$0x3A0] =	vst v6  }
0xa2: {  	s5 =	simm.s32 @!p1 $0x5;
	[tilespmem:$0x3B0] =	vst v8  }
0xa3: {  	_ =	swait.ge @!p1 [sflag:s5], $0x5000  }
0xa4: {  	[sflag:s5] =	ssyncset.done @!p1 $0x0  }
0xa5: {  	[sflag:s5] =	ssyncadd.s32 @!p1 $0xFFFFB000  }
0xa6: {  	[tilespmem:s23], [sflag:$0x2] =	stream.indirect.gather [spmem:s1], $0x40, s19, s16, $0xb8;
	[tilespmem:$0x145A8] =	vst v63  }
0xa7: {  	_ =	swait.ge [sflag:s21], $0x5000  }
0xa8: {  	[sflag:s21] =	ssyncset.done $0x0  }
0xa9: {  	[sflag:s21] =	ssyncadd.s32 $0xFFFFB000  }
0xaa: {  	[hbm4b:s9+s2] =	stream.linear.scatter [tilespmem:s20], [sflag:$0x4], $0x5000, $0x38;
	[tilespmem:$0x145A8] =	vst v63  }
0xab: {  	_ =	swait.ge [sflag:s17], $0x140  }
0xac: {  	p2 =	seq.s32 s6, $0x3160;
	[sflag:s17] =	ssyncset.done $0x0  }
0xad: {  	s3 =	simm.s32 @!p2 $0x0;
	s5 =	sadd.s32 @!p2 s6, s8;
	[sflag:s17] =	ssyncadd.s32 $0xFFFFFEC0  }
0xae: {  	[tilespmem:s3], [sflag:$0x1] =	stream.linear.gather @!p2 [hbm4b:s5+s3], $0x140, $0x38;
	[tilespmem:$0x145A8] =	vst v63  }
0xaf: {  	v9 =	vld [tilespmem:$0x3C0]  }
0xb0: {  	v10 =	vld [tilespmem:$0x3D0]  }
0xb1: {  	v11 =	vld [tilespmem:$0x3E0]  }
0xb2: {  	v12 =	vld [tilespmem:$0x3F0]  }
0xb3: {  	v13 =	vld [tilespmem:$0x400]  }
0xb4: {  	v14 =	vld [tilespmem:$0x410];
	vm8 =	vgt.s32 v9, $0x0  }
0xb5: {  	v15 =	vld [tilespmem:$0x420];
	vm9 =	vgt.s32 v10, $0x0;
	v0 =	vnsel vm8, $0x0, v9  }
0xb6: {  	v16 =	vld [tilespmem:$0x430];
	vm10 =	vgt.s32 v11, $0x0;
	v1 =	vnsel vm9, $0x0, v10;
	v0 =	vmin.u32 v0, $0x28  }
0xb7: {  	v19 =	vld [tilespmem:$0x440];
	vm11 =	vgt.s32 v12, $0x0;
	v18 =	vnsel vm10, $0x0, v11;
	v17 =	vmin.u32 v1, $0x28;
	[tilespmem:$0x3C0] =	vst v0  }
0xb8: {  	v22 =	vld [tilespmem:$0x450];
	vm12 =	vgt.s32 v13, $0x0;
	v21 =	vnsel vm11, $0x0, v12;
	v20 =	vmin.u32 v18, $0x28;
	[tilespmem:$0x3D0] =	vst v17  }
0xb9: {  	v25 =	vld [tilespmem:$0x460];
	vm13 =	vgt.s32 v14, $0x0;
	v24 =	vnsel vm12, $0x0, v13;
	v23 =	vmin.u32 v21, $0x28;
	[tilespmem:$0x3E0] =	vst v20  }
0xba: {  	v28 =	vld [tilespmem:$0x470];
	vm14 =	vgt.s32 v15, $0x0;
	v27 =	vnsel vm13, $0x0, v14;
	v26 =	vmin.u32 v24, $0x28;
	[tilespmem:$0x3F0] =	vst v23  }
0xbb: {  	v31 =	vld [tilespmem:$0x480];
	vm15 =	vgt.s32 v16, $0x0;
	v30 =	vnsel vm14, $0x0, v15;
	v29 =	vmin.u32 v27, $0x28;
	[tilespmem:$0x400] =	vst v26  }
0xbc: {  	v34 =	vld [tilespmem:$0x490];
	vm4 =	vgt.s32 v19, $0x0;
	v33 =	vnsel vm15, $0x0, v16;
	v32 =	vmin.u32 v30, $0x28;
	[tilespmem:$0x410] =	vst v29  }
0xbd: {  	v37 =	vld [tilespmem:$0x4A0];
	vm5 =	vgt.s32 v22, $0x0;
	v36 =	vnsel vm4, $0x0, v19;
	v35 =	vmin.u32 v33, $0x28;
	[tilespmem:$0x420] =	vst v32  }
0xbe: {  	v40 =	vld [tilespmem:$0x4B0];
	vm6 =	vgt.s32 v25, $0x0;
	v39 =	vnsel vm5, $0x0, v22;
	v38 =	vmin.u32 v36, $0x28;
	[tilespmem:$0x430] =	vst v35  }
0xbf: {  	v43 =	vld [tilespmem:$0x4C0];
	vm7 =	vgt.s32 v28, $0x0;
	v42 =	vnsel vm6, $0x0, v25;
	v41 =	vmin.u32 v39, $0x28;
	[tilespmem:$0x440] =	vst v38  }
0xc0: {  	v46 =	vld [tilespmem:$0x4D0];
	v45 =	vnsel vm7, $0x0, v28;
	vm8 =	vgt.s32 v31, $0x0;
	v44 =	vmin.u32 v42, $0x28;
	[tilespmem:$0x450] =	vst v41  }
0xc1: {  	v49 =	vld [tilespmem:$0x4E0];
	vm9 =	vgt.s32 v34, $0x0;
	v47 =	vmin.u32 v45, $0x28;
	v48 =	vnsel vm8, $0x0, v31;
	[tilespmem:$0x460] =	vst v44  }
0xc2: {  	v52 =	vld [tilespmem:$0x4F0];
	vm10 =	vgt.s32 v37, $0x0;
	v51 =	vnsel vm9, $0x0, v34;
	[tilespmem:$0x470] =	vst v47;
	v50 =	vmin.u32 v48, $0x28  }
0xc3: {  	vm11 =	vgt.s32 v40, $0x0;
	v54 =	vnsel vm10, $0x0, v37;
	v53 =	vmin.u32 v51, $0x28;
	[tilespmem:$0x480] =	vst v50  }
0xc4: {  	vm12 =	vgt.s32 v43, $0x0;
	v56 =	vnsel vm11, $0x0, v40;
	v55 =	vmin.u32 v54, $0x28;
	[tilespmem:$0x490] =	vst v53  }
0xc5: {  	vm13 =	vgt.s32 v46, $0x0;
	v58 =	vnsel vm12, $0x0, v43;
	v57 =	vmin.u32 v56, $0x28;
	[tilespmem:$0x4A0] =	vst v55  }
0xc6: {  	vm14 =	vgt.s32 v49, $0x0;
	v60 =	vnsel vm13, $0x0, v46;
	v59 =	vmin.u32 v58, $0x28;
	[tilespmem:$0x4B0] =	vst v57  }
0xc7: {  	vm15 =	vgt.s32 v52, $0x0;
	v62 =	vnsel vm14, $0x0, v49;
	v61 =	vmin.u32 v60, $0x28;
	[tilespmem:$0x4C0] =	vst v59  }
0xc8: {  	v63 =	vnsel vm15, $0x0, v52;
	v1 =	vmin.u32 v62, $0x28;
	[tilespmem:$0x4D0] =	vst v61  }
0xc9: {  	v0 =	vmin.u32 v63, $0x28;
	[tilespmem:$0x4E0] =	vst v1  }
0xca: {  	s3 =	simm.s32 @!p1 $0x6;
	[tilespmem:$0x4F0] =	vst v0  }
0xcb: {  	_ =	swait.ge @!p1 [sflag:s3], $0x5000  }
0xcc: {  	[sflag:s3] =	ssyncset.done @!p1 $0x0  }
0xcd: {  	[sflag:s3] =	ssyncadd.s32 @!p1 $0xFFFFB000  }
0xce: {  	[tilespmem:s24], [sflag:$0x2] =	stream.indirect.gather [spmem:s1], $0x40, s22, s16, $0xb8;
	[tilespmem:$0x145A8] =	vst v63  }
.Ltmp4:
0xcf: {  	_ = 	snop;
	(pc) =	sbr.rel @p2 .LBB2_4-.Ltmp4, $4  }
0xd0: {  	_ =	swait.ge [sflag:s21], $0x5000  }
0xd1: {  	[sflag:s21] =	ssyncset.done $0x0  }
0xd2: {  	[sflag:s21] =	ssyncadd.s32 $0xFFFFB000  }
0xd3: {  	[hbm4b:s12+s2] =	stream.linear.scatter [tilespmem:s23], [sflag:$0x5], $0x5000, $0x38;
	[tilespmem:$0x145A8] =	vst v63  }
0xd4: {  	_ =	swait.ge [sflag:s17], $0x140  }
0xd5: {  	[sflag:s17] =	ssyncset.done $0x0  }
0xd6: {  	s3 =	sadd.s32 s6, s7;
	[sflag:s17] =	ssyncadd.s32 $0xFFFFFEC0  }
0xd7: {  	[tilespmem:s16], [sflag:$0x1] =	stream.linear.gather [hbm4b:s3+s2], $0x140, $0x38;
	[tilespmem:$0x145A8] =	vst v63  }
0xd8: {  	v0 =	vld [tilespmem:$0x0]  }
0xd9: {  	v1 =	vld [tilespmem:$0x10]  }
0xda: {  	v2 =	vld [tilespmem:$0x20]  }
0xdb: {  	v3 =	vld [tilespmem:$0x30]  }
0xdc: {  	v4 =	vld [tilespmem:$0x40]  }
0xdd: {  	v5 =	vld [tilespmem:$0x50];
	vm0 =	vgt.s32 v0, $0x0  }
0xde: {  	v6 =	vld [tilespmem:$0x60];
	vm9 =	vgt.s32 v1, $0x0;
	v0 =	vnsel vm0, $0x0, v0  }
0xdf: {  	v7 =	vld [tilespmem:$0x70];
	vm10 =	vgt.s32 v2, $0x0;
	v1 =	vnsel vm9, $0x0, v1;
	v0 =	vmin.u32 v0, $0x28  }
0xe0: {  	v19 =	vld [tilespmem:$0x80];
	vm11 =	vgt.s32 v3, $0x0;
	v18 =	vnsel vm10, $0x0, v2;
	v17 =	vmin.u32 v1, $0x28;
	[tilespmem:$0x0] =	vst v0  }
0xe1: {  	v22 =	vld [tilespmem:$0x90];
	vm12 =	vgt.s32 v4, $0x0;
	v21 =	vnsel vm11, $0x0, v3;
	v20 =	vmin.u32 v18, $0x28;
	[tilespmem:$0x10] =	vst v17  }
0xe2: {  	v25 =	vld [tilespmem:$0xA0];
	vm13 =	vgt.s32 v5, $0x0;
	v24 =	vnsel vm12, $0x0, v4;
	v23 =	vmin.u32 v21, $0x28;
	[tilespmem:$0x20] =	vst v20  }
0xe3: {  	v28 =	vld [tilespmem:$0xB0];
	vm14 =	vgt.s32 v6, $0x0;
	v27 =	vnsel vm13, $0x0, v5;
	v26 =	vmin.u32 v24, $0x28;
	[tilespmem:$0x30] =	vst v23  }
0xe4: {  	v31 =	vld [tilespmem:$0xC0];
	vm15 =	vgt.s32 v7, $0x0;
	v30 =	vnsel vm14, $0x0, v6;
	v29 =	vmin.u32 v27, $0x28;
	[tilespmem:$0x40] =	vst v26  }
0xe5: {  	v34 =	vld [tilespmem:$0xD0];
	vm4 =	vgt.s32 v19, $0x0;
	v33 =	vnsel vm15, $0x0, v7;
	v32 =	vmin.u32 v30, $0x28;
	[tilespmem:$0x50] =	vst v29  }
0xe6: {  	v37 =	vld [tilespmem:$0xE0];
	vm5 =	vgt.s32 v22, $0x0;
	v36 =	vnsel vm4, $0x0, v19;
	v35 =	vmin.u32 v33, $0x28;
	[tilespmem:$0x60] =	vst v32  }
0xe7: {  	v40 =	vld [tilespmem:$0xF0];
	vm6 =	vgt.s32 v25, $0x0;
	v39 =	vnsel vm5, $0x0, v22;
	v38 =	vmin.u32 v36, $0x28;
	[tilespmem:$0x70] =	vst v35  }
0xe8: {  	v43 =	vld [tilespmem:$0x100];
	vm7 =	vgt.s32 v28, $0x0;
	v42 =	vnsel vm6, $0x0, v25;
	v41 =	vmin.u32 v39, $0x28;
	[tilespmem:$0x80] =	vst v38  }
0xe9: {  	v46 =	vld [tilespmem:$0x110];
	vm8 =	vgt.s32 v31, $0x0;
	v45 =	vnsel vm7, $0x0, v28;
	v44 =	vmin.u32 v42, $0x28;
	[tilespmem:$0x90] =	vst v41  }
0xea: {  	v49 =	vld [tilespmem:$0x120];
	v48 =	vnsel vm8, $0x0, v31;
	vm9 =	vgt.s32 v34, $0x0;
	v47 =	vmin.u32 v45, $0x28;
	[tilespmem:$0xA0] =	vst v44  }
0xeb: {  	v52 =	vld [tilespmem:$0x130];
	vm10 =	vgt.s32 v37, $0x0;
	v50 =	vmin.u32 v48, $0x28;
	v51 =	vnsel vm9, $0x0, v34;
	[tilespmem:$0xB0] =	vst v47  }
0xec: {  	vm11 =	vgt.s32 v40, $0x0;
	v54 =	vnsel vm10, $0x0, v37;
	[tilespmem:$0xC0] =	vst v50;
	v53 =	vmin.u32 v51, $0x28  }
0xed: {  	vm12 =	vgt.s32 v43, $0x0;
	v56 =	vnsel vm11, $0x0, v40;
	v55 =	vmin.u32 v54, $0x28;
	[tilespmem:$0xD0] =	vst v53  }
0xee: {  	vm13 =	vgt.s32 v46, $0x0;
	v58 =	vnsel vm12, $0x0, v43;
	v57 =	vmin.u32 v56, $0x28;
	[tilespmem:$0xE0] =	vst v55  }
0xef: {  	vm14 =	vgt.s32 v49, $0x0;
	v60 =	vnsel vm13, $0x0, v46;
	v59 =	vmin.u32 v58, $0x28;
	[tilespmem:$0xF0] =	vst v57  }
0xf0: {  	vm15 =	vgt.s32 v52, $0x0;
	v62 =	vnsel vm14, $0x0, v49;
	v61 =	vmin.u32 v60, $0x28;
	[tilespmem:$0x100] =	vst v59  }
0xf1: {  	v63 =	vnsel vm15, $0x0, v52;
	v1 =	vmin.u32 v62, $0x28;
	[tilespmem:$0x110] =	vst v61  }
0xf2: {  	v0 =	vmin.u32 v63, $0x28;
	[tilespmem:$0x120] =	vst v1  }
.Ltmp5:
0xf3: {  	[tilespmem:$0x130] =	vst v0;
	(pc) =	sbr.rel .LBB2_4-.Ltmp5, $4  }
0xf4: {  	_ =	swait.ge [sflag:s25], $0x5000  }
0xf5: {  	[sflag:s25] =	ssyncset.done $0x0  }
0xf6: {  	[sflag:s25] =	ssyncadd.s32 $0xFFFFB000  }
0xf7: {  	[tilespmem:s18], [sflag:$0x2] =	stream.indirect.gather [spmem:s1], $0x40, s2, s16, $0xb8;
	[tilespmem:$0x145A8] =	vst v63  }
.LBB2_6:
0xf8: {  	_ =	sfence.sel $0x180000  }
0xf9: {  	[bflag:$0x0] =	sbarrier.arrive $0xFFFF  }
0xfa: {  	_ =	strace $0x90000047  }
0xfb: {  	[bflag:$0x2] =	sbarrier.arrive $0xFFFF  }
0xfc: {  	s0 =	rddreg [dreg:$0x3]  }
0xfd: {  	s0 =	sadd.s32 @!p0 $0x100000, s0  }
0xfe: {  	[sflag:s0] =	ssyncadd.tile.s32 @!p0 $0x1;
	_ =	shalt  }
.Lfunc_end2:
_tile_overlayer_lowered:
.L_overlay_start_2:
0xff: {  	(tag) =	ssettag $0x2  }
0x100: {  	s0 =	rddreg [dreg:$0x0];
	s2 =	stileid.u32  }
0x101: {  	s1 =	rddreg [dreg:$0x1];
	p0 =	sne.s32 s2, $0x0  }
0x102: {  	s3 =	rddreg [dreg:$0x2];
	[bflag:$0x3] =	sbarrier.arrive $0xFFFF;
	s2 =	simm.s32 @!p0 $0x1C07  }
0x103: {  	[timem:s3], [sflag:s2] =	dma.local @!p0 [hbm:s0], s1  }
0x104: {  	s0 =	simm.s32 @!p0 $0x7  }
0x105: {  	_ =	swait.ge @!p0 [sflag:s0], s1  }
0x106: {  	s1 =	ssub.s32 @!p0 $0x0, s1;
	[sflag:s0] =	ssyncset.done @!p0 $0x0  }
0x107: {  	[sflag:s0] =	ssyncadd.s32 @!p0 s1  }
0x108: {  	[bflag:$0x3] =	sbarrier.arrive $0xFFFF  }
0x109: {  	_ =	shalt  }

// kernel: sparse-core-data-format-call.cloned.1.call-start
scs
called_computation_lowered:
.L_overlay_start_0:
0x0: {  	s2 =	sld [smem:$0x3FD9]  }
0x1: {  	s3 =	sld [smem:$0x3FFE];
	_ =	sdelay $0x1  }
0x2: {  	s1 =	srdreg.scid  }
0x3: {  	s0 =	sand.u32 $0x1, s1  }
0x4: {  	s18 =	sshll.u32 s0, $0xA;
	s2 =	sadd.s32 s3, s2  }
0x5: {  	s2 =	sadd.s32 s2, s18  }
0x6: {  	[smem:$0x3FC6] =	sst s2  }
0x7: {  	_ = 	snop  }
0x8: {  	s2 =	sld [smem:$0x3FD0];
	(tm) =	ssettm $0x1  }
0x9: {  	s19 =	sld [smem:$0x3FFB];
	_ =	sdelay $0x3  }
0xa: {  	_ =	strace s19  }
0xb: {  	s3 =	sld [smem:$0x3FFC];
	_ =	sdelay $0x3  }
0xc: {  	_ =	strace s3  }
0xd: {  	s3 =	sld [smem:$0x3FFD];
	_ =	sdelay $0x3  }
0xe: {  	_ =	strace s3  }
0xf: {  	_ =	strace $0x8FFFFFFF  }
0x10: {  	s20 =	sld [smem:$0x3FDB];
	_ =	sdelay $0x1  }
0x11: {  	s4 =	simm.s32 $_scs_section_size  }
0x12: {  	s5 =	simm.s32 $_size__tile_overlayer_lowered;
	s6 =	simm.s32 $_tile_overlayer_lowered  }
0x13: {  	s23 =	simm.s32 $0x1BFF;
	s22 =	sshll.u32 s6, $0x1;
	s3 =	sadd.s32 s4, s20  }
0x14: {  	s7 =	simm.s32 $0x0;
	s21 =	sshll.u32 s5, $0x1;
	s5 =	sadd.s32 s22, s3  }
0x15: {  	[timem:s7], [sflag:s23] =	dma.local [hbm:s5], s21  }
0x16: {  	_ =	swait.ge [sflag:s23], s21  }
0x17: {  	s4 =	ssub.s32 $0x0, s21;
	[sflag:s23] =	ssyncset.done $0x0  }
0x18: {  	[sflag:s23] =	ssyncadd.s32 s4;
	_ =	sdelay $0x1  }
0x19: {  	s24 =	simm.s32 $0x1B8B  }
0x1a: {  	_ =	swait.ge [sflag:s24], $0x1  }
0x1b: {  	[sflag:s24] =	ssyncset.done $0x0  }
0x1c: {  	s26 =	simm.s32 $0x1B8E;
	s25 =	sld [smem:$0x3FFE];
	[sflag:s24] =	ssyncadd.s32 $0xFFFFFFFF  }
0x1d: {  	s27 =	simm.s32 $execute0_lowered;
	[smem:$0x3FD2] =	sst s26  }
0x1e: {  	s5 =	sshll.u32 s27, $0x1;
	_ =	strace $0x80000049;
	[dreg:$0x1] =	wrdreg $0xFFFFFFFF  }
0x1f: {  	s28 =	simm.s32 $_size_execute0_lowered;
	s3 =	sadd.s32 s3, s5;
	[dreg:$0x0] =	wrdreg $0x0  }
0x20: {  	s5 =	sshll.u32 s28, $0x1;
	[dreg:$0x2] =	wrdreg s3  }
0x21: {  	[dreg:$0x3] =	wrdreg s5  }
0x22: {  	[dreg:$0x4] =	wrdreg $0xC0  }
0x23: {  	_ =	task [dreg:s7], $0x5FFFF  }
0x24: {  	[dreg:$0x1] =	wrdreg $0xFFFFFFFF  }
0x25: {  	[dreg:$0x0] =	wrdreg $0x60  }
0x26: {  	[dreg:$0x2] =	wrdreg s25  }
0x27: {  	[dreg:$0x3] =	wrdreg s2  }
0x28: {  	[dreg:$0x4] =	wrdreg $0x9  }
0x29: {  	_ =	task.clear_ibuf [dreg:s7], $0x5FFFF;
	_ =	strace $0x90000049  }
0x2a: {  	s29 =	simm.s32 $0x9;
	_ =	strace $0x8000004B  }
0x2b: {  	_ =	swait.ge [sflag:s29], $0x1  }
0x2c: {  	[sflag:s29] =	ssyncadd.s32 $0xFFFFFFFF  }
0x2d: {  	_ =	strace $0x9000004B  }
0x2e: {  	_ =	sfence  }
0x2f: {  	s30 =	sld [smem:$0x0];
	_ =	sdelay $0x2  }
0x30: {  	s31 =	sshll.u32 s1, $0xD;
	s1 =	sshrl.u32 s1, $0x2  }
0x31: {  	s3 =	sand.u32 $0x4000, s31;
	s1 =	sadd.s32 s1, s30  }
0x32: {  	s0 =	sor.u32 s3, s0;
	s1 =	sshll.u32 s1, $0x11  }
0x33: {  	s0 =	sor.u32 s1, s0  }
0x34: {  	s0 =	sadd.s32 $0x8F2B, s0  }
0x35: {  	[sflag:s0] =	ssyncadd.remote.s32 $0x1  }
0x36: {  	_ =	sfence.sel $0xFFFF  }
0x37: {  	[dreg:$0x0] =	wrdreg $0xFFFFFFFF;
	(pc) =	sbr.abs _section_cstart, $3  }
0x38: {  	[dreg:$0x1] =	wrdreg $0xFFFFFFFF  }
0x39: {  	_ =	task.clear_ibuf [dreg:s7], $0x2FFFF;
	_ =	strace $0x9FFFFFFF  }
0x3a: {  	(tm) =	ssettm $0x7FFFFFFF  }
0x3b: {  	_ =	shalt  }
tec
execute0_lowered:
.L_overlay_start_1:
0x0: {  	(tag) =	ssettag $0x1  }
0x1: {  	s0 =	srdreg.scid  }
0x2: {  	s1 =	sshll.u32 s0, $0x4  }
0x3: {  	s0 =	stileid.u32;
	s1 =	sand.u32 $0x10, s1  }
0x4: {  	s1 =	sor.u32 s0, s1  }
0x5: {  	s6 =	rddreg [dreg:$0x0];
	s4 =	simm.s32 $0x1;
	s2 =	sshll.u32 s1, $0x7  }
0x6: {  	s7 =	simm.s32 $0x2;
	s12 =	simm.s32 $0x0;
	s1 =	ssub.s32 $0x4000, s2  }
0x7: {  	s8 =	simm.s32 $0x20000;
	s13 =	simm.s32 $0x0;
	s3 =	sand.u32 $0xF80, s1  }
0x8: {  	s9 =	simm.s32 $0x0;
	s5 =	sshrl.u32 s1, $0xC;
	p0 =	sne.s32 s3, $0x0  }
.Ltmp0:
0x9: {  	s1 =	rddreg [dreg:$0x2];
	s4 =	simm.s32 @!p0 $0x0;
	(pc) =	sbr.rel .LBB1_1-.Ltmp0, $4  }
0xa: {  	s11 =	simm.s32 $0x0;
	s3 =	rddreg [dreg:$0x1];
	s5 =	sadd.s32 s4, s5  }
0xb: {  	_ =	strace $0x8000004A;
	s4 =	simm.s32 $0x1;
	s5 =	smul.u32 $0xC8, s5  }
0xc: {  	s6 =	sadd.s32 $0x800, s6;
	s10 =	smov.u32 s2;
	[sflag:s4] =	ssyncpa.u1 $0x0  }
0xd: {  	p0 =	por $0x0, $0x0;
	[sflag:s7] =	ssyncpa.u1 $0x0;
	s7 =	sor.u32 $0x1, s5  }
.LBB1_4:
0xe: {  	s16 =	sshll.u32 s13, $0x3;
	s17 =	sand.u32 $0x78, s13  }
0xf: {  	s30 =	sand.u32 $0x1F800, s13;
	s12 =	sshll.u32 s12, $0x11;
	s16 =	sand.u32 $0x3C00, s16  }
0x10: {  	[tilespmem:s15+$0x810 ss:$0x81] =	vst.msk $0xffff, v2;
	s31 =	sand.u32 $0x7, s13;
	s16 =	sor.u32 s17, s16;
	s17 =	sadd.s32 s3, s30  }
0x11: {  	[tilespmem:s15+$0x1020 ss:$0x81] =	vst.msk $0xffff, v0;
	s13 =	sshll.u32 s31, $0x12;
	s12 =	sadd.s32 s12, s17;
	s16 =	sshrl.u32 s16, $0x3  }
0x12: {  	[tilespmem:s15+$0x0 ss:$0x81] =	vst.msk $0xffff, v1;
	s13 =	sor.u32 $0x400, s13;
	s12 =	sadd.s32 s16, s12  }
0x13: {  	[hbm4b:s12+s13] =	stream.strided.scatter [tilespmem:s14], [sflag:$0x2], $0x2000, s8, s13, $0x20;
	[tilespmem:$0x8080] =	vst v63  }
.LBB1_5:
0x14: {  	s14 =	sadd.s32 $0x1, s9  }
0x15: {  	s12 =	sadd.s32 $0x1000, s10;
	s16 =	smov.u32 s10;
	p2 =	sgt.s32 s14, $0xC7  }
0x16: {  	s16 =	smov.u32 @p2 s12  }
0x17: {  	s14 =	simm.s32 @p2 $0x0;
	p2 =	sgt.s32 s16, $0x3FFF  }
0x18: {  	s16 =	smov.u32 @p2 s2;
	p2 =	sne.s32 s11, s7  }
.Ltmp1:
0x19: {  	p1 =	slt.u32 s11, $0x2;
	(pc) =	sbr.rel @!p2 .LBB1_6-.Ltmp1, $4  }
0x1a: {  	s15 =	simm.s32 @!p1 $0x2  }
0x1b: {  	s13 =	smov.u32 s10;
	p0 =	por !p0, !p0;
	_ =	swait.ge @!p1 [sflag:s15], $0x2000  }
0x1c: {  	s12 =	smov.u32 s9;
	[sflag:s15] =	ssyncset.done @!p1 $0x0;
	s9 =	smov.u32 s14  }
0x1d: {  	s11 =	sadd.s32 $0x1, s11;
	[sflag:s15] =	ssyncadd.s32 @!p1 $0xFFFFE000;
	s10 =	smov.u32 s16  }
.LBB1_1:
0x1e: {  	p1 =	sge.u32 s11, s5  }
0x1f: {  	s14 =	sand.u32 @!p1 $0x1FFFFFF, s9  }
0x20: {  	s15 =	smulhi.u32 @!p1 $0x147AE15, s14;
	_ =	sdelay $0x1  }
0x21: {  	s15 =	smul.u32 @!p1 $0xC8, s15  }
0x22: {  	s16 =	sxor.u32 @!p1 $0xFFFFFFFF, s11;
	s17 =	smul.u32 @!p1 $0xC80, s10  }
0x23: {  	s31 =	sadd.s32 $0xFFFFFFFF, s11;
	s16 =	sshll.u32 @!p1 s16, $0xD;
	s14 =	ssub.s32 @!p1 s14, s15  }
0x24: {  	s15 =	sand.u32 @!p1 $0x2000, s16;
	s16 =	sadd.s32 @!p1 s6, s17;
	s14 =	sshll.u32 @!p1 s14, $0x4  }
0x25: {  	s17 =	simm.s32 @!p1 $0x6400;
	s14 =	sadd.s32 @!p1 s14, s16;
	s16 =	simm.s32 @!p1 $0x40  }
0x26: {  	[tilespmem:s15], [sflag:$0x1] =	stream.strided.gather @!p1 [hbm4b:s14+s16], $0x2000, s17, s16, $0x38;
	[tilespmem:$0x8080] =	vst v63  }
0x27: {  	p1 =	sge.u32 s31, s5  }
.Ltmp2:
0x28: {  	_ = 	snop;
	(pc) =	sbr.rel @p1 .LBB1_5-.Ltmp2, $1  }
0x29: {  	_ =	sdelay $0x3  }
0x2a: {  	s14 =	simm.s32 $0x1  }
0x2b: {  	_ =	swait.ge [sflag:s4], $0x2000;
	s14 =	simm.s32 @!p0 $0x0  }
0x2c: {  	[sflag:s4] =	ssyncset.done $0x0;
	s15 =	sshll.u32 s14, $0xD  }
0x2d: {  	[sflag:s4] =	ssyncadd.s32 $0xFFFFE000;
	s18 =	sor.u32 $0x20, s15  }
0x2e: {  	s14 =	smul.u32 $0x8100, s14;
	v3 =	vld [tilespmem:s18+$0x10]  }
0x2f: {  	s30 =	sand.u32 $0x1, s11;
	v2 =	vld [tilespmem:s18+$0xFFFFFFF0]  }
0x30: {  	s15 =	smul.u32 $0x8100, s30;
	s14 =	sshrl.u32 s14, $0x2;
	v0 =	vld [tilespmem:s18+$0x0]  }
0x31: {  	v1 =	vld [tilespmem:s18+$0xFFFFFFE0];
	s16 =	sor.u32 $0x4000, s14  }
0x32: {  	s31 =	sshrl.u32 s15, $0x2;
	s15 =	sadd.s32 $0x0, s16  }
0x33: {  	s17 =	simm.s32 $0x4;
	s18 =	sadd.s32 $0x40, s18;
	s14 =	sor.u32 $0x4000, s31;
	[tilespmem:s15+$0x1830 ss:$0x81] =	vst.msk $0xffff, v3  }
.LBB1_3:
0x34: {  	v3 =	vld [tilespmem:s18+$0x10];
	p1 =	sne.s32 s17, $0x1FC;
	[tilespmem:s15+$0x810 ss:$0x81] =	vst.msk $0xffff, v2;
	s19 =	smov.u32 s17;
	s17 =	sadd.s32 $0x4, s17  }
.Ltmp3:
0x35: {  	v2 =	vld [tilespmem:s18+$0xFFFFFFF0];
	[tilespmem:s15+$0x1020 ss:$0x81] =	vst.msk $0xffff, v0;
	(pc) =	sbr.rel @p1 .LBB1_3-.Ltmp3, $4  }
0x36: {  	v0 =	vld [tilespmem:s18+$0x0];
	[tilespmem:s15+$0x0 ss:$0x81] =	vst.msk $0xffff, v1  }
0x37: {  	s15 =	sshra.s32 s19, $0x2;
	v1 =	vld [tilespmem:s18+$0xFFFFFFE0]  }
0x38: {  	s15 =	sadd.s32 s15, s16  }
0x39: {  	s18 =	sadd.s32 $0x40, s18;
	[tilespmem:s15+$0x1830 ss:$0x81] =	vst.msk $0xffff, v3  }
.Ltmp4:
0x3a: {  	_ = 	snop;
	(pc) =	sbr.rel .LBB1_4-.Ltmp4, $1  }
0x3b: {  	_ =	sdelay $0x3  }
.LBB1_6:
0x3c: {  	_ =	sfence.sel $0x180000  }
0x3d: {  	s2 =	simm.s32 $0x1;
	[bflag:$0x0] =	sbarrier.arrive $0xFFFF  }
0x3e: {  	s31 =	simm.s32 $0x2;
	[sflag:s2] =	ssyncpa.u1 $0x1  }
0x3f: {  	[sflag:s31] =	ssyncpa.u1 $0x1  }
0x40: {  	p0 =	sne.s32 s0, $0x0;
	_ =	strace $0x9000004A  }
0x41: {  	s0 =	sadd.s32 @!p0 $0x100000, s1;
	[bflag:$0x2] =	sbarrier.arrive $0xFFFF  }
0x42: {  	[sflag:s0] =	ssyncadd.tile.s32 @!p0 $0x1;
	_ =	shalt  }
.Lfunc_end1:
_tile_overlayer_lowered:
.L_overlay_start_2:
0x43: {  	(tag) =	ssettag $0x2  }
0x44: {  	s0 =	rddreg [dreg:$0x0];
	s2 =	stileid.u32  }
0x45: {  	s1 =	rddreg [dreg:$0x1];
	p0 =	sne.s32 s2, $0x0  }
0x46: {  	s3 =	rddreg [dreg:$0x2];
	[bflag:$0x3] =	sbarrier.arrive $0xFFFF;
	s2 =	simm.s32 @!p0 $0x1C01  }
0x47: {  	[timem:s3], [sflag:s2] =	dma.local @!p0 [hbm:s0], s1  }
0x48: {  	s0 =	simm.s32 @!p0 $0x1  }
0x49: {  	_ =	swait.ge @!p0 [sflag:s0], s1  }
0x4a: {  	s1 =	ssub.s32 @!p0 $0x0, s1;
	[sflag:s0] =	ssyncset.done @!p0 $0x0  }
0x4b: {  	[sflag:s0] =	ssyncadd.s32 @!p0 s1  }
0x4c: {  	[bflag:$0x3] =	sbarrier.arrive $0xFFFF  }
0x4d: {  	_ =	shalt  }

</sc_bundles>
